<compile_context>
chip_gen: v7x
topology: tpu7x:2x2x1
jax: 0.10.2.dev20260603
libtpu: 0.0.44.dev20260713+nightly
codegen_flags: <defaults>
</compile_context>

<pallas_src>
import functools

import jax
import jax.numpy as jnp
from jax import lax
from jax.experimental import pallas as pl
from jax.experimental.pallas import tpu as pltpu
from jax.experimental.pallas import tpu_sc as plsc

R = 128
V = 100000
L = 16
NC, NS = 2, 16
NW = NC * NS
RPW = R // NW
CE = 20000
NCH = V // CE
NVR = CE // L
NEG = -3.0e38

_mesh = plsc.VectorSubcoreMesh(core_axis_name="c", subcore_axis_name="s")


@functools.partial(
    pl.kernel,
    out_type=jax.ShapeDtypeStruct((NW, L), jnp.float32),
    mesh=_mesh,
    compiler_params=pltpu.CompilerParams(use_tc_tiling_on_sc=False,
                                          needs_layout_passes=False),
    scratch_types=[
        pltpu.VMEM((2, CE), jnp.float32),
        pltpu.VMEM((R,), jnp.int32),
        pltpu.VMEM((L,), jnp.float32),
        pltpu.VMEM((L,), jnp.float32),
        pltpu.SemaphoreType.DMA,
        pltpu.SemaphoreType.DMA,
    ],
)
def _dlr_topk(x_hbm, tgt_hbm, out_hbm, buf, tgt_v, tv_v, loss_v, sem0, sem1):
    wid = lax.axis_index("s") * NC + lax.axis_index("c")
    base = wid * RPW
    sems = (sem0, sem1)

    pltpu.sync_copy(tgt_hbm, tgt_v)

    lanes = lax.iota(jnp.int32, L)
    lossvec = jnp.zeros((L,), jnp.float32)

    total = RPW * NCH
    cps = {0: pltpu.async_copy(x_hbm.at[base, pl.ds(0, CE)], buf.at[0], sems[0])}

    m1 = m2 = m3 = None
    for k in range(total):
        r, ch = divmod(k, NCH)
        row = base + r
        if k + 1 < total:
            rn, chn = divmod(k + 1, NCH)
            cps[k + 1] = pltpu.async_copy(
                x_hbm.at[base + rn, pl.ds(chn * CE, CE)],
                buf.at[(k + 1) % 2], sems[(k + 1) % 2])
        cps[k].wait()
        b = k % 2

        if ch == 0:
            m1 = jnp.full((L,), NEG, jnp.float32)
            m2 = jnp.full((L,), NEG, jnp.float32)
            m3 = jnp.full((L,), NEG, jnp.float32)

        def body(i, carry, _b=b):
            a1, a2, a3 = carry
            v = buf[_b, pl.ds(i * L, L)]
            gt1 = v > a1
            gt2 = v > a2
            gt3 = v > a3
            n1 = jnp.where(gt1, v, a1)
            n2 = jnp.where(gt1, a1, jnp.where(gt2, v, a2))
            n3 = jnp.where(gt2, a2, jnp.where(gt3, v, a3))
            return n1, n2, n3

        m1, m2, m3 = lax.fori_loop(0, NVR, body, (m1, m2, m3))

        if ch == NCH - 1:
            t1 = jnp.max(m1)
            sel = lanes == plsc.all_reduce_ffs(m1 == t1)
            m1p = jnp.where(sel, m2, m1)
            m2p = jnp.where(sel, m3, m2)
            t2 = jnp.max(m1p)
            sel2 = lanes == plsc.all_reduce_ffs(m1p == t2)
            m1q = jnp.where(sel2, m2p, m1p)
            t3 = jnp.max(m1q)

            blk = (base // L) * L
            yv = tgt_v[pl.ds(blk, L)]
            y = jnp.max(jnp.where(lanes == row - blk, yv, 0))
            st = (y // L) * L
            pltpu.sync_copy(x_hbm.at[row, pl.ds(st, L)], tv_v)
            xv = jnp.max(jnp.where(lanes == y - st, tv_v[...], NEG))

            num = jnp.where(xv == t1, t2 - xv, t1 - xv)
            den = t1 - t3 + 1e-12
            ratio = jnp.broadcast_to(num, (L,)) / jnp.broadcast_to(den, (L,))
            lossvec = jnp.where(lanes == r, ratio, lossvec)

    loss_v[...] = lossvec
    pltpu.sync_copy(loss_v, out_hbm.at[wid])


def kernel(input, target):
    out = _dlr_topk(input, target)
    return jnp.sum(out) / R

# --- scband reference (transcript-rebuilt; emitter-appended) ---
"""Pipeline reference for scband-dlrloss-13967233647263 (READ-ONLY COPY).

The authoritative reference and input builder live on the scoring server;
editing this copy changes nothing except your own understanding.
"""

import jax, jax.numpy as jnp
import numpy as np


def setup_inputs(seed: int = 0) -> dict:
    key = jax.random.key(seed)
    k1, k2 = jax.random.split(key)
    inp = jax.random.normal(k1, (128, 100000), dtype=jnp.float32)
    target = jax.random.randint(k2, (128,), 0, 100000, dtype=jnp.int32)
    return {"input": inp, "target": target}


def reference(input, target):
    use_softmax = False
    if use_softmax:
        x = jax.nn.softmax(input, axis=1)
    else:
        x = input
    y = target
    x_sorted = jnp.sort(x, axis=1)
    ind_sorted = jnp.argsort(x, axis=1)
    ind = (ind_sorted[:, -1] == y).astype(jnp.float32)
    b = jnp.arange(x.shape[0])
    num = -(x[b, y] - x_sorted[:, -2] * ind - x_sorted[:, -1] * (1.0 - ind))
    den = x_sorted[:, -1] - x_sorted[:, -3] + 1e-12
    loss_indiv = num / den
    return loss_indiv.mean()

if __name__ == "__main__":
    import jax
    _d = setup_inputs()
    print(jax.jit(kernel)(*tuple(_d.values())))

</pallas_src>

<mosaic_0001>
#map = affine_map<(d0, d1) -> (0, 0)>
#map1 = affine_map<(d0, d1) -> (0)>
module attributes {stable_mosaic.version = 14 : i64} {
  func.func @_dlr_topk(%arg0: i32, %arg1: i32, %arg2: memref<128x100000xf32, #tpu.memory_space<hbm>>, %arg3: memref<128xi32, #tpu.memory_space<hbm>>, %arg4: memref<32x16xf32, #tpu.memory_space<hbm>>, %arg5: memref<2x20000xf32, #tpu.memory_space<vmem>>, %arg6: memref<128xi32, #tpu.memory_space<vmem>>, %arg7: memref<16xf32, #tpu.memory_space<vmem>>, %arg8: memref<16xf32, #tpu.memory_space<vmem>>, %arg9: memref<!tpu.dma_semaphore, #tpu.memory_space<semaphore_mem>>, %arg10: memref<!tpu.dma_semaphore, #tpu.memory_space<semaphore_mem>>) attributes {dimension_semantics = [#tpu.dimension_semantics<core_parallel>, #tpu.dimension_semantics<subcore_parallel>], iteration_bounds = array<i64: 2, 16>, scalar_prefetch = 0 : i64, scratch_operands = 6 : i64, tpu.core_type = #tpu.core_type<sc_vector_subcore>, window_params = [{transform_indices = #map}, {transform_indices = #map1}, {transform_indices = #map}]} {
    %mul3A = arith.constant 2 : i32
    %mul3A_0 = arith.muli %arg1, %mul3A : i32
    %add3A = arith.addi %mul3A_0, %arg0 : i32
    %mul3A_1 = arith.constant 4 : i32
    %mul3A_2 = arith.muli %add3A, %mul3A_1 : i32
    "tpu.region"() ({
      %run_scoped3A = tpu.sem_alloc : memref<!tpu.dma_semaphore, #tpu.memory_space<semaphore_mem>>
      tpu.enqueue_dma source(%arg3 : memref<128xi32, #tpu.memory_space<hbm>>) target(%arg6 : memref<128xi32, #tpu.memory_space<vmem>>) target_semaphore(%run_scoped3A : memref<!tpu.dma_semaphore, #tpu.memory_space<semaphore_mem>>)
      tpu.wait_dma2 semaphore(%run_scoped3A : memref<!tpu.dma_semaphore, #tpu.memory_space<semaphore_mem>>) src(%arg3 : memref<128xi32, #tpu.memory_space<hbm>>) dst(%arg6 : memref<128xi32, #tpu.memory_space<vmem>>)
      tpu.yield
    }) : () -> ()
    %iota3A = tpu.iota {dimensions = array<i32: 0>} : vector<16xi32>
    %broadcast_in_dim3A = arith.constant 0.000000e+00 : f32
    %broadcast_in_dim3A_3 = vector.broadcast %broadcast_in_dim3A : f32 to vector<16xf32>
    %dma_start3A = arith.constant 0 : i32
    %dma_start3A_4 = arith.constant 0 : i32
    %dma_start3A_5 = tpu.memref_slice %arg5[%dma_start3A, %dma_start3A_4] : memref<2x20000xf32, #tpu.memory_space<vmem>> -> memref<1x20000xf32, #tpu.memory_space<vmem>>
    %dma_start3A_6 = tpu.memref_squeeze %dma_start3A_5 : memref<1x20000xf32, #tpu.memory_space<vmem>> -> memref<20000xf32, #tpu.memory_space<vmem>>
    %dma_start3A_7 = arith.constant 0 : i32
    %dma_start3A_8 = tpu.memref_slice %arg2[%mul3A_2, %dma_start3A_7] : memref<128x100000xf32, #tpu.memory_space<hbm>> -> memref<1x20000xf32, #tpu.memory_space<hbm>>
    %dma_start3A_9 = tpu.memref_squeeze %dma_start3A_8 : memref<1x20000xf32, #tpu.memory_space<hbm>> -> memref<20000xf32, #tpu.memory_space<hbm>>
    %dma_start3A_10 = arith.constant 0 : i32
    %dma_start3A_11 = tpu.memref_slice %arg5[%dma_start3A, %dma_start3A_10] : memref<2x20000xf32, #tpu.memory_space<vmem>> -> memref<1x20000xf32, #tpu.memory_space<vmem>>
    %dma_start3A_12 = tpu.memref_squeeze %dma_start3A_11 : memref<1x20000xf32, #tpu.memory_space<vmem>> -> memref<20000xf32, #tpu.memory_space<vmem>>
    %dma_start3A_13 = arith.constant 0 : i32
    %dma_start3A_14 = tpu.memref_slice %arg2[%mul3A_2, %dma_start3A_13] : memref<128x100000xf32, #tpu.memory_space<hbm>> -> memref<1x20000xf32, #tpu.memory_space<hbm>>
    %dma_start3A_15 = tpu.memref_squeeze %dma_start3A_14 : memref<1x20000xf32, #tpu.memory_space<hbm>> -> memref<20000xf32, #tpu.memory_space<hbm>>
    tpu.enqueue_dma source(%dma_start3A_15 : memref<20000xf32, #tpu.memory_space<hbm>>) target(%dma_start3A_12 : memref<20000xf32, #tpu.memory_space<vmem>>) target_semaphore(%arg9 : memref<!tpu.dma_semaphore, #tpu.memory_space<semaphore_mem>>)
    %add3A_16 = arith.constant 0 : i32
    %add3A_17 = arith.addi %mul3A_2, %add3A_16 : i32
    %add3A_18 = arith.constant 0 : i32
    %add3A_19 = arith.addi %mul3A_2, %add3A_18 : i32
    %dma_start3A_20 = arith.constant 1 : i32
    %dma_start3A_21 = arith.constant 0 : i32
    %dma_start3A_22 = tpu.memref_slice %arg5[%dma_start3A_20, %dma_start3A_21] : memref<2x20000xf32, #tpu.memory_space<vmem>> -> memref<1x20000xf32, #tpu.memory_space<vmem>>
    %dma_start3A_23 = tpu.memref_squeeze %dma_start3A_22 : memref<1x20000xf32, #tpu.memory_space<vmem>> -> memref<20000xf32, #tpu.memory_space<vmem>>
    %dma_start3A_24 = arith.constant 20000 : i32
    %dma_start3A_25 = tpu.memref_slice %arg2[%add3A_19, %dma_start3A_24] : memref<128x100000xf32, #tpu.memory_space<hbm>> -> memref<1x20000xf32, #tpu.memory_space<hbm>>
    %dma_start3A_26 = tpu.memref_squeeze %dma_start3A_25 : memref<1x20000xf32, #tpu.memory_space<hbm>> -> memref<20000xf32, #tpu.memory_space<hbm>>
    %dma_start3A_27 = arith.constant 0 : i32
    %dma_start3A_28 = tpu.memref_slice %arg5[%dma_start3A_20, %dma_start3A_27] : memref<2x20000xf32, #tpu.memory_space<vmem>> -> memref<1x20000xf32, #tpu.memory_space<vmem>>
    %dma_start3A_29 = tpu.memref_squeeze %dma_start3A_28 : memref<1x20000xf32, #tpu.memory_space<vmem>> -> memref<20000xf32, #tpu.memory_space<vmem>>
    %dma_start3A_30 = arith.constant 20000 : i32
    %dma_start3A_31 = tpu.memref_slice %arg2[%add3A_19, %dma_start3A_30] : memref<128x100000xf32, #tpu.memory_space<hbm>> -> memref<1x20000xf32, #tpu.memory_space<hbm>>
    %dma_start3A_32 = tpu.memref_squeeze %dma_start3A_31 : memref<1x20000xf32, #tpu.memory_space<hbm>> -> memref<20000xf32, #tpu.memory_space<hbm>>
    tpu.enqueue_dma source(%dma_start3A_32 : memref<20000xf32, #tpu.memory_space<hbm>>) target(%dma_start3A_29 : memref<20000xf32, #tpu.memory_space<vmem>>) target_semaphore(%arg10 : memref<!tpu.dma_semaphore, #tpu.memory_space<semaphore_mem>>)
    %dma_wait3A = arith.constant 0 : i32
    %dma_wait3A_33 = arith.constant 0 : i32
    %dma_wait3A_34 = tpu.memref_slice %arg5[%dma_wait3A, %dma_wait3A_33] : memref<2x20000xf32, #tpu.memory_space<vmem>> -> memref<1x20000xf32, #tpu.memory_space<vmem>>
    %dma_wait3A_35 = tpu.memref_squeeze %dma_wait3A_34 : memref<1x20000xf32, #tpu.memory_space<vmem>> -> memref<20000xf32, #tpu.memory_space<vmem>>
    %dma_wait3A_36 = arith.constant 0 : i32
    %dma_wait3A_37 = tpu.memref_slice %arg2[%mul3A_2, %dma_wait3A_36] : memref<128x100000xf32, #tpu.memory_space<hbm>> -> memref<1x20000xf32, #tpu.memory_space<hbm>>
    %dma_wait3A_38 = tpu.memref_squeeze %dma_wait3A_37 : memref<1x20000xf32, #tpu.memory_space<hbm>> -> memref<20000xf32, #tpu.memory_space<hbm>>
    %dma_wait3A_39 = arith.constant 0 : i32
    %dma_wait3A_40 = tpu.memref_slice %arg5[%dma_wait3A, %dma_wait3A_39] : memref<2x20000xf32, #tpu.memory_space<vmem>> -> memref<1x20000xf32, #tpu.memory_space<vmem>>
    %dma_wait3A_41 = tpu.memref_squeeze %dma_wait3A_40 : memref<1x20000xf32, #tpu.memory_space<vmem>> -> memref<20000xf32, #tpu.memory_space<vmem>>
    %dma_wait3A_42 = arith.constant 0 : i32
    %dma_wait3A_43 = tpu.memref_slice %arg2[%mul3A_2, %dma_wait3A_42] : memref<128x100000xf32, #tpu.memory_space<hbm>> -> memref<1x20000xf32, #tpu.memory_space<hbm>>
    %dma_wait3A_44 = tpu.memref_squeeze %dma_wait3A_43 : memref<1x20000xf32, #tpu.memory_space<hbm>> -> memref<20000xf32, #tpu.memory_space<hbm>>
    tpu.wait_dma2 semaphore(%arg9 : memref<!tpu.dma_semaphore, #tpu.memory_space<semaphore_mem>>) src(%dma_wait3A_44 : memref<20000xf32, #tpu.memory_space<hbm>>) dst(%dma_wait3A_41 : memref<20000xf32, #tpu.memory_space<vmem>>)
    %broadcast_in_dim3A_45 = arith.constant -3.000000e+38 : f32
    %broadcast_in_dim3A_46 = vector.broadcast %broadcast_in_dim3A_45 : f32 to vector<16xf32>
    %broadcast_in_dim3A_47 = arith.constant -3.000000e+38 : f32
    %broadcast_in_dim3A_48 = vector.broadcast %broadcast_in_dim3A_47 : f32 to vector<16xf32>
    %broadcast_in_dim3A_49 = arith.constant -3.000000e+38 : f32
    %broadcast_in_dim3A_50 = vector.broadcast %broadcast_in_dim3A_49 : f32 to vector<16xf32>
    %scan3A = arith.constant 0 : i32
    %scan3A_51 = arith.constant 1250 : i32
    %scan3A_52 = arith.addi %scan3A, %scan3A_51 : i32
    %scan3A_53 = arith.constant 1 : i32
    %scan3A_54:3 = scf.for %scan3A_1200 = %scan3A to %scan3A_52 step %scan3A_53 iter_args(%scan3A_1201 = %broadcast_in_dim3A_46, %scan3A_1202 = %broadcast_in_dim3A_48, %scan3A_1203 = %broadcast_in_dim3A_50) -> (vector<16xf32>, vector<16xf32>, vector<16xf32>)  : i32 {
      %mul3A_1204 = arith.constant 16 : i32
      %mul3A_1205 = arith.muli %scan3A_1200, %mul3A_1204 : i32
      %get3A_1206 = arith.constant 0 : i32
      %get3A_1207 = arith.index_cast %get3A_1206 : i32 to index
      %get3A_1208 = arith.index_cast %mul3A_1205 : i32 to index
      %get3A_1209 = tpu.vector_load %arg5[%get3A_1207, %get3A_1208] {strides = array<i32>} : memref<2x20000xf32, #tpu.memory_space<vmem>>, vector<16xf32>,
      %gt3A = arith.cmpf ogt, %get3A_1209, %scan3A_1201 : vector<16xf32>
      %gt3A_1210 = arith.cmpf ogt, %get3A_1209, %scan3A_1202 : vector<16xf32>
      %gt3A_1211 = arith.cmpf ogt, %get3A_1209, %scan3A_1203 : vector<16xf32>
      %select_n3A_1212 = arith.select %gt3A, %get3A_1209, %scan3A_1201 : vector<16xi1>, vector<16xf32>
      %select_n3A_1213 = arith.select %gt3A_1210, %get3A_1209, %scan3A_1202 : vector<16xi1>, vector<16xf32>
      %select_n3A_1214 = arith.select %gt3A, %scan3A_1201, %select_n3A_1213 : vector<16xi1>, vector<16xf32>
      %select_n3A_1215 = arith.select %gt3A_1211, %get3A_1209, %scan3A_1203 : vector<16xi1>, vector<16xf32>
      %select_n3A_1216 = arith.select %gt3A_1210, %scan3A_1202, %select_n3A_1215 : vector<16xi1>, vector<16xf32>
      scf.yield %select_n3A_1212, %select_n3A_1214, %select_n3A_1216 : vector<16xf32>, vector<16xf32>, vector<16xf32>
    }
    %scan3A_55 = arith.constant 1250 : i32
    %add3A_56 = arith.constant 0 : i32
    %add3A_57 = arith.addi %mul3A_2, %add3A_56 : i32
    %add3A_58 = arith.constant 0 : i32
    %add3A_59 = arith.addi %mul3A_2, %add3A_58 : i32
    %dma_start3A_60 = arith.constant 0 : i32
    %dma_start3A_61 = arith.constant 0 : i32
    %dma_start3A_62 = tpu.memref_slice %arg5[%dma_start3A_60, %dma_start3A_61] : memref<2x20000xf32, #tpu.memory_space<vmem>> -> memref<1x20000xf32, #tpu.memory_space<vmem>>
    %dma_start3A_63 = tpu.memref_squeeze %dma_start3A_62 : memref<1x20000xf32, #tpu.memory_space<vmem>> -> memref<20000xf32, #tpu.memory_space<vmem>>
    %dma_start3A_64 = arith.constant 40000 : i32
    %dma_start3A_65 = tpu.memref_slice %arg2[%add3A_59, %dma_start3A_64] : memref<128x100000xf32, #tpu.memory_space<hbm>> -> memref<1x20000xf32, #tpu.memory_space<hbm>>
    %dma_start3A_66 = tpu.memref_squeeze %dma_start3A_65 : memref<1x20000xf32, #tpu.memory_space<hbm>> -> memref<20000xf32, #tpu.memory_space<hbm>>
    %dma_start3A_67 = arith.constant 0 : i32
    %dma_start3A_68 = tpu.memref_slice %arg5[%dma_start3A_60, %dma_start3A_67] : memref<2x20000xf32, #tpu.memory_space<vmem>> -> memref<1x20000xf32, #tpu.memory_space<vmem>>
    %dma_start3A_69 = tpu.memref_squeeze %dma_start3A_68 : memref<1x20000xf32, #tpu.memory_space<vmem>> -> memref<20000xf32, #tpu.memory_space<vmem>>
    %dma_start3A_70 = arith.constant 40000 : i32
    %dma_start3A_71 = tpu.memref_slice %arg2[%add3A_59, %dma_start3A_70] : memref<128x100000xf32, #tpu.memory_space<hbm>> -> memref<1x20000xf32, #tpu.memory_space<hbm>>
    %dma_start3A_72 = tpu.memref_squeeze %dma_start3A_71 : memref<1x20000xf32, #tpu.memory_space<hbm>> -> memref<20000xf32, #tpu.memory_space<hbm>>
    tpu.enqueue_dma source(%dma_start3A_72 : memref<20000xf32, #tpu.memory_space<hbm>>) target(%dma_start3A_69 : memref<20000xf32, #tpu.memory_space<vmem>>) target_semaphore(%arg9 : memref<!tpu.dma_semaphore, #tpu.memory_space<semaphore_mem>>)
    %dma_wait3A_73 = arith.constant 1 : i32
    %dma_wait3A_74 = arith.constant 0 : i32
    %dma_wait3A_75 = tpu.memref_slice %arg5[%dma_wait3A_73, %dma_wait3A_74] : memref<2x20000xf32, #tpu.memory_space<vmem>> -> memref<1x20000xf32, #tpu.memory_space<vmem>>
    %dma_wait3A_76 = tpu.memref_squeeze %dma_wait3A_75 : memref<1x20000xf32, #tpu.memory_space<vmem>> -> memref<20000xf32, #tpu.memory_space<vmem>>
    %dma_wait3A_77 = arith.constant 20000 : i32
    %dma_wait3A_78 = tpu.memref_slice %arg2[%add3A_19, %dma_wait3A_77] : memref<128x100000xf32, #tpu.memory_space<hbm>> -> memref<1x20000xf32, #tpu.memory_space<hbm>>
    %dma_wait3A_79 = tpu.memref_squeeze %dma_wait3A_78 : memref<1x20000xf32, #tpu.memory_space<hbm>> -> memref<20000xf32, #tpu.memory_space<hbm>>
    %dma_wait3A_80 = arith.constant 0 : i32
    %dma_wait3A_81 = tpu.memref_slice %arg5[%dma_wait3A_73, %dma_wait3A_80] : memref<2x20000xf32, #tpu.memory_space<vmem>> -> memref<1x20000xf32, #tpu.memory_space<vmem>>
    %dma_wait3A_82 = tpu.memref_squeeze %dma_wait3A_81 : memref<1x20000xf32, #tpu.memory_space<vmem>> -> memref<20000xf32, #tpu.memory_space<vmem>>
    %dma_wait3A_83 = arith.constant 20000 : i32
    %dma_wait3A_84 = tpu.memref_slice %arg2[%add3A_19, %dma_wait3A_83] : memref<128x100000xf32, #tpu.memory_space<hbm>> -> memref<1x20000xf32, #tpu.memory_space<hbm>>
    %dma_wait3A_85 = tpu.memref_squeeze %dma_wait3A_84 : memref<1x20000xf32, #tpu.memory_space<hbm>> -> memref<20000xf32, #tpu.memory_space<hbm>>
    tpu.wait_dma2 semaphore(%arg10 : memref<!tpu.dma_semaphore, #tpu.memory_space<semaphore_mem>>) src(%dma_wait3A_85 : memref<20000xf32, #tpu.memory_space<hbm>>) dst(%dma_wait3A_82 : memref<20000xf32, #tpu.memory_space<vmem>>)
    %scan3A_86 = arith.constant 0 : i32
    %scan3A_87 = arith.constant 1250 : i32
    %scan3A_88 = arith.addi %scan3A_86, %scan3A_87 : i32
    %scan3A_89 = arith.constant 1 : i32
    %scan3A_90:3 = scf.for %scan3A_1200 = %scan3A_86 to %scan3A_88 step %scan3A_89 iter_args(%scan3A_1201 = %scan3A_54#0, %scan3A_1202 = %scan3A_54#1, %scan3A_1203 = %scan3A_54#2) -> (vector<16xf32>, vector<16xf32>, vector<16xf32>)  : i32 {
      %mul3A_1204 = arith.constant 16 : i32
      %mul3A_1205 = arith.muli %scan3A_1200, %mul3A_1204 : i32
      %get3A_1206 = arith.constant 1 : i32
      %get3A_1207 = arith.index_cast %get3A_1206 : i32 to index
      %get3A_1208 = arith.index_cast %mul3A_1205 : i32 to index
      %get3A_1209 = tpu.vector_load %arg5[%get3A_1207, %get3A_1208] {strides = array<i32>} : memref<2x20000xf32, #tpu.memory_space<vmem>>, vector<16xf32>,
      %gt3A = arith.cmpf ogt, %get3A_1209, %scan3A_1201 : vector<16xf32>
      %gt3A_1210 = arith.cmpf ogt, %get3A_1209, %scan3A_1202 : vector<16xf32>
      %gt3A_1211 = arith.cmpf ogt, %get3A_1209, %scan3A_1203 : vector<16xf32>
      %select_n3A_1212 = arith.select %gt3A, %get3A_1209, %scan3A_1201 : vector<16xi1>, vector<16xf32>
      %select_n3A_1213 = arith.select %gt3A_1210, %get3A_1209, %scan3A_1202 : vector<16xi1>, vector<16xf32>
      %select_n3A_1214 = arith.select %gt3A, %scan3A_1201, %select_n3A_1213 : vector<16xi1>, vector<16xf32>
      %select_n3A_1215 = arith.select %gt3A_1211, %get3A_1209, %scan3A_1203 : vector<16xi1>, vector<16xf32>
      %select_n3A_1216 = arith.select %gt3A_1210, %scan3A_1202, %select_n3A_1215 : vector<16xi1>, vector<16xf32>
      scf.yield %select_n3A_1212, %select_n3A_1214, %select_n3A_1216 : vector<16xf32>, vector<16xf32>, vector<16xf32>
    }
    %scan3A_91 = arith.constant 1250 : i32
    %add3A_92 = arith.constant 0 : i32
    %add3A_93 = arith.addi %mul3A_2, %add3A_92 : i32
    %add3A_94 = arith.constant 0 : i32
    %add3A_95 = arith.addi %mul3A_2, %add3A_94 : i32
    %dma_start3A_96 = arith.constant 1 : i32
    %dma_start3A_97 = arith.constant 0 : i32
    %dma_start3A_98 = tpu.memref_slice %arg5[%dma_start3A_96, %dma_start3A_97] : memref<2x20000xf32, #tpu.memory_space<vmem>> -> memref<1x20000xf32, #tpu.memory_space<vmem>>
    %dma_start3A_99 = tpu.memref_squeeze %dma_start3A_98 : memref<1x20000xf32, #tpu.memory_space<vmem>> -> memref<20000xf32, #tpu.memory_space<vmem>>
    %dma_start3A_100 = arith.constant 60000 : i32
    %dma_start3A_101 = tpu.memref_slice %arg2[%add3A_95, %dma_start3A_100] : memref<128x100000xf32, #tpu.memory_space<hbm>> -> memref<1x20000xf32, #tpu.memory_space<hbm>>
    %dma_start3A_102 = tpu.memref_squeeze %dma_start3A_101 : memref<1x20000xf32, #tpu.memory_space<hbm>> -> memref<20000xf32, #tpu.memory_space<hbm>>
    %dma_start3A_103 = arith.constant 0 : i32
    %dma_start3A_104 = tpu.memref_slice %arg5[%dma_start3A_96, %dma_start3A_103] : memref<2x20000xf32, #tpu.memory_space<vmem>> -> memref<1x20000xf32, #tpu.memory_space<vmem>>
    %dma_start3A_105 = tpu.memref_squeeze %dma_start3A_104 : memref<1x20000xf32, #tpu.memory_space<vmem>> -> memref<20000xf32, #tpu.memory_space<vmem>>
    %dma_start3A_106 = arith.constant 60000 : i32
    %dma_start3A_107 = tpu.memref_slice %arg2[%add3A_95, %dma_start3A_106] : memref<128x100000xf32, #tpu.memory_space<hbm>> -> memref<1x20000xf32, #tpu.memory_space<hbm>>
    %dma_start3A_108 = tpu.memref_squeeze %dma_start3A_107 : memref<1x20000xf32, #tpu.memory_space<hbm>> -> memref<20000xf32, #tpu.memory_space<hbm>>
    tpu.enqueue_dma source(%dma_start3A_108 : memref<20000xf32, #tpu.memory_space<hbm>>) target(%dma_start3A_105 : memref<20000xf32, #tpu.memory_space<vmem>>) target_semaphore(%arg10 : memref<!tpu.dma_semaphore, #tpu.memory_space<semaphore_mem>>)
    %dma_wait3A_109 = arith.constant 0 : i32
    %dma_wait3A_110 = arith.constant 0 : i32
    %dma_wait3A_111 = tpu.memref_slice %arg5[%dma_wait3A_109, %dma_wait3A_110] : memref<2x20000xf32, #tpu.memory_space<vmem>> -> memref<1x20000xf32, #tpu.memory_space<vmem>>
    %dma_wait3A_112 = tpu.memref_squeeze %dma_wait3A_111 : memref<1x20000xf32, #tpu.memory_space<vmem>> -> memref<20000xf32, #tpu.memory_space<vmem>>
    %dma_wait3A_113 = arith.constant 40000 : i32
    %dma_wait3A_114 = tpu.memref_slice %arg2[%add3A_59, %dma_wait3A_113] : memref<128x100000xf32, #tpu.memory_space<hbm>> -> memref<1x20000xf32, #tpu.memory_space<hbm>>
    %dma_wait3A_115 = tpu.memref_squeeze %dma_wait3A_114 : memref<1x20000xf32, #tpu.memory_space<hbm>> -> memref<20000xf32, #tpu.memory_space<hbm>>
    %dma_wait3A_116 = arith.constant 0 : i32
    %dma_wait3A_117 = tpu.memref_slice %arg5[%dma_wait3A_109, %dma_wait3A_116] : memref<2x20000xf32, #tpu.memory_space<vmem>> -> memref<1x20000xf32, #tpu.memory_space<vmem>>
    %dma_wait3A_118 = tpu.memref_squeeze %dma_wait3A_117 : memref<1x20000xf32, #tpu.memory_space<vmem>> -> memref<20000xf32, #tpu.memory_space<vmem>>
    %dma_wait3A_119 = arith.constant 40000 : i32
    %dma_wait3A_120 = tpu.memref_slice %arg2[%add3A_59, %dma_wait3A_119] : memref<128x100000xf32, #tpu.memory_space<hbm>> -> memref<1x20000xf32, #tpu.memory_space<hbm>>
    %dma_wait3A_121 = tpu.memref_squeeze %dma_wait3A_120 : memref<1x20000xf32, #tpu.memory_space<hbm>> -> memref<20000xf32, #tpu.memory_space<hbm>>
    tpu.wait_dma2 semaphore(%arg9 : memref<!tpu.dma_semaphore, #tpu.memory_space<semaphore_mem>>) src(%dma_wait3A_121 : memref<20000xf32, #tpu.memory_space<hbm>>) dst(%dma_wait3A_118 : memref<20000xf32, #tpu.memory_space<vmem>>)
    %scan3A_122 = arith.constant 0 : i32
    %scan3A_123 = arith.constant 1250 : i32
    %scan3A_124 = arith.addi %scan3A_122, %scan3A_123 : i32
    %scan3A_125 = arith.constant 1 : i32
    %scan3A_126:3 = scf.for %scan3A_1200 = %scan3A_122 to %scan3A_124 step %scan3A_125 iter_args(%scan3A_1201 = %scan3A_90#0, %scan3A_1202 = %scan3A_90#1, %scan3A_1203 = %scan3A_90#2) -> (vector<16xf32>, vector<16xf32>, vector<16xf32>)  : i32 {
      %mul3A_1204 = arith.constant 16 : i32
      %mul3A_1205 = arith.muli %scan3A_1200, %mul3A_1204 : i32
      %get3A_1206 = arith.constant 0 : i32
      %get3A_1207 = arith.index_cast %get3A_1206 : i32 to index
      %get3A_1208 = arith.index_cast %mul3A_1205 : i32 to index
      %get3A_1209 = tpu.vector_load %arg5[%get3A_1207, %get3A_1208] {strides = array<i32>} : memref<2x20000xf32, #tpu.memory_space<vmem>>, vector<16xf32>,
      %gt3A = arith.cmpf ogt, %get3A_1209, %scan3A_1201 : vector<16xf32>
      %gt3A_1210 = arith.cmpf ogt, %get3A_1209, %scan3A_1202 : vector<16xf32>
      %gt3A_1211 = arith.cmpf ogt, %get3A_1209, %scan3A_1203 : vector<16xf32>
      %select_n3A_1212 = arith.select %gt3A, %get3A_1209, %scan3A_1201 : vector<16xi1>, vector<16xf32>
      %select_n3A_1213 = arith.select %gt3A_1210, %get3A_1209, %scan3A_1202 : vector<16xi1>, vector<16xf32>
      %select_n3A_1214 = arith.select %gt3A, %scan3A_1201, %select_n3A_1213 : vector<16xi1>, vector<16xf32>
      %select_n3A_1215 = arith.select %gt3A_1211, %get3A_1209, %scan3A_1203 : vector<16xi1>, vector<16xf32>
      %select_n3A_1216 = arith.select %gt3A_1210, %scan3A_1202, %select_n3A_1215 : vector<16xi1>, vector<16xf32>
      scf.yield %select_n3A_1212, %select_n3A_1214, %select_n3A_1216 : vector<16xf32>, vector<16xf32>, vector<16xf32>
    }
    %scan3A_127 = arith.constant 1250 : i32
    %add3A_128 = arith.constant 0 : i32
    %add3A_129 = arith.addi %mul3A_2, %add3A_128 : i32
    %add3A_130 = arith.constant 0 : i32
    %add3A_131 = arith.addi %mul3A_2, %add3A_130 : i32
    %dma_start3A_132 = arith.constant 0 : i32
    %dma_start3A_133 = arith.constant 0 : i32
    %dma_start3A_134 = tpu.memref_slice %arg5[%dma_start3A_132, %dma_start3A_133] : memref<2x20000xf32, #tpu.memory_space<vmem>> -> memref<1x20000xf32, #tpu.memory_space<vmem>>
    %dma_start3A_135 = tpu.memref_squeeze %dma_start3A_134 : memref<1x20000xf32, #tpu.memory_space<vmem>> -> memref<20000xf32, #tpu.memory_space<vmem>>
    %dma_start3A_136 = arith.constant 80000 : i32
    %dma_start3A_137 = tpu.memref_slice %arg2[%add3A_131, %dma_start3A_136] : memref<128x100000xf32, #tpu.memory_space<hbm>> -> memref<1x20000xf32, #tpu.memory_space<hbm>>
    %dma_start3A_138 = tpu.memref_squeeze %dma_start3A_137 : memref<1x20000xf32, #tpu.memory_space<hbm>> -> memref<20000xf32, #tpu.memory_space<hbm>>
    %dma_start3A_139 = arith.constant 0 : i32
    %dma_start3A_140 = tpu.memref_slice %arg5[%dma_start3A_132, %dma_start3A_139] : memref<2x20000xf32, #tpu.memory_space<vmem>> -> memref<1x20000xf32, #tpu.memory_space<vmem>>
    %dma_start3A_141 = tpu.memref_squeeze %dma_start3A_140 : memref<1x20000xf32, #tpu.memory_space<vmem>> -> memref<20000xf32, #tpu.memory_space<vmem>>
    %dma_start3A_142 = arith.constant 80000 : i32
    %dma_start3A_143 = tpu.memref_slice %arg2[%add3A_131, %dma_start3A_142] : memref<128x100000xf32, #tpu.memory_space<hbm>> -> memref<1x20000xf32, #tpu.memory_space<hbm>>
    %dma_start3A_144 = tpu.memref_squeeze %dma_start3A_143 : memref<1x20000xf32, #tpu.memory_space<hbm>> -> memref<20000xf32, #tpu.memory_space<hbm>>
    tpu.enqueue_dma source(%dma_start3A_144 : memref<20000xf32, #tpu.memory_space<hbm>>) target(%dma_start3A_141 : memref<20000xf32, #tpu.memory_space<vmem>>) target_semaphore(%arg9 : memref<!tpu.dma_semaphore, #tpu.memory_space<semaphore_mem>>)
    %dma_wait3A_145 = arith.constant 1 : i32
    %dma_wait3A_146 = arith.constant 0 : i32
    %dma_wait3A_147 = tpu.memref_slice %arg5[%dma_wait3A_145, %dma_wait3A_146] : memref<2x20000xf32, #tpu.memory_space<vmem>> -> memref<1x20000xf32, #tpu.memory_space<vmem>>
    %dma_wait3A_148 = tpu.memref_squeeze %dma_wait3A_147 : memref<1x20000xf32, #tpu.memory_space<vmem>> -> memref<20000xf32, #tpu.memory_space<vmem>>
    %dma_wait3A_149 = arith.constant 60000 : i32
    %dma_wait3A_150 = tpu.memref_slice %arg2[%add3A_95, %dma_wait3A_149] : memref<128x100000xf32, #tpu.memory_space<hbm>> -> memref<1x20000xf32, #tpu.memory_space<hbm>>
    %dma_wait3A_151 = tpu.memref_squeeze %dma_wait3A_150 : memref<1x20000xf32, #tpu.memory_space<hbm>> -> memref<20000xf32, #tpu.memory_space<hbm>>
    %dma_wait3A_152 = arith.constant 0 : i32
    %dma_wait3A_153 = tpu.memref_slice %arg5[%dma_wait3A_145, %dma_wait3A_152] : memref<2x20000xf32, #tpu.memory_space<vmem>> -> memref<1x20000xf32, #tpu.memory_space<vmem>>
    %dma_wait3A_154 = tpu.memref_squeeze %dma_wait3A_153 : memref<1x20000xf32, #tpu.memory_space<vmem>> -> memref<20000xf32, #tpu.memory_space<vmem>>
    %dma_wait3A_155 = arith.constant 60000 : i32
    %dma_wait3A_156 = tpu.memref_slice %arg2[%add3A_95, %dma_wait3A_155] : memref<128x100000xf32, #tpu.memory_space<hbm>> -> memref<1x20000xf32, #tpu.memory_space<hbm>>
    %dma_wait3A_157 = tpu.memref_squeeze %dma_wait3A_156 : memref<1x20000xf32, #tpu.memory_space<hbm>> -> memref<20000xf32, #tpu.memory_space<hbm>>
    tpu.wait_dma2 semaphore(%arg10 : memref<!tpu.dma_semaphore, #tpu.memory_space<semaphore_mem>>) src(%dma_wait3A_157 : memref<20000xf32, #tpu.memory_space<hbm>>) dst(%dma_wait3A_154 : memref<20000xf32, #tpu.memory_space<vmem>>)
    %scan3A_158 = arith.constant 0 : i32
    %scan3A_159 = arith.constant 1250 : i32
    %scan3A_160 = arith.addi %scan3A_158, %scan3A_159 : i32
    %scan3A_161 = arith.constant 1 : i32
    %scan3A_162:3 = scf.for %scan3A_1200 = %scan3A_158 to %scan3A_160 step %scan3A_161 iter_args(%scan3A_1201 = %scan3A_126#0, %scan3A_1202 = %scan3A_126#1, %scan3A_1203 = %scan3A_126#2) -> (vector<16xf32>, vector<16xf32>, vector<16xf32>)  : i32 {
      %mul3A_1204 = arith.constant 16 : i32
      %mul3A_1205 = arith.muli %scan3A_1200, %mul3A_1204 : i32
      %get3A_1206 = arith.constant 1 : i32
      %get3A_1207 = arith.index_cast %get3A_1206 : i32 to index
      %get3A_1208 = arith.index_cast %mul3A_1205 : i32 to index
      %get3A_1209 = tpu.vector_load %arg5[%get3A_1207, %get3A_1208] {strides = array<i32>} : memref<2x20000xf32, #tpu.memory_space<vmem>>, vector<16xf32>,
      %gt3A = arith.cmpf ogt, %get3A_1209, %scan3A_1201 : vector<16xf32>
      %gt3A_1210 = arith.cmpf ogt, %get3A_1209, %scan3A_1202 : vector<16xf32>
      %gt3A_1211 = arith.cmpf ogt, %get3A_1209, %scan3A_1203 : vector<16xf32>
      %select_n3A_1212 = arith.select %gt3A, %get3A_1209, %scan3A_1201 : vector<16xi1>, vector<16xf32>
      %select_n3A_1213 = arith.select %gt3A_1210, %get3A_1209, %scan3A_1202 : vector<16xi1>, vector<16xf32>
      %select_n3A_1214 = arith.select %gt3A, %scan3A_1201, %select_n3A_1213 : vector<16xi1>, vector<16xf32>
      %select_n3A_1215 = arith.select %gt3A_1211, %get3A_1209, %scan3A_1203 : vector<16xi1>, vector<16xf32>
      %select_n3A_1216 = arith.select %gt3A_1210, %scan3A_1202, %select_n3A_1215 : vector<16xi1>, vector<16xf32>
      scf.yield %select_n3A_1212, %select_n3A_1214, %select_n3A_1216 : vector<16xf32>, vector<16xf32>, vector<16xf32>
    }
    %scan3A_163 = arith.constant 1250 : i32
    %add3A_164 = arith.constant 0 : i32
    %add3A_165 = arith.addi %mul3A_2, %add3A_164 : i32
    %add3A_166 = arith.constant 1 : i32
    %add3A_167 = arith.addi %mul3A_2, %add3A_166 : i32
    %dma_start3A_168 = arith.constant 1 : i32
    %dma_start3A_169 = arith.constant 0 : i32
    %dma_start3A_170 = tpu.memref_slice %arg5[%dma_start3A_168, %dma_start3A_169] : memref<2x20000xf32, #tpu.memory_space<vmem>> -> memref<1x20000xf32, #tpu.memory_space<vmem>>
    %dma_start3A_171 = tpu.memref_squeeze %dma_start3A_170 : memref<1x20000xf32, #tpu.memory_space<vmem>> -> memref<20000xf32, #tpu.memory_space<vmem>>
    %dma_start3A_172 = arith.constant 0 : i32
    %dma_start3A_173 = tpu.memref_slice %arg2[%add3A_167, %dma_start3A_172] : memref<128x100000xf32, #tpu.memory_space<hbm>> -> memref<1x20000xf32, #tpu.memory_space<hbm>>
    %dma_start3A_174 = tpu.memref_squeeze %dma_start3A_173 : memref<1x20000xf32, #tpu.memory_space<hbm>> -> memref<20000xf32, #tpu.memory_space<hbm>>
    %dma_start3A_175 = arith.constant 0 : i32
    %dma_start3A_176 = tpu.memref_slice %arg5[%dma_start3A_168, %dma_start3A_175] : memref<2x20000xf32, #tpu.memory_space<vmem>> -> memref<1x20000xf32, #tpu.memory_space<vmem>>
    %dma_start3A_177 = tpu.memref_squeeze %dma_start3A_176 : memref<1x20000xf32, #tpu.memory_space<vmem>> -> memref<20000xf32, #tpu.memory_space<vmem>>
    %dma_start3A_178 = arith.constant 0 : i32
    %dma_start3A_179 = tpu.memref_slice %arg2[%add3A_167, %dma_start3A_178] : memref<128x100000xf32, #tpu.memory_space<hbm>> -> memref<1x20000xf32, #tpu.memory_space<hbm>>
    %dma_start3A_180 = tpu.memref_squeeze %dma_start3A_179 : memref<1x20000xf32, #tpu.memory_space<hbm>> -> memref<20000xf32, #tpu.memory_space<hbm>>
    tpu.enqueue_dma source(%dma_start3A_180 : memref<20000xf32, #tpu.memory_space<hbm>>) target(%dma_start3A_177 : memref<20000xf32, #tpu.memory_space<vmem>>) target_semaphore(%arg10 : memref<!tpu.dma_semaphore, #tpu.memory_space<semaphore_mem>>)
    %dma_wait3A_181 = arith.constant 0 : i32
    %dma_wait3A_182 = arith.constant 0 : i32
    %dma_wait3A_183 = tpu.memref_slice %arg5[%dma_wait3A_181, %dma_wait3A_182] : memref<2x20000xf32, #tpu.memory_space<vmem>> -> memref<1x20000xf32, #tpu.memory_space<vmem>>
    %dma_wait3A_184 = tpu.memref_squeeze %dma_wait3A_183 : memref<1x20000xf32, #tpu.memory_space<vmem>> -> memref<20000xf32, #tpu.memory_space<vmem>>
    %dma_wait3A_185 = arith.constant 80000 : i32
    %dma_wait3A_186 = tpu.memref_slice %arg2[%add3A_131, %dma_wait3A_185] : memref<128x100000xf32, #tpu.memory_space<hbm>> -> memref<1x20000xf32, #tpu.memory_space<hbm>>
    %dma_wait3A_187 = tpu.memref_squeeze %dma_wait3A_186 : memref<1x20000xf32, #tpu.memory_space<hbm>> -> memref<20000xf32, #tpu.memory_space<hbm>>
    %dma_wait3A_188 = arith.constant 0 : i32
    %dma_wait3A_189 = tpu.memref_slice %arg5[%dma_wait3A_181, %dma_wait3A_188] : memref<2x20000xf32, #tpu.memory_space<vmem>> -> memref<1x20000xf32, #tpu.memory_space<vmem>>
    %dma_wait3A_190 = tpu.memref_squeeze %dma_wait3A_189 : memref<1x20000xf32, #tpu.memory_space<vmem>> -> memref<20000xf32, #tpu.memory_space<vmem>>
    %dma_wait3A_191 = arith.constant 80000 : i32
    %dma_wait3A_192 = tpu.memref_slice %arg2[%add3A_131, %dma_wait3A_191] : memref<128x100000xf32, #tpu.memory_space<hbm>> -> memref<1x20000xf32, #tpu.memory_space<hbm>>
    %dma_wait3A_193 = tpu.memref_squeeze %dma_wait3A_192 : memref<1x20000xf32, #tpu.memory_space<hbm>> -> memref<20000xf32, #tpu.memory_space<hbm>>
    tpu.wait_dma2 semaphore(%arg9 : memref<!tpu.dma_semaphore, #tpu.memory_space<semaphore_mem>>) src(%dma_wait3A_193 : memref<20000xf32, #tpu.memory_space<hbm>>) dst(%dma_wait3A_190 : memref<20000xf32, #tpu.memory_space<vmem>>)
    %scan3A_194 = arith.constant 0 : i32
    %scan3A_195 = arith.constant 1250 : i32
    %scan3A_196 = arith.addi %scan3A_194, %scan3A_195 : i32
    %scan3A_197 = arith.constant 1 : i32
    %scan3A_198:3 = scf.for %scan3A_1200 = %scan3A_194 to %scan3A_196 step %scan3A_197 iter_args(%scan3A_1201 = %scan3A_162#0, %scan3A_1202 = %scan3A_162#1, %scan3A_1203 = %scan3A_162#2) -> (vector<16xf32>, vector<16xf32>, vector<16xf32>)  : i32 {
      %mul3A_1204 = arith.constant 16 : i32
      %mul3A_1205 = arith.muli %scan3A_1200, %mul3A_1204 : i32
      %get3A_1206 = arith.constant 0 : i32
      %get3A_1207 = arith.index_cast %get3A_1206 : i32 to index
      %get3A_1208 = arith.index_cast %mul3A_1205 : i32 to index
      %get3A_1209 = tpu.vector_load %arg5[%get3A_1207, %get3A_1208] {strides = array<i32>} : memref<2x20000xf32, #tpu.memory_space<vmem>>, vector<16xf32>,
      %gt3A = arith.cmpf ogt, %get3A_1209, %scan3A_1201 : vector<16xf32>
      %gt3A_1210 = arith.cmpf ogt, %get3A_1209, %scan3A_1202 : vector<16xf32>
      %gt3A_1211 = arith.cmpf ogt, %get3A_1209, %scan3A_1203 : vector<16xf32>
      %select_n3A_1212 = arith.select %gt3A, %get3A_1209, %scan3A_1201 : vector<16xi1>, vector<16xf32>
      %select_n3A_1213 = arith.select %gt3A_1210, %get3A_1209, %scan3A_1202 : vector<16xi1>, vector<16xf32>
      %select_n3A_1214 = arith.select %gt3A, %scan3A_1201, %select_n3A_1213 : vector<16xi1>, vector<16xf32>
      %select_n3A_1215 = arith.select %gt3A_1211, %get3A_1209, %scan3A_1203 : vector<16xi1>, vector<16xf32>
      %select_n3A_1216 = arith.select %gt3A_1210, %scan3A_1202, %select_n3A_1215 : vector<16xi1>, vector<16xf32>
      scf.yield %select_n3A_1212, %select_n3A_1214, %select_n3A_1216 : vector<16xf32>, vector<16xf32>, vector<16xf32>
    }
    %scan3A_199 = arith.constant 1250 : i32
    %reduce_max3A = arith.constant true
    %reduce_max3A_200 = vector.broadcast %reduce_max3A : i1 to vector<16xi1>
    %reduce_max3A_201 = tpu.scan <max>, %scan3A_198#0 masked %reduce_max3A_200 : vector<16xf32>, vector<16xi1> -> vector<16xf32>
    %reduce_max3A_202 = vector.extract %reduce_max3A_201[15] : f32 from vector<16xf32>
    %eq3A = vector.broadcast %reduce_max3A_202 : f32 to vector<16xf32>
    %eq3A_203 = arith.cmpf oeq, %scan3A_198#0, %eq3A : vector<16xf32>
    %all_reduce_ffs3A = tpu.all_reduce %eq3A_203 {dim = 0 : i64, kind = #tpu.reduction_kind<find_first_set>} : vector<16xi1> -> vector<16xi32>
    %eq3A_204 = arith.cmpi eq, %iota3A, %all_reduce_ffs3A : vector<16xi32>
    %select_n3A = arith.select %eq3A_204, %scan3A_198#1, %scan3A_198#0 : vector<16xi1>, vector<16xf32>
    %select_n3A_205 = arith.select %eq3A_204, %scan3A_198#2, %scan3A_198#1 : vector<16xi1>, vector<16xf32>
    %reduce_max3A_206 = arith.constant true
    %reduce_max3A_207 = vector.broadcast %reduce_max3A_206 : i1 to vector<16xi1>
    %reduce_max3A_208 = tpu.scan <max>, %select_n3A masked %reduce_max3A_207 : vector<16xf32>, vector<16xi1> -> vector<16xf32>
    %reduce_max3A_209 = vector.extract %reduce_max3A_208[15] : f32 from vector<16xf32>
    %eq3A_210 = vector.broadcast %reduce_max3A_209 : f32 to vector<16xf32>
    %eq3A_211 = arith.cmpf oeq, %select_n3A, %eq3A_210 : vector<16xf32>
    %all_reduce_ffs3A_212 = tpu.all_reduce %eq3A_211 {dim = 0 : i64, kind = #tpu.reduction_kind<find_first_set>} : vector<16xi1> -> vector<16xi32>
    %eq3A_213 = arith.cmpi eq, %iota3A, %all_reduce_ffs3A_212 : vector<16xi32>
    %select_n3A_214 = arith.select %eq3A_213, %select_n3A_205, %select_n3A : vector<16xi1>, vector<16xf32>
    %reduce_max3A_215 = arith.constant true
    %reduce_max3A_216 = vector.broadcast %reduce_max3A_215 : i1 to vector<16xi1>
    %reduce_max3A_217 = tpu.scan <max>, %select_n3A_214 masked %reduce_max3A_216 : vector<16xf32>, vector<16xi1> -> vector<16xf32>
    %reduce_max3A_218 = vector.extract %reduce_max3A_217[15] : f32 from vector<16xf32>
    %jit3A = arith.constant 16 : i32
    %div3A = arith.divsi %mul3A_2, %jit3A : i32
    %sign3A = arith.constant 0 : i32
    %sign3A_219 = arith.cmpi sgt, %mul3A_2, %sign3A : i32
    %sign3A_220 = arith.extui %sign3A_219 : i1 to i32
    %sign3A_221 = arith.constant 0 : i32
    %sign3A_222 = arith.cmpi slt, %mul3A_2, %sign3A_221 : i32
    %sign3A_223 = arith.extui %sign3A_222 : i1 to i32
    %sign3A_224 = arith.subi %sign3A_220, %sign3A_223 : i32
    %sign3A_225 = arith.constant 0 : i32
    %sign3A_226 = arith.cmpi sgt, %jit3A, %sign3A_225 : i32
    %sign3A_227 = arith.extui %sign3A_226 : i1 to i32
    %sign3A_228 = arith.constant 0 : i32
    %sign3A_229 = arith.cmpi slt, %jit3A, %sign3A_228 : i32
    %sign3A_230 = arith.extui %sign3A_229 : i1 to i32
    %sign3A_231 = arith.subi %sign3A_227, %sign3A_230 : i32
    %ne3A = arith.cmpi ne, %sign3A_224, %sign3A_231 : i32
    %rem3A = arith.remsi %mul3A_2, %jit3A : i32
    %ne3A_232 = arith.constant 0 : i32
    %ne3A_233 = arith.cmpi ne, %rem3A, %ne3A_232 : i32
    %and3A = arith.andi %ne3A, %ne3A_233 : i1
    %sub3A = arith.constant 1 : i32
    %sub3A_234 = arith.subi %div3A, %sub3A : i32
    %select_n3A_235 = arith.select %and3A, %sub3A_234, %div3A : i32
    %mul3A_236 = arith.constant 16 : i32
    %mul3A_237 = arith.muli %select_n3A_235, %mul3A_236 : i32
    %get3A = arith.index_cast %mul3A_237 : i32 to index
    %get3A_238 = tpu.vector_load %arg6[%get3A] {strides = array<i32>} : memref<128xi32, #tpu.memory_space<vmem>>, vector<16xi32>,
    %sub3A_239 = arith.subi %add3A_165, %mul3A_237 : i32
    %eq3A_240 = vector.broadcast %sub3A_239 : i32 to vector<16xi32>
    %eq3A_241 = arith.cmpi eq, %iota3A, %eq3A_240 : vector<16xi32>
    %jit3A_242 = arith.constant 0 : i32
    %broadcast_in_dim3A_243 = vector.broadcast %jit3A_242 : i32 to vector<16xi32>
    %select_n3A_244 = arith.select %eq3A_241, %get3A_238, %broadcast_in_dim3A_243 : vector<16xi1>, vector<16xi32>
    %reduce_max3A_245 = arith.constant true
    %reduce_max3A_246 = vector.broadcast %reduce_max3A_245 : i1 to vector<16xi1>
    %reduce_max3A_247 = arith.constant -2147483648 : i32
    %reduce_max3A_248 = vector.broadcast %reduce_max3A_247 : i32 to vector<16xi32>
    %reduce_max3A_249 = arith.xori %select_n3A_244, %reduce_max3A_248 : vector<16xi32>
    %reduce_max3A_250 = tpu.scan <max>, %reduce_max3A_249 masked %reduce_max3A_246 : vector<16xi32>, vector<16xi1> -> vector<16xi32>
    %reduce_max3A_251 = arith.xori %reduce_max3A_250, %reduce_max3A_248 : vector<16xi32>
    %reduce_max3A_252 = vector.extract %reduce_max3A_251[15] : i32 from vector<16xi32>
    %jit3A_253 = arith.constant 16 : i32
    %div3A_254 = arith.divsi %reduce_max3A_252, %jit3A_253 : i32
    %sign3A_255 = arith.constant 0 : i32
    %sign3A_256 = arith.cmpi sgt, %reduce_max3A_252, %sign3A_255 : i32
    %sign3A_257 = arith.extui %sign3A_256 : i1 to i32
    %sign3A_258 = arith.constant 0 : i32
    %sign3A_259 = arith.cmpi slt, %reduce_max3A_252, %sign3A_258 : i32
    %sign3A_260 = arith.extui %sign3A_259 : i1 to i32
    %sign3A_261 = arith.subi %sign3A_257, %sign3A_260 : i32
    %sign3A_262 = arith.constant 0 : i32
    %sign3A_263 = arith.cmpi sgt, %jit3A_253, %sign3A_262 : i32
    %sign3A_264 = arith.extui %sign3A_263 : i1 to i32
    %sign3A_265 = arith.constant 0 : i32
    %sign3A_266 = arith.cmpi slt, %jit3A_253, %sign3A_265 : i32
    %sign3A_267 = arith.extui %sign3A_266 : i1 to i32
    %sign3A_268 = arith.subi %sign3A_264, %sign3A_267 : i32
    %ne3A_269 = arith.cmpi ne, %sign3A_261, %sign3A_268 : i32
    %rem3A_270 = arith.remsi %reduce_max3A_252, %jit3A_253 : i32
    %ne3A_271 = arith.constant 0 : i32
    %ne3A_272 = arith.cmpi ne, %rem3A_270, %ne3A_271 : i32
    %and3A_273 = arith.andi %ne3A_269, %ne3A_272 : i1
    %sub3A_274 = arith.constant 1 : i32
    %sub3A_275 = arith.subi %div3A_254, %sub3A_274 : i32
    %select_n3A_276 = arith.select %and3A_273, %sub3A_275, %div3A_254 : i32
    %mul3A_277 = arith.constant 16 : i32
    %mul3A_278 = arith.muli %select_n3A_276, %mul3A_277 : i32
    "tpu.region"() ({
      %run_scoped3A = tpu.sem_alloc : memref<!tpu.dma_semaphore, #tpu.memory_space<semaphore_mem>>
      %dma_start3A_1200 = tpu.memref_slice %arg2[%add3A_165, %mul3A_278] : memref<128x100000xf32, #tpu.memory_space<hbm>> -> memref<1x16xf32, #tpu.memory_space<hbm>>
      %dma_start3A_1201 = tpu.memref_squeeze %dma_start3A_1200 : memref<1x16xf32, #tpu.memory_space<hbm>> -> memref<16xf32, #tpu.memory_space<hbm>>
      %dma_start3A_1202 = tpu.memref_slice %arg2[%add3A_165, %mul3A_278] : memref<128x100000xf32, #tpu.memory_space<hbm>> -> memref<1x16xf32, #tpu.memory_space<hbm>>
      %dma_start3A_1203 = tpu.memref_squeeze %dma_start3A_1202 : memref<1x16xf32, #tpu.memory_space<hbm>> -> memref<16xf32, #tpu.memory_space<hbm>>
      tpu.enqueue_dma source(%dma_start3A_1203 : memref<16xf32, #tpu.memory_space<hbm>>) target(%arg7 : memref<16xf32, #tpu.memory_space<vmem>>) target_semaphore(%run_scoped3A : memref<!tpu.dma_semaphore, #tpu.memory_space<semaphore_mem>>)
      %dma_wait3A_1204 = tpu.memref_slice %arg2[%add3A_165, %mul3A_278] : memref<128x100000xf32, #tpu.memory_space<hbm>> -> memref<1x16xf32, #tpu.memory_space<hbm>>
      %dma_wait3A_1205 = tpu.memref_squeeze %dma_wait3A_1204 : memref<1x16xf32, #tpu.memory_space<hbm>> -> memref<16xf32, #tpu.memory_space<hbm>>
      %dma_wait3A_1206 = tpu.memref_slice %arg2[%add3A_165, %mul3A_278] : memref<128x100000xf32, #tpu.memory_space<hbm>> -> memref<1x16xf32, #tpu.memory_space<hbm>>
      %dma_wait3A_1207 = tpu.memref_squeeze %dma_wait3A_1206 : memref<1x16xf32, #tpu.memory_space<hbm>> -> memref<16xf32, #tpu.memory_space<hbm>>
      tpu.wait_dma2 semaphore(%run_scoped3A : memref<!tpu.dma_semaphore, #tpu.memory_space<semaphore_mem>>) src(%dma_wait3A_1207 : memref<16xf32, #tpu.memory_space<hbm>>) dst(%arg7 : memref<16xf32, #tpu.memory_space<vmem>>)
      tpu.yield
    }) : () -> ()
    %sub3A_279 = arith.subi %reduce_max3A_252, %mul3A_278 : i32
    %eq3A_280 = vector.broadcast %sub3A_279 : i32 to vector<16xi32>
    %eq3A_281 = arith.cmpi eq, %iota3A, %eq3A_280 : vector<16xi32>
    %get3A_282 = arith.constant 0 : index
    %get3A_283 = tpu.vector_load %arg7[%get3A_282] {strides = array<i32>} : memref<16xf32, #tpu.memory_space<vmem>>, vector<16xf32>,
    %jit3A_284 = arith.constant -3.000000e+38 : f32
    %broadcast_in_dim3A_285 = vector.broadcast %jit3A_284 : f32 to vector<16xf32>
    %select_n3A_286 = arith.select %eq3A_281, %get3A_283, %broadcast_in_dim3A_285 : vector<16xi1>, vector<16xf32>
    %reduce_max3A_287 = arith.constant true
    %reduce_max3A_288 = vector.broadcast %reduce_max3A_287 : i1 to vector<16xi1>
    %reduce_max3A_289 = tpu.scan <max>, %select_n3A_286 masked %reduce_max3A_288 : vector<16xf32>, vector<16xi1> -> vector<16xf32>
    %reduce_max3A_290 = vector.extract %reduce_max3A_289[15] : f32 from vector<16xf32>
    %eq3A_291 = arith.cmpf oeq, %reduce_max3A_290, %reduce_max3A_202 : f32
    %sub3A_292 = arith.subf %reduce_max3A_209, %reduce_max3A_290 : f32
    %sub3A_293 = arith.subf %reduce_max3A_202, %reduce_max3A_290 : f32
    %select_n3A_294 = arith.select %eq3A_291, %sub3A_292, %sub3A_293 : f32
    %sub3A_295 = arith.subf %reduce_max3A_202, %reduce_max3A_218 : f32
    %add3A_296 = arith.constant 9.99999996E-13 : f32
    %add3A_297 = arith.addf %sub3A_295, %add3A_296 : f32
    %broadcast_in_dim3A_298 = vector.broadcast %select_n3A_294 : f32 to vector<16xf32>
    %broadcast_in_dim3A_299 = vector.broadcast %add3A_297 : f32 to vector<16xf32>
    %div3A_300 = arith.divf %broadcast_in_dim3A_298, %broadcast_in_dim3A_299 : vector<16xf32>
    %eq3A_301 = arith.constant 0 : i32
    %eq3A_302 = vector.broadcast %eq3A_301 : i32 to vector<16xi32>
    %eq3A_303 = arith.cmpi eq, %iota3A, %eq3A_302 : vector<16xi32>
    %select_n3A_304 = arith.select %eq3A_303, %div3A_300, %broadcast_in_dim3A_3 : vector<16xi1>, vector<16xf32>
    %add3A_305 = arith.constant 1 : i32
    %add3A_306 = arith.addi %mul3A_2, %add3A_305 : i32
    %add3A_307 = arith.constant 1 : i32
    %add3A_308 = arith.addi %mul3A_2, %add3A_307 : i32
    %dma_start3A_309 = arith.constant 0 : i32
    %dma_start3A_310 = arith.constant 0 : i32
    %dma_start3A_311 = tpu.memref_slice %arg5[%dma_start3A_309, %dma_start3A_310] : memref<2x20000xf32, #tpu.memory_space<vmem>> -> memref<1x20000xf32, #tpu.memory_space<vmem>>
    %dma_start3A_312 = tpu.memref_squeeze %dma_start3A_311 : memref<1x20000xf32, #tpu.memory_space<vmem>> -> memref<20000xf32, #tpu.memory_space<vmem>>
    %dma_start3A_313 = arith.constant 20000 : i32
    %dma_start3A_314 = tpu.memref_slice %arg2[%add3A_308, %dma_start3A_313] : memref<128x100000xf32, #tpu.memory_space<hbm>> -> memref<1x20000xf32, #tpu.memory_space<hbm>>
    %dma_start3A_315 = tpu.memref_squeeze %dma_start3A_314 : memref<1x20000xf32, #tpu.memory_space<hbm>> -> memref<20000xf32, #tpu.memory_space<hbm>>
    %dma_start3A_316 = arith.constant 0 : i32
    %dma_start3A_317 = tpu.memref_slice %arg5[%dma_start3A_309, %dma_start3A_316] : memref<2x20000xf32, #tpu.memory_space<vmem>> -> memref<1x20000xf32, #tpu.memory_space<vmem>>
    %dma_start3A_318 = tpu.memref_squeeze %dma_start3A_317 : memref<1x20000xf32, #tpu.memory_space<vmem>> -> memref<20000xf32, #tpu.memory_space<vmem>>
    %dma_start3A_319 = arith.constant 20000 : i32
    %dma_start3A_320 = tpu.memref_slice %arg2[%add3A_308, %dma_start3A_319] : memref<128x100000xf32, #tpu.memory_space<hbm>> -> memref<1x20000xf32, #tpu.memory_space<hbm>>
    %dma_start3A_321 = tpu.memref_squeeze %dma_start3A_320 : memref<1x20000xf32, #tpu.memory_space<hbm>> -> memref<20000xf32, #tpu.memory_space<hbm>>
    tpu.enqueue_dma source(%dma_start3A_321 : memref<20000xf32, #tpu.memory_space<hbm>>) target(%dma_start3A_318 : memref<20000xf32, #tpu.memory_space<vmem>>) target_semaphore(%arg9 : memref<!tpu.dma_semaphore, #tpu.memory_space<semaphore_mem>>)
    %dma_wait3A_322 = arith.constant 1 : i32
    %dma_wait3A_323 = arith.constant 0 : i32
    %dma_wait3A_324 = tpu.memref_slice %arg5[%dma_wait3A_322, %dma_wait3A_323] : memref<2x20000xf32, #tpu.memory_space<vmem>> -> memref<1x20000xf32, #tpu.memory_space<vmem>>
    %dma_wait3A_325 = tpu.memref_squeeze %dma_wait3A_324 : memref<1x20000xf32, #tpu.memory_space<vmem>> -> memref<20000xf32, #tpu.memory_space<vmem>>
    %dma_wait3A_326 = arith.constant 0 : i32
    %dma_wait3A_327 = tpu.memref_slice %arg2[%add3A_167, %dma_wait3A_326] : memref<128x100000xf32, #tpu.memory_space<hbm>> -> memref<1x20000xf32, #tpu.memory_space<hbm>>
    %dma_wait3A_328 = tpu.memref_squeeze %dma_wait3A_327 : memref<1x20000xf32, #tpu.memory_space<hbm>> -> memref<20000xf32, #tpu.memory_space<hbm>>
    %dma_wait3A_329 = arith.constant 0 : i32
    %dma_wait3A_330 = tpu.memref_slice %arg5[%dma_wait3A_322, %dma_wait3A_329] : memref<2x20000xf32, #tpu.memory_space<vmem>> -> memref<1x20000xf32, #tpu.memory_space<vmem>>
    %dma_wait3A_331 = tpu.memref_squeeze %dma_wait3A_330 : memref<1x20000xf32, #tpu.memory_space<vmem>> -> memref<20000xf32, #tpu.memory_space<vmem>>
    %dma_wait3A_332 = arith.constant 0 : i32
    %dma_wait3A_333 = tpu.memref_slice %arg2[%add3A_167, %dma_wait3A_332] : memref<128x100000xf32, #tpu.memory_space<hbm>> -> memref<1x20000xf32, #tpu.memory_space<hbm>>
    %dma_wait3A_334 = tpu.memref_squeeze %dma_wait3A_333 : memref<1x20000xf32, #tpu.memory_space<hbm>> -> memref<20000xf32, #tpu.memory_space<hbm>>
    tpu.wait_dma2 semaphore(%arg10 : memref<!tpu.dma_semaphore, #tpu.memory_space<semaphore_mem>>) src(%dma_wait3A_334 : memref<20000xf32, #tpu.memory_space<hbm>>) dst(%dma_wait3A_331 : memref<20000xf32, #tpu.memory_space<vmem>>)
    %broadcast_in_dim3A_335 = arith.constant -3.000000e+38 : f32
    %broadcast_in_dim3A_336 = vector.broadcast %broadcast_in_dim3A_335 : f32 to vector<16xf32>
    %broadcast_in_dim3A_337 = arith.constant -3.000000e+38 : f32
    %broadcast_in_dim3A_338 = vector.broadcast %broadcast_in_dim3A_337 : f32 to vector<16xf32>
    %broadcast_in_dim3A_339 = arith.constant -3.000000e+38 : f32
    %broadcast_in_dim3A_340 = vector.broadcast %broadcast_in_dim3A_339 : f32 to vector<16xf32>
    %scan3A_341 = arith.constant 0 : i32
    %scan3A_342 = arith.constant 1250 : i32
    %scan3A_343 = arith.addi %scan3A_341, %scan3A_342 : i32
    %scan3A_344 = arith.constant 1 : i32
    %scan3A_345:3 = scf.for %scan3A_1200 = %scan3A_341 to %scan3A_343 step %scan3A_344 iter_args(%scan3A_1201 = %broadcast_in_dim3A_336, %scan3A_1202 = %broadcast_in_dim3A_338, %scan3A_1203 = %broadcast_in_dim3A_340) -> (vector<16xf32>, vector<16xf32>, vector<16xf32>)  : i32 {
      %mul3A_1204 = arith.constant 16 : i32
      %mul3A_1205 = arith.muli %scan3A_1200, %mul3A_1204 : i32
      %get3A_1206 = arith.constant 1 : i32
      %get3A_1207 = arith.index_cast %get3A_1206 : i32 to index
      %get3A_1208 = arith.index_cast %mul3A_1205 : i32 to index
      %get3A_1209 = tpu.vector_load %arg5[%get3A_1207, %get3A_1208] {strides = array<i32>} : memref<2x20000xf32, #tpu.memory_space<vmem>>, vector<16xf32>,
      %gt3A = arith.cmpf ogt, %get3A_1209, %scan3A_1201 : vector<16xf32>
      %gt3A_1210 = arith.cmpf ogt, %get3A_1209, %scan3A_1202 : vector<16xf32>
      %gt3A_1211 = arith.cmpf ogt, %get3A_1209, %scan3A_1203 : vector<16xf32>
      %select_n3A_1212 = arith.select %gt3A, %get3A_1209, %scan3A_1201 : vector<16xi1>, vector<16xf32>
      %select_n3A_1213 = arith.select %gt3A_1210, %get3A_1209, %scan3A_1202 : vector<16xi1>, vector<16xf32>
      %select_n3A_1214 = arith.select %gt3A, %scan3A_1201, %select_n3A_1213 : vector<16xi1>, vector<16xf32>
      %select_n3A_1215 = arith.select %gt3A_1211, %get3A_1209, %scan3A_1203 : vector<16xi1>, vector<16xf32>
      %select_n3A_1216 = arith.select %gt3A_1210, %scan3A_1202, %select_n3A_1215 : vector<16xi1>, vector<16xf32>
      scf.yield %select_n3A_1212, %select_n3A_1214, %select_n3A_1216 : vector<16xf32>, vector<16xf32>, vector<16xf32>
    }
    %scan3A_346 = arith.constant 1250 : i32
    %add3A_347 = arith.constant 1 : i32
    %add3A_348 = arith.addi %mul3A_2, %add3A_347 : i32
    %add3A_349 = arith.constant 1 : i32
    %add3A_350 = arith.addi %mul3A_2, %add3A_349 : i32
    %dma_start3A_351 = arith.constant 1 : i32
    %dma_start3A_352 = arith.constant 0 : i32
    %dma_start3A_353 = tpu.memref_slice %arg5[%dma_start3A_351, %dma_start3A_352] : memref<2x20000xf32, #tpu.memory_space<vmem>> -> memref<1x20000xf32, #tpu.memory_space<vmem>>
    %dma_start3A_354 = tpu.memref_squeeze %dma_start3A_353 : memref<1x20000xf32, #tpu.memory_space<vmem>> -> memref<20000xf32, #tpu.memory_space<vmem>>
    %dma_start3A_355 = arith.constant 40000 : i32
    %dma_start3A_356 = tpu.memref_slice %arg2[%add3A_350, %dma_start3A_355] : memref<128x100000xf32, #tpu.memory_space<hbm>> -> memref<1x20000xf32, #tpu.memory_space<hbm>>
    %dma_start3A_357 = tpu.memref_squeeze %dma_start3A_356 : memref<1x20000xf32, #tpu.memory_space<hbm>> -> memref<20000xf32, #tpu.memory_space<hbm>>
    %dma_start3A_358 = arith.constant 0 : i32
    %dma_start3A_359 = tpu.memref_slice %arg5[%dma_start3A_351, %dma_start3A_358] : memref<2x20000xf32, #tpu.memory_space<vmem>> -> memref<1x20000xf32, #tpu.memory_space<vmem>>
    %dma_start3A_360 = tpu.memref_squeeze %dma_start3A_359 : memref<1x20000xf32, #tpu.memory_space<vmem>> -> memref<20000xf32, #tpu.memory_space<vmem>>
    %dma_start3A_361 = arith.constant 40000 : i32
    %dma_start3A_362 = tpu.memref_slice %arg2[%add3A_350, %dma_start3A_361] : memref<128x100000xf32, #tpu.memory_space<hbm>> -> memref<1x20000xf32, #tpu.memory_space<hbm>>
    %dma_start3A_363 = tpu.memref_squeeze %dma_start3A_362 : memref<1x20000xf32, #tpu.memory_space<hbm>> -> memref<20000xf32, #tpu.memory_space<hbm>>
    tpu.enqueue_dma source(%dma_start3A_363 : memref<20000xf32, #tpu.memory_space<hbm>>) target(%dma_start3A_360 : memref<20000xf32, #tpu.memory_space<vmem>>) target_semaphore(%arg10 : memref<!tpu.dma_semaphore, #tpu.memory_space<semaphore_mem>>)
    %dma_wait3A_364 = arith.constant 0 : i32
    %dma_wait3A_365 = arith.constant 0 : i32
    %dma_wait3A_366 = tpu.memref_slice %arg5[%dma_wait3A_364, %dma_wait3A_365] : memref<2x20000xf32, #tpu.memory_space<vmem>> -> memref<1x20000xf32, #tpu.memory_space<vmem>>
    %dma_wait3A_367 = tpu.memref_squeeze %dma_wait3A_366 : memref<1x20000xf32, #tpu.memory_space<vmem>> -> memref<20000xf32, #tpu.memory_space<vmem>>
    %dma_wait3A_368 = arith.constant 20000 : i32
    %dma_wait3A_369 = tpu.memref_slice %arg2[%add3A_308, %dma_wait3A_368] : memref<128x100000xf32, #tpu.memory_space<hbm>> -> memref<1x20000xf32, #tpu.memory_space<hbm>>
    %dma_wait3A_370 = tpu.memref_squeeze %dma_wait3A_369 : memref<1x20000xf32, #tpu.memory_space<hbm>> -> memref<20000xf32, #tpu.memory_space<hbm>>
    %dma_wait3A_371 = arith.constant 0 : i32
    %dma_wait3A_372 = tpu.memref_slice %arg5[%dma_wait3A_364, %dma_wait3A_371] : memref<2x20000xf32, #tpu.memory_space<vmem>> -> memref<1x20000xf32, #tpu.memory_space<vmem>>
    %dma_wait3A_373 = tpu.memref_squeeze %dma_wait3A_372 : memref<1x20000xf32, #tpu.memory_space<vmem>> -> memref<20000xf32, #tpu.memory_space<vmem>>
    %dma_wait3A_374 = arith.constant 20000 : i32
    %dma_wait3A_375 = tpu.memref_slice %arg2[%add3A_308, %dma_wait3A_374] : memref<128x100000xf32, #tpu.memory_space<hbm>> -> memref<1x20000xf32, #tpu.memory_space<hbm>>
    %dma_wait3A_376 = tpu.memref_squeeze %dma_wait3A_375 : memref<1x20000xf32, #tpu.memory_space<hbm>> -> memref<20000xf32, #tpu.memory_space<hbm>>
    tpu.wait_dma2 semaphore(%arg9 : memref<!tpu.dma_semaphore, #tpu.memory_space<semaphore_mem>>) src(%dma_wait3A_376 : memref<20000xf32, #tpu.memory_space<hbm>>) dst(%dma_wait3A_373 : memref<20000xf32, #tpu.memory_space<vmem>>)
    %scan3A_377 = arith.constant 0 : i32
    %scan3A_378 = arith.constant 1250 : i32
    %scan3A_379 = arith.addi %scan3A_377, %scan3A_378 : i32
    %scan3A_380 = arith.constant 1 : i32
    %scan3A_381:3 = scf.for %scan3A_1200 = %scan3A_377 to %scan3A_379 step %scan3A_380 iter_args(%scan3A_1201 = %scan3A_345#0, %scan3A_1202 = %scan3A_345#1, %scan3A_1203 = %scan3A_345#2) -> (vector<16xf32>, vector<16xf32>, vector<16xf32>)  : i32 {
      %mul3A_1204 = arith.constant 16 : i32
      %mul3A_1205 = arith.muli %scan3A_1200, %mul3A_1204 : i32
      %get3A_1206 = arith.constant 0 : i32
      %get3A_1207 = arith.index_cast %get3A_1206 : i32 to index
      %get3A_1208 = arith.index_cast %mul3A_1205 : i32 to index
      %get3A_1209 = tpu.vector_load %arg5[%get3A_1207, %get3A_1208] {strides = array<i32>} : memref<2x20000xf32, #tpu.memory_space<vmem>>, vector<16xf32>,
      %gt3A = arith.cmpf ogt, %get3A_1209, %scan3A_1201 : vector<16xf32>
      %gt3A_1210 = arith.cmpf ogt, %get3A_1209, %scan3A_1202 : vector<16xf32>
      %gt3A_1211 = arith.cmpf ogt, %get3A_1209, %scan3A_1203 : vector<16xf32>
      %select_n3A_1212 = arith.select %gt3A, %get3A_1209, %scan3A_1201 : vector<16xi1>, vector<16xf32>
      %select_n3A_1213 = arith.select %gt3A_1210, %get3A_1209, %scan3A_1202 : vector<16xi1>, vector<16xf32>
      %select_n3A_1214 = arith.select %gt3A, %scan3A_1201, %select_n3A_1213 : vector<16xi1>, vector<16xf32>
      %select_n3A_1215 = arith.select %gt3A_1211, %get3A_1209, %scan3A_1203 : vector<16xi1>, vector<16xf32>
      %select_n3A_1216 = arith.select %gt3A_1210, %scan3A_1202, %select_n3A_1215 : vector<16xi1>, vector<16xf32>
      scf.yield %select_n3A_1212, %select_n3A_1214, %select_n3A_1216 : vector<16xf32>, vector<16xf32>, vector<16xf32>
    }
    %scan3A_382 = arith.constant 1250 : i32
    %add3A_383 = arith.constant 1 : i32
    %add3A_384 = arith.addi %mul3A_2, %add3A_383 : i32
    %add3A_385 = arith.constant 1 : i32
    %add3A_386 = arith.addi %mul3A_2, %add3A_385 : i32
    %dma_start3A_387 = arith.constant 0 : i32
    %dma_start3A_388 = arith.constant 0 : i32
    %dma_start3A_389 = tpu.memref_slice %arg5[%dma_start3A_387, %dma_start3A_388] : memref<2x20000xf32, #tpu.memory_space<vmem>> -> memref<1x20000xf32, #tpu.memory_space<vmem>>
    %dma_start3A_390 = tpu.memref_squeeze %dma_start3A_389 : memref<1x20000xf32, #tpu.memory_space<vmem>> -> memref<20000xf32, #tpu.memory_space<vmem>>
    %dma_start3A_391 = arith.constant 60000 : i32
    %dma_start3A_392 = tpu.memref_slice %arg2[%add3A_386, %dma_start3A_391] : memref<128x100000xf32, #tpu.memory_space<hbm>> -> memref<1x20000xf32, #tpu.memory_space<hbm>>
    %dma_start3A_393 = tpu.memref_squeeze %dma_start3A_392 : memref<1x20000xf32, #tpu.memory_space<hbm>> -> memref<20000xf32, #tpu.memory_space<hbm>>
    %dma_start3A_394 = arith.constant 0 : i32
    %dma_start3A_395 = tpu.memref_slice %arg5[%dma_start3A_387, %dma_start3A_394] : memref<2x20000xf32, #tpu.memory_space<vmem>> -> memref<1x20000xf32, #tpu.memory_space<vmem>>
    %dma_start3A_396 = tpu.memref_squeeze %dma_start3A_395 : memref<1x20000xf32, #tpu.memory_space<vmem>> -> memref<20000xf32, #tpu.memory_space<vmem>>
    %dma_start3A_397 = arith.constant 60000 : i32
    %dma_start3A_398 = tpu.memref_slice %arg2[%add3A_386, %dma_start3A_397] : memref<128x100000xf32, #tpu.memory_space<hbm>> -> memref<1x20000xf32, #tpu.memory_space<hbm>>
    %dma_start3A_399 = tpu.memref_squeeze %dma_start3A_398 : memref<1x20000xf32, #tpu.memory_space<hbm>> -> memref<20000xf32, #tpu.memory_space<hbm>>
    tpu.enqueue_dma source(%dma_start3A_399 : memref<20000xf32, #tpu.memory_space<hbm>>) target(%dma_start3A_396 : memref<20000xf32, #tpu.memory_space<vmem>>) target_semaphore(%arg9 : memref<!tpu.dma_semaphore, #tpu.memory_space<semaphore_mem>>)
    %dma_wait3A_400 = arith.constant 1 : i32
    %dma_wait3A_401 = arith.constant 0 : i32
    %dma_wait3A_402 = tpu.memref_slice %arg5[%dma_wait3A_400, %dma_wait3A_401] : memref<2x20000xf32, #tpu.memory_space<vmem>> -> memref<1x20000xf32, #tpu.memory_space<vmem>>
    %dma_wait3A_403 = tpu.memref_squeeze %dma_wait3A_402 : memref<1x20000xf32, #tpu.memory_space<vmem>> -> memref<20000xf32, #tpu.memory_space<vmem>>
    %dma_wait3A_404 = arith.constant 40000 : i32
    %dma_wait3A_405 = tpu.memref_slice %arg2[%add3A_350, %dma_wait3A_404] : memref<128x100000xf32, #tpu.memory_space<hbm>> -> memref<1x20000xf32, #tpu.memory_space<hbm>>
    %dma_wait3A_406 = tpu.memref_squeeze %dma_wait3A_405 : memref<1x20000xf32, #tpu.memory_space<hbm>> -> memref<20000xf32, #tpu.memory_space<hbm>>
    %dma_wait3A_407 = arith.constant 0 : i32
    %dma_wait3A_408 = tpu.memref_slice %arg5[%dma_wait3A_400, %dma_wait3A_407] : memref<2x20000xf32, #tpu.memory_space<vmem>> -> memref<1x20000xf32, #tpu.memory_space<vmem>>
    %dma_wait3A_409 = tpu.memref_squeeze %dma_wait3A_408 : memref<1x20000xf32, #tpu.memory_space<vmem>> -> memref<20000xf32, #tpu.memory_space<vmem>>
    %dma_wait3A_410 = arith.constant 40000 : i32
    %dma_wait3A_411 = tpu.memref_slice %arg2[%add3A_350, %dma_wait3A_410] : memref<128x100000xf32, #tpu.memory_space<hbm>> -> memref<1x20000xf32, #tpu.memory_space<hbm>>
    %dma_wait3A_412 = tpu.memref_squeeze %dma_wait3A_411 : memref<1x20000xf32, #tpu.memory_space<hbm>> -> memref<20000xf32, #tpu.memory_space<hbm>>
    tpu.wait_dma2 semaphore(%arg10 : memref<!tpu.dma_semaphore, #tpu.memory_space<semaphore_mem>>) src(%dma_wait3A_412 : memref<20000xf32, #tpu.memory_space<hbm>>) dst(%dma_wait3A_409 : memref<20000xf32, #tpu.memory_space<vmem>>)
    %scan3A_413 = arith.constant 0 : i32
    %scan3A_414 = arith.constant 1250 : i32
    %scan3A_415 = arith.addi %scan3A_413, %scan3A_414 : i32
    %scan3A_416 = arith.constant 1 : i32
    %scan3A_417:3 = scf.for %scan3A_1200 = %scan3A_413 to %scan3A_415 step %scan3A_416 iter_args(%scan3A_1201 = %scan3A_381#0, %scan3A_1202 = %scan3A_381#1, %scan3A_1203 = %scan3A_381#2) -> (vector<16xf32>, vector<16xf32>, vector<16xf32>)  : i32 {
      %mul3A_1204 = arith.constant 16 : i32
      %mul3A_1205 = arith.muli %scan3A_1200, %mul3A_1204 : i32
      %get3A_1206 = arith.constant 1 : i32
      %get3A_1207 = arith.index_cast %get3A_1206 : i32 to index
      %get3A_1208 = arith.index_cast %mul3A_1205 : i32 to index
      %get3A_1209 = tpu.vector_load %arg5[%get3A_1207, %get3A_1208] {strides = array<i32>} : memref<2x20000xf32, #tpu.memory_space<vmem>>, vector<16xf32>,
      %gt3A = arith.cmpf ogt, %get3A_1209, %scan3A_1201 : vector<16xf32>
      %gt3A_1210 = arith.cmpf ogt, %get3A_1209, %scan3A_1202 : vector<16xf32>
      %gt3A_1211 = arith.cmpf ogt, %get3A_1209, %scan3A_1203 : vector<16xf32>
      %select_n3A_1212 = arith.select %gt3A, %get3A_1209, %scan3A_1201 : vector<16xi1>, vector<16xf32>
      %select_n3A_1213 = arith.select %gt3A_1210, %get3A_1209, %scan3A_1202 : vector<16xi1>, vector<16xf32>
      %select_n3A_1214 = arith.select %gt3A, %scan3A_1201, %select_n3A_1213 : vector<16xi1>, vector<16xf32>
      %select_n3A_1215 = arith.select %gt3A_1211, %get3A_1209, %scan3A_1203 : vector<16xi1>, vector<16xf32>
      %select_n3A_1216 = arith.select %gt3A_1210, %scan3A_1202, %select_n3A_1215 : vector<16xi1>, vector<16xf32>
      scf.yield %select_n3A_1212, %select_n3A_1214, %select_n3A_1216 : vector<16xf32>, vector<16xf32>, vector<16xf32>
    }
    %scan3A_418 = arith.constant 1250 : i32
    %add3A_419 = arith.constant 1 : i32
    %add3A_420 = arith.addi %mul3A_2, %add3A_419 : i32
    %add3A_421 = arith.constant 1 : i32
    %add3A_422 = arith.addi %mul3A_2, %add3A_421 : i32
    %dma_start3A_423 = arith.constant 1 : i32
    %dma_start3A_424 = arith.constant 0 : i32
    %dma_start3A_425 = tpu.memref_slice %arg5[%dma_start3A_423, %dma_start3A_424] : memref<2x20000xf32, #tpu.memory_space<vmem>> -> memref<1x20000xf32, #tpu.memory_space<vmem>>
    %dma_start3A_426 = tpu.memref_squeeze %dma_start3A_425 : memref<1x20000xf32, #tpu.memory_space<vmem>> -> memref<20000xf32, #tpu.memory_space<vmem>>
    %dma_start3A_427 = arith.constant 80000 : i32
    %dma_start3A_428 = tpu.memref_slice %arg2[%add3A_422, %dma_start3A_427] : memref<128x100000xf32, #tpu.memory_space<hbm>> -> memref<1x20000xf32, #tpu.memory_space<hbm>>
    %dma_start3A_429 = tpu.memref_squeeze %dma_start3A_428 : memref<1x20000xf32, #tpu.memory_space<hbm>> -> memref<20000xf32, #tpu.memory_space<hbm>>
    %dma_start3A_430 = arith.constant 0 : i32
    %dma_start3A_431 = tpu.memref_slice %arg5[%dma_start3A_423, %dma_start3A_430] : memref<2x20000xf32, #tpu.memory_space<vmem>> -> memref<1x20000xf32, #tpu.memory_space<vmem>>
    %dma_start3A_432 = tpu.memref_squeeze %dma_start3A_431 : memref<1x20000xf32, #tpu.memory_space<vmem>> -> memref<20000xf32, #tpu.memory_space<vmem>>
    %dma_start3A_433 = arith.constant 80000 : i32
    %dma_start3A_434 = tpu.memref_slice %arg2[%add3A_422, %dma_start3A_433] : memref<128x100000xf32, #tpu.memory_space<hbm>> -> memref<1x20000xf32, #tpu.memory_space<hbm>>
    %dma_start3A_435 = tpu.memref_squeeze %dma_start3A_434 : memref<1x20000xf32, #tpu.memory_space<hbm>> -> memref<20000xf32, #tpu.memory_space<hbm>>
    tpu.enqueue_dma source(%dma_start3A_435 : memref<20000xf32, #tpu.memory_space<hbm>>) target(%dma_start3A_432 : memref<20000xf32, #tpu.memory_space<vmem>>) target_semaphore(%arg10 : memref<!tpu.dma_semaphore, #tpu.memory_space<semaphore_mem>>)
    %dma_wait3A_436 = arith.constant 0 : i32
    %dma_wait3A_437 = arith.constant 0 : i32
    %dma_wait3A_438 = tpu.memref_slice %arg5[%dma_wait3A_436, %dma_wait3A_437] : memref<2x20000xf32, #tpu.memory_space<vmem>> -> memref<1x20000xf32, #tpu.memory_space<vmem>>
    %dma_wait3A_439 = tpu.memref_squeeze %dma_wait3A_438 : memref<1x20000xf32, #tpu.memory_space<vmem>> -> memref<20000xf32, #tpu.memory_space<vmem>>
    %dma_wait3A_440 = arith.constant 60000 : i32
    %dma_wait3A_441 = tpu.memref_slice %arg2[%add3A_386, %dma_wait3A_440] : memref<128x100000xf32, #tpu.memory_space<hbm>> -> memref<1x20000xf32, #tpu.memory_space<hbm>>
    %dma_wait3A_442 = tpu.memref_squeeze %dma_wait3A_441 : memref<1x20000xf32, #tpu.memory_space<hbm>> -> memref<20000xf32, #tpu.memory_space<hbm>>
    %dma_wait3A_443 = arith.constant 0 : i32
    %dma_wait3A_444 = tpu.memref_slice %arg5[%dma_wait3A_436, %dma_wait3A_443] : memref<2x20000xf32, #tpu.memory_space<vmem>> -> memref<1x20000xf32, #tpu.memory_space<vmem>>
    %dma_wait3A_445 = tpu.memref_squeeze %dma_wait3A_444 : memref<1x20000xf32, #tpu.memory_space<vmem>> -> memref<20000xf32, #tpu.memory_space<vmem>>
    %dma_wait3A_446 = arith.constant 60000 : i32
    %dma_wait3A_447 = tpu.memref_slice %arg2[%add3A_386, %dma_wait3A_446] : memref<128x100000xf32, #tpu.memory_space<hbm>> -> memref<1x20000xf32, #tpu.memory_space<hbm>>
    %dma_wait3A_448 = tpu.memref_squeeze %dma_wait3A_447 : memref<1x20000xf32, #tpu.memory_space<hbm>> -> memref<20000xf32, #tpu.memory_space<hbm>>
    tpu.wait_dma2 semaphore(%arg9 : memref<!tpu.dma_semaphore, #tpu.memory_space<semaphore_mem>>) src(%dma_wait3A_448 : memref<20000xf32, #tpu.memory_space<hbm>>) dst(%dma_wait3A_445 : memref<20000xf32, #tpu.memory_space<vmem>>)
    %scan3A_449 = arith.constant 0 : i32
    %scan3A_450 = arith.constant 1250 : i32
    %scan3A_451 = arith.addi %scan3A_449, %scan3A_450 : i32
    %scan3A_452 = arith.constant 1 : i32
    %scan3A_453:3 = scf.for %scan3A_1200 = %scan3A_449 to %scan3A_451 step %scan3A_452 iter_args(%scan3A_1201 = %scan3A_417#0, %scan3A_1202 = %scan3A_417#1, %scan3A_1203 = %scan3A_417#2) -> (vector<16xf32>, vector<16xf32>, vector<16xf32>)  : i32 {
      %mul3A_1204 = arith.constant 16 : i32
      %mul3A_1205 = arith.muli %scan3A_1200, %mul3A_1204 : i32
      %get3A_1206 = arith.constant 0 : i32
      %get3A_1207 = arith.index_cast %get3A_1206 : i32 to index
      %get3A_1208 = arith.index_cast %mul3A_1205 : i32 to index
      %get3A_1209 = tpu.vector_load %arg5[%get3A_1207, %get3A_1208] {strides = array<i32>} : memref<2x20000xf32, #tpu.memory_space<vmem>>, vector<16xf32>,
      %gt3A = arith.cmpf ogt, %get3A_1209, %scan3A_1201 : vector<16xf32>
      %gt3A_1210 = arith.cmpf ogt, %get3A_1209, %scan3A_1202 : vector<16xf32>
      %gt3A_1211 = arith.cmpf ogt, %get3A_1209, %scan3A_1203 : vector<16xf32>
      %select_n3A_1212 = arith.select %gt3A, %get3A_1209, %scan3A_1201 : vector<16xi1>, vector<16xf32>
      %select_n3A_1213 = arith.select %gt3A_1210, %get3A_1209, %scan3A_1202 : vector<16xi1>, vector<16xf32>
      %select_n3A_1214 = arith.select %gt3A, %scan3A_1201, %select_n3A_1213 : vector<16xi1>, vector<16xf32>
      %select_n3A_1215 = arith.select %gt3A_1211, %get3A_1209, %scan3A_1203 : vector<16xi1>, vector<16xf32>
      %select_n3A_1216 = arith.select %gt3A_1210, %scan3A_1202, %select_n3A_1215 : vector<16xi1>, vector<16xf32>
      scf.yield %select_n3A_1212, %select_n3A_1214, %select_n3A_1216 : vector<16xf32>, vector<16xf32>, vector<16xf32>
    }
    %scan3A_454 = arith.constant 1250 : i32
    %add3A_455 = arith.constant 1 : i32
    %add3A_456 = arith.addi %mul3A_2, %add3A_455 : i32
    %add3A_457 = arith.constant 2 : i32
    %add3A_458 = arith.addi %mul3A_2, %add3A_457 : i32
    %dma_start3A_459 = arith.constant 0 : i32
    %dma_start3A_460 = arith.constant 0 : i32
    %dma_start3A_461 = tpu.memref_slice %arg5[%dma_start3A_459, %dma_start3A_460] : memref<2x20000xf32, #tpu.memory_space<vmem>> -> memref<1x20000xf32, #tpu.memory_space<vmem>>
    %dma_start3A_462 = tpu.memref_squeeze %dma_start3A_461 : memref<1x20000xf32, #tpu.memory_space<vmem>> -> memref<20000xf32, #tpu.memory_space<vmem>>
    %dma_start3A_463 = arith.constant 0 : i32
    %dma_start3A_464 = tpu.memref_slice %arg2[%add3A_458, %dma_start3A_463] : memref<128x100000xf32, #tpu.memory_space<hbm>> -> memref<1x20000xf32, #tpu.memory_space<hbm>>
    %dma_start3A_465 = tpu.memref_squeeze %dma_start3A_464 : memref<1x20000xf32, #tpu.memory_space<hbm>> -> memref<20000xf32, #tpu.memory_space<hbm>>
    %dma_start3A_466 = arith.constant 0 : i32
    %dma_start3A_467 = tpu.memref_slice %arg5[%dma_start3A_459, %dma_start3A_466] : memref<2x20000xf32, #tpu.memory_space<vmem>> -> memref<1x20000xf32, #tpu.memory_space<vmem>>
    %dma_start3A_468 = tpu.memref_squeeze %dma_start3A_467 : memref<1x20000xf32, #tpu.memory_space<vmem>> -> memref<20000xf32, #tpu.memory_space<vmem>>
    %dma_start3A_469 = arith.constant 0 : i32
    %dma_start3A_470 = tpu.memref_slice %arg2[%add3A_458, %dma_start3A_469] : memref<128x100000xf32, #tpu.memory_space<hbm>> -> memref<1x20000xf32, #tpu.memory_space<hbm>>
    %dma_start3A_471 = tpu.memref_squeeze %dma_start3A_470 : memref<1x20000xf32, #tpu.memory_space<hbm>> -> memref<20000xf32, #tpu.memory_space<hbm>>
    tpu.enqueue_dma source(%dma_start3A_471 : memref<20000xf32, #tpu.memory_space<hbm>>) target(%dma_start3A_468 : memref<20000xf32, #tpu.memory_space<vmem>>) target_semaphore(%arg9 : memref<!tpu.dma_semaphore, #tpu.memory_space<semaphore_mem>>)
    %dma_wait3A_472 = arith.constant 1 : i32
    %dma_wait3A_473 = arith.constant 0 : i32
    %dma_wait3A_474 = tpu.memref_slice %arg5[%dma_wait3A_472, %dma_wait3A_473] : memref<2x20000xf32, #tpu.memory_space<vmem>> -> memref<1x20000xf32, #tpu.memory_space<vmem>>
    %dma_wait3A_475 = tpu.memref_squeeze %dma_wait3A_474 : memref<1x20000xf32, #tpu.memory_space<vmem>> -> memref<20000xf32, #tpu.memory_space<vmem>>
    %dma_wait3A_476 = arith.constant 80000 : i32
    %dma_wait3A_477 = tpu.memref_slice %arg2[%add3A_422, %dma_wait3A_476] : memref<128x100000xf32, #tpu.memory_space<hbm>> -> memref<1x20000xf32, #tpu.memory_space<hbm>>
    %dma_wait3A_478 = tpu.memref_squeeze %dma_wait3A_477 : memref<1x20000xf32, #tpu.memory_space<hbm>> -> memref<20000xf32, #tpu.memory_space<hbm>>
    %dma_wait3A_479 = arith.constant 0 : i32
    %dma_wait3A_480 = tpu.memref_slice %arg5[%dma_wait3A_472, %dma_wait3A_479] : memref<2x20000xf32, #tpu.memory_space<vmem>> -> memref<1x20000xf32, #tpu.memory_space<vmem>>
    %dma_wait3A_481 = tpu.memref_squeeze %dma_wait3A_480 : memref<1x20000xf32, #tpu.memory_space<vmem>> -> memref<20000xf32, #tpu.memory_space<vmem>>
    %dma_wait3A_482 = arith.constant 80000 : i32
    %dma_wait3A_483 = tpu.memref_slice %arg2[%add3A_422, %dma_wait3A_482] : memref<128x100000xf32, #tpu.memory_space<hbm>> -> memref<1x20000xf32, #tpu.memory_space<hbm>>
    %dma_wait3A_484 = tpu.memref_squeeze %dma_wait3A_483 : memref<1x20000xf32, #tpu.memory_space<hbm>> -> memref<20000xf32, #tpu.memory_space<hbm>>
    tpu.wait_dma2 semaphore(%arg10 : memref<!tpu.dma_semaphore, #tpu.memory_space<semaphore_mem>>) src(%dma_wait3A_484 : memref<20000xf32, #tpu.memory_space<hbm>>) dst(%dma_wait3A_481 : memref<20000xf32, #tpu.memory_space<vmem>>)
    %scan3A_485 = arith.constant 0 : i32
    %scan3A_486 = arith.constant 1250 : i32
    %scan3A_487 = arith.addi %scan3A_485, %scan3A_486 : i32
    %scan3A_488 = arith.constant 1 : i32
    %scan3A_489:3 = scf.for %scan3A_1200 = %scan3A_485 to %scan3A_487 step %scan3A_488 iter_args(%scan3A_1201 = %scan3A_453#0, %scan3A_1202 = %scan3A_453#1, %scan3A_1203 = %scan3A_453#2) -> (vector<16xf32>, vector<16xf32>, vector<16xf32>)  : i32 {
      %mul3A_1204 = arith.constant 16 : i32
      %mul3A_1205 = arith.muli %scan3A_1200, %mul3A_1204 : i32
      %get3A_1206 = arith.constant 1 : i32
      %get3A_1207 = arith.index_cast %get3A_1206 : i32 to index
      %get3A_1208 = arith.index_cast %mul3A_1205 : i32 to index
      %get3A_1209 = tpu.vector_load %arg5[%get3A_1207, %get3A_1208] {strides = array<i32>} : memref<2x20000xf32, #tpu.memory_space<vmem>>, vector<16xf32>,
      %gt3A = arith.cmpf ogt, %get3A_1209, %scan3A_1201 : vector<16xf32>
      %gt3A_1210 = arith.cmpf ogt, %get3A_1209, %scan3A_1202 : vector<16xf32>
      %gt3A_1211 = arith.cmpf ogt, %get3A_1209, %scan3A_1203 : vector<16xf32>
      %select_n3A_1212 = arith.select %gt3A, %get3A_1209, %scan3A_1201 : vector<16xi1>, vector<16xf32>
      %select_n3A_1213 = arith.select %gt3A_1210, %get3A_1209, %scan3A_1202 : vector<16xi1>, vector<16xf32>
      %select_n3A_1214 = arith.select %gt3A, %scan3A_1201, %select_n3A_1213 : vector<16xi1>, vector<16xf32>
      %select_n3A_1215 = arith.select %gt3A_1211, %get3A_1209, %scan3A_1203 : vector<16xi1>, vector<16xf32>
      %select_n3A_1216 = arith.select %gt3A_1210, %scan3A_1202, %select_n3A_1215 : vector<16xi1>, vector<16xf32>
      scf.yield %select_n3A_1212, %select_n3A_1214, %select_n3A_1216 : vector<16xf32>, vector<16xf32>, vector<16xf32>
    }
    %scan3A_490 = arith.constant 1250 : i32
    %reduce_max3A_491 = arith.constant true
    %reduce_max3A_492 = vector.broadcast %reduce_max3A_491 : i1 to vector<16xi1>
    %reduce_max3A_493 = tpu.scan <max>, %scan3A_489#0 masked %reduce_max3A_492 : vector<16xf32>, vector<16xi1> -> vector<16xf32>
    %reduce_max3A_494 = vector.extract %reduce_max3A_493[15] : f32 from vector<16xf32>
    %eq3A_495 = vector.broadcast %reduce_max3A_494 : f32 to vector<16xf32>
    %eq3A_496 = arith.cmpf oeq, %scan3A_489#0, %eq3A_495 : vector<16xf32>
    %all_reduce_ffs3A_497 = tpu.all_reduce %eq3A_496 {dim = 0 : i64, kind = #tpu.reduction_kind<find_first_set>} : vector<16xi1> -> vector<16xi32>
    %eq3A_498 = arith.cmpi eq, %iota3A, %all_reduce_ffs3A_497 : vector<16xi32>
    %select_n3A_499 = arith.select %eq3A_498, %scan3A_489#1, %scan3A_489#0 : vector<16xi1>, vector<16xf32>
    %select_n3A_500 = arith.select %eq3A_498, %scan3A_489#2, %scan3A_489#1 : vector<16xi1>, vector<16xf32>
    %reduce_max3A_501 = arith.constant true
    %reduce_max3A_502 = vector.broadcast %reduce_max3A_501 : i1 to vector<16xi1>
    %reduce_max3A_503 = tpu.scan <max>, %select_n3A_499 masked %reduce_max3A_502 : vector<16xf32>, vector<16xi1> -> vector<16xf32>
    %reduce_max3A_504 = vector.extract %reduce_max3A_503[15] : f32 from vector<16xf32>
    %eq3A_505 = vector.broadcast %reduce_max3A_504 : f32 to vector<16xf32>
    %eq3A_506 = arith.cmpf oeq, %select_n3A_499, %eq3A_505 : vector<16xf32>
    %all_reduce_ffs3A_507 = tpu.all_reduce %eq3A_506 {dim = 0 : i64, kind = #tpu.reduction_kind<find_first_set>} : vector<16xi1> -> vector<16xi32>
    %eq3A_508 = arith.cmpi eq, %iota3A, %all_reduce_ffs3A_507 : vector<16xi32>
    %select_n3A_509 = arith.select %eq3A_508, %select_n3A_500, %select_n3A_499 : vector<16xi1>, vector<16xf32>
    %reduce_max3A_510 = arith.constant true
    %reduce_max3A_511 = vector.broadcast %reduce_max3A_510 : i1 to vector<16xi1>
    %reduce_max3A_512 = tpu.scan <max>, %select_n3A_509 masked %reduce_max3A_511 : vector<16xf32>, vector<16xi1> -> vector<16xf32>
    %reduce_max3A_513 = vector.extract %reduce_max3A_512[15] : f32 from vector<16xf32>
    %jit3A_514 = arith.constant 16 : i32
    %div3A_515 = arith.divsi %mul3A_2, %jit3A_514 : i32
    %sign3A_516 = arith.constant 0 : i32
    %sign3A_517 = arith.cmpi sgt, %mul3A_2, %sign3A_516 : i32
    %sign3A_518 = arith.extui %sign3A_517 : i1 to i32
    %sign3A_519 = arith.constant 0 : i32
    %sign3A_520 = arith.cmpi slt, %mul3A_2, %sign3A_519 : i32
    %sign3A_521 = arith.extui %sign3A_520 : i1 to i32
    %sign3A_522 = arith.subi %sign3A_518, %sign3A_521 : i32
    %sign3A_523 = arith.constant 0 : i32
    %sign3A_524 = arith.cmpi sgt, %jit3A_514, %sign3A_523 : i32
    %sign3A_525 = arith.extui %sign3A_524 : i1 to i32
    %sign3A_526 = arith.constant 0 : i32
    %sign3A_527 = arith.cmpi slt, %jit3A_514, %sign3A_526 : i32
    %sign3A_528 = arith.extui %sign3A_527 : i1 to i32
    %sign3A_529 = arith.subi %sign3A_525, %sign3A_528 : i32
    %ne3A_530 = arith.cmpi ne, %sign3A_522, %sign3A_529 : i32
    %rem3A_531 = arith.remsi %mul3A_2, %jit3A_514 : i32
    %ne3A_532 = arith.constant 0 : i32
    %ne3A_533 = arith.cmpi ne, %rem3A_531, %ne3A_532 : i32
    %and3A_534 = arith.andi %ne3A_530, %ne3A_533 : i1
    %sub3A_535 = arith.constant 1 : i32
    %sub3A_536 = arith.subi %div3A_515, %sub3A_535 : i32
    %select_n3A_537 = arith.select %and3A_534, %sub3A_536, %div3A_515 : i32
    %mul3A_538 = arith.constant 16 : i32
    %mul3A_539 = arith.muli %select_n3A_537, %mul3A_538 : i32
    %get3A_540 = arith.index_cast %mul3A_539 : i32 to index
    %get3A_541 = tpu.vector_load %arg6[%get3A_540] {strides = array<i32>} : memref<128xi32, #tpu.memory_space<vmem>>, vector<16xi32>,
    %sub3A_542 = arith.subi %add3A_456, %mul3A_539 : i32
    %eq3A_543 = vector.broadcast %sub3A_542 : i32 to vector<16xi32>
    %eq3A_544 = arith.cmpi eq, %iota3A, %eq3A_543 : vector<16xi32>
    %jit3A_545 = arith.constant 0 : i32
    %broadcast_in_dim3A_546 = vector.broadcast %jit3A_545 : i32 to vector<16xi32>
    %select_n3A_547 = arith.select %eq3A_544, %get3A_541, %broadcast_in_dim3A_546 : vector<16xi1>, vector<16xi32>
    %reduce_max3A_548 = arith.constant true
    %reduce_max3A_549 = vector.broadcast %reduce_max3A_548 : i1 to vector<16xi1>
    %reduce_max3A_550 = arith.constant -2147483648 : i32
    %reduce_max3A_551 = vector.broadcast %reduce_max3A_550 : i32 to vector<16xi32>
    %reduce_max3A_552 = arith.xori %select_n3A_547, %reduce_max3A_551 : vector<16xi32>
    %reduce_max3A_553 = tpu.scan <max>, %reduce_max3A_552 masked %reduce_max3A_549 : vector<16xi32>, vector<16xi1> -> vector<16xi32>
    %reduce_max3A_554 = arith.xori %reduce_max3A_553, %reduce_max3A_551 : vector<16xi32>
    %reduce_max3A_555 = vector.extract %reduce_max3A_554[15] : i32 from vector<16xi32>
    %jit3A_556 = arith.constant 16 : i32
    %div3A_557 = arith.divsi %reduce_max3A_555, %jit3A_556 : i32
    %sign3A_558 = arith.constant 0 : i32
    %sign3A_559 = arith.cmpi sgt, %reduce_max3A_555, %sign3A_558 : i32
    %sign3A_560 = arith.extui %sign3A_559 : i1 to i32
    %sign3A_561 = arith.constant 0 : i32
    %sign3A_562 = arith.cmpi slt, %reduce_max3A_555, %sign3A_561 : i32
    %sign3A_563 = arith.extui %sign3A_562 : i1 to i32
    %sign3A_564 = arith.subi %sign3A_560, %sign3A_563 : i32
    %sign3A_565 = arith.constant 0 : i32
    %sign3A_566 = arith.cmpi sgt, %jit3A_556, %sign3A_565 : i32
    %sign3A_567 = arith.extui %sign3A_566 : i1 to i32
    %sign3A_568 = arith.constant 0 : i32
    %sign3A_569 = arith.cmpi slt, %jit3A_556, %sign3A_568 : i32
    %sign3A_570 = arith.extui %sign3A_569 : i1 to i32
    %sign3A_571 = arith.subi %sign3A_567, %sign3A_570 : i32
    %ne3A_572 = arith.cmpi ne, %sign3A_564, %sign3A_571 : i32
    %rem3A_573 = arith.remsi %reduce_max3A_555, %jit3A_556 : i32
    %ne3A_574 = arith.constant 0 : i32
    %ne3A_575 = arith.cmpi ne, %rem3A_573, %ne3A_574 : i32
    %and3A_576 = arith.andi %ne3A_572, %ne3A_575 : i1
    %sub3A_577 = arith.constant 1 : i32
    %sub3A_578 = arith.subi %div3A_557, %sub3A_577 : i32
    %select_n3A_579 = arith.select %and3A_576, %sub3A_578, %div3A_557 : i32
    %mul3A_580 = arith.constant 16 : i32
    %mul3A_581 = arith.muli %select_n3A_579, %mul3A_580 : i32
    "tpu.region"() ({
      %run_scoped3A = tpu.sem_alloc : memref<!tpu.dma_semaphore, #tpu.memory_space<semaphore_mem>>
      %dma_start3A_1200 = tpu.memref_slice %arg2[%add3A_456, %mul3A_581] : memref<128x100000xf32, #tpu.memory_space<hbm>> -> memref<1x16xf32, #tpu.memory_space<hbm>>
      %dma_start3A_1201 = tpu.memref_squeeze %dma_start3A_1200 : memref<1x16xf32, #tpu.memory_space<hbm>> -> memref<16xf32, #tpu.memory_space<hbm>>
      %dma_start3A_1202 = tpu.memref_slice %arg2[%add3A_456, %mul3A_581] : memref<128x100000xf32, #tpu.memory_space<hbm>> -> memref<1x16xf32, #tpu.memory_space<hbm>>
      %dma_start3A_1203 = tpu.memref_squeeze %dma_start3A_1202 : memref<1x16xf32, #tpu.memory_space<hbm>> -> memref<16xf32, #tpu.memory_space<hbm>>
      tpu.enqueue_dma source(%dma_start3A_1203 : memref<16xf32, #tpu.memory_space<hbm>>) target(%arg7 : memref<16xf32, #tpu.memory_space<vmem>>) target_semaphore(%run_scoped3A : memref<!tpu.dma_semaphore, #tpu.memory_space<semaphore_mem>>)
      %dma_wait3A_1204 = tpu.memref_slice %arg2[%add3A_456, %mul3A_581] : memref<128x100000xf32, #tpu.memory_space<hbm>> -> memref<1x16xf32, #tpu.memory_space<hbm>>
      %dma_wait3A_1205 = tpu.memref_squeeze %dma_wait3A_1204 : memref<1x16xf32, #tpu.memory_space<hbm>> -> memref<16xf32, #tpu.memory_space<hbm>>
      %dma_wait3A_1206 = tpu.memref_slice %arg2[%add3A_456, %mul3A_581] : memref<128x100000xf32, #tpu.memory_space<hbm>> -> memref<1x16xf32, #tpu.memory_space<hbm>>
      %dma_wait3A_1207 = tpu.memref_squeeze %dma_wait3A_1206 : memref<1x16xf32, #tpu.memory_space<hbm>> -> memref<16xf32, #tpu.memory_space<hbm>>
      tpu.wait_dma2 semaphore(%run_scoped3A : memref<!tpu.dma_semaphore, #tpu.memory_space<semaphore_mem>>) src(%dma_wait3A_1207 : memref<16xf32, #tpu.memory_space<hbm>>) dst(%arg7 : memref<16xf32, #tpu.memory_space<vmem>>)
      tpu.yield
    }) : () -> ()
    %sub3A_582 = arith.subi %reduce_max3A_555, %mul3A_581 : i32
    %eq3A_583 = vector.broadcast %sub3A_582 : i32 to vector<16xi32>
    %eq3A_584 = arith.cmpi eq, %iota3A, %eq3A_583 : vector<16xi32>
    %get3A_585 = arith.constant 0 : index
    %get3A_586 = tpu.vector_load %arg7[%get3A_585] {strides = array<i32>} : memref<16xf32, #tpu.memory_space<vmem>>, vector<16xf32>,
    %jit3A_587 = arith.constant -3.000000e+38 : f32
    %broadcast_in_dim3A_588 = vector.broadcast %jit3A_587 : f32 to vector<16xf32>
    %select_n3A_589 = arith.select %eq3A_584, %get3A_586, %broadcast_in_dim3A_588 : vector<16xi1>, vector<16xf32>
    %reduce_max3A_590 = arith.constant true
    %reduce_max3A_591 = vector.broadcast %reduce_max3A_590 : i1 to vector<16xi1>
    %reduce_max3A_592 = tpu.scan <max>, %select_n3A_589 masked %reduce_max3A_591 : vector<16xf32>, vector<16xi1> -> vector<16xf32>
    %reduce_max3A_593 = vector.extract %reduce_max3A_592[15] : f32 from vector<16xf32>
    %eq3A_594 = arith.cmpf oeq, %reduce_max3A_593, %reduce_max3A_494 : f32
    %sub3A_595 = arith.subf %reduce_max3A_504, %reduce_max3A_593 : f32
    %sub3A_596 = arith.subf %reduce_max3A_494, %reduce_max3A_593 : f32
    %select_n3A_597 = arith.select %eq3A_594, %sub3A_595, %sub3A_596 : f32
    %sub3A_598 = arith.subf %reduce_max3A_494, %reduce_max3A_513 : f32
    %add3A_599 = arith.constant 9.99999996E-13 : f32
    %add3A_600 = arith.addf %sub3A_598, %add3A_599 : f32
    %broadcast_in_dim3A_601 = vector.broadcast %select_n3A_597 : f32 to vector<16xf32>
    %broadcast_in_dim3A_602 = vector.broadcast %add3A_600 : f32 to vector<16xf32>
    %div3A_603 = arith.divf %broadcast_in_dim3A_601, %broadcast_in_dim3A_602 : vector<16xf32>
    %eq3A_604 = arith.constant 1 : i32
    %eq3A_605 = vector.broadcast %eq3A_604 : i32 to vector<16xi32>
    %eq3A_606 = arith.cmpi eq, %iota3A, %eq3A_605 : vector<16xi32>
    %select_n3A_607 = arith.select %eq3A_606, %div3A_603, %select_n3A_304 : vector<16xi1>, vector<16xf32>
    %add3A_608 = arith.constant 2 : i32
    %add3A_609 = arith.addi %mul3A_2, %add3A_608 : i32
    %add3A_610 = arith.constant 2 : i32
    %add3A_611 = arith.addi %mul3A_2, %add3A_610 : i32
    %dma_start3A_612 = arith.constant 1 : i32
    %dma_start3A_613 = arith.constant 0 : i32
    %dma_start3A_614 = tpu.memref_slice %arg5[%dma_start3A_612, %dma_start3A_613] : memref<2x20000xf32, #tpu.memory_space<vmem>> -> memref<1x20000xf32, #tpu.memory_space<vmem>>
    %dma_start3A_615 = tpu.memref_squeeze %dma_start3A_614 : memref<1x20000xf32, #tpu.memory_space<vmem>> -> memref<20000xf32, #tpu.memory_space<vmem>>
    %dma_start3A_616 = arith.constant 20000 : i32
    %dma_start3A_617 = tpu.memref_slice %arg2[%add3A_611, %dma_start3A_616] : memref<128x100000xf32, #tpu.memory_space<hbm>> -> memref<1x20000xf32, #tpu.memory_space<hbm>>
    %dma_start3A_618 = tpu.memref_squeeze %dma_start3A_617 : memref<1x20000xf32, #tpu.memory_space<hbm>> -> memref<20000xf32, #tpu.memory_space<hbm>>
    %dma_start3A_619 = arith.constant 0 : i32
    %dma_start3A_620 = tpu.memref_slice %arg5[%dma_start3A_612, %dma_start3A_619] : memref<2x20000xf32, #tpu.memory_space<vmem>> -> memref<1x20000xf32, #tpu.memory_space<vmem>>
    %dma_start3A_621 = tpu.memref_squeeze %dma_start3A_620 : memref<1x20000xf32, #tpu.memory_space<vmem>> -> memref<20000xf32, #tpu.memory_space<vmem>>
    %dma_start3A_622 = arith.constant 20000 : i32
    %dma_start3A_623 = tpu.memref_slice %arg2[%add3A_611, %dma_start3A_622] : memref<128x100000xf32, #tpu.memory_space<hbm>> -> memref<1x20000xf32, #tpu.memory_space<hbm>>
    %dma_start3A_624 = tpu.memref_squeeze %dma_start3A_623 : memref<1x20000xf32, #tpu.memory_space<hbm>> -> memref<20000xf32, #tpu.memory_space<hbm>>
    tpu.enqueue_dma source(%dma_start3A_624 : memref<20000xf32, #tpu.memory_space<hbm>>) target(%dma_start3A_621 : memref<20000xf32, #tpu.memory_space<vmem>>) target_semaphore(%arg10 : memref<!tpu.dma_semaphore, #tpu.memory_space<semaphore_mem>>)
    %dma_wait3A_625 = arith.constant 0 : i32
    %dma_wait3A_626 = arith.constant 0 : i32
    %dma_wait3A_627 = tpu.memref_slice %arg5[%dma_wait3A_625, %dma_wait3A_626] : memref<2x20000xf32, #tpu.memory_space<vmem>> -> memref<1x20000xf32, #tpu.memory_space<vmem>>
    %dma_wait3A_628 = tpu.memref_squeeze %dma_wait3A_627 : memref<1x20000xf32, #tpu.memory_space<vmem>> -> memref<20000xf32, #tpu.memory_space<vmem>>
    %dma_wait3A_629 = arith.constant 0 : i32
    %dma_wait3A_630 = tpu.memref_slice %arg2[%add3A_458, %dma_wait3A_629] : memref<128x100000xf32, #tpu.memory_space<hbm>> -> memref<1x20000xf32, #tpu.memory_space<hbm>>
    %dma_wait3A_631 = tpu.memref_squeeze %dma_wait3A_630 : memref<1x20000xf32, #tpu.memory_space<hbm>> -> memref<20000xf32, #tpu.memory_space<hbm>>
    %dma_wait3A_632 = arith.constant 0 : i32
    %dma_wait3A_633 = tpu.memref_slice %arg5[%dma_wait3A_625, %dma_wait3A_632] : memref<2x20000xf32, #tpu.memory_space<vmem>> -> memref<1x20000xf32, #tpu.memory_space<vmem>>
    %dma_wait3A_634 = tpu.memref_squeeze %dma_wait3A_633 : memref<1x20000xf32, #tpu.memory_space<vmem>> -> memref<20000xf32, #tpu.memory_space<vmem>>
    %dma_wait3A_635 = arith.constant 0 : i32
    %dma_wait3A_636 = tpu.memref_slice %arg2[%add3A_458, %dma_wait3A_635] : memref<128x100000xf32, #tpu.memory_space<hbm>> -> memref<1x20000xf32, #tpu.memory_space<hbm>>
    %dma_wait3A_637 = tpu.memref_squeeze %dma_wait3A_636 : memref<1x20000xf32, #tpu.memory_space<hbm>> -> memref<20000xf32, #tpu.memory_space<hbm>>
    tpu.wait_dma2 semaphore(%arg9 : memref<!tpu.dma_semaphore, #tpu.memory_space<semaphore_mem>>) src(%dma_wait3A_637 : memref<20000xf32, #tpu.memory_space<hbm>>) dst(%dma_wait3A_634 : memref<20000xf32, #tpu.memory_space<vmem>>)
    %broadcast_in_dim3A_638 = arith.constant -3.000000e+38 : f32
    %broadcast_in_dim3A_639 = vector.broadcast %broadcast_in_dim3A_638 : f32 to vector<16xf32>
    %broadcast_in_dim3A_640 = arith.constant -3.000000e+38 : f32
    %broadcast_in_dim3A_641 = vector.broadcast %broadcast_in_dim3A_640 : f32 to vector<16xf32>
    %broadcast_in_dim3A_642 = arith.constant -3.000000e+38 : f32
    %broadcast_in_dim3A_643 = vector.broadcast %broadcast_in_dim3A_642 : f32 to vector<16xf32>
    %scan3A_644 = arith.constant 0 : i32
    %scan3A_645 = arith.constant 1250 : i32
    %scan3A_646 = arith.addi %scan3A_644, %scan3A_645 : i32
    %scan3A_647 = arith.constant 1 : i32
    %scan3A_648:3 = scf.for %scan3A_1200 = %scan3A_644 to %scan3A_646 step %scan3A_647 iter_args(%scan3A_1201 = %broadcast_in_dim3A_639, %scan3A_1202 = %broadcast_in_dim3A_641, %scan3A_1203 = %broadcast_in_dim3A_643) -> (vector<16xf32>, vector<16xf32>, vector<16xf32>)  : i32 {
      %mul3A_1204 = arith.constant 16 : i32
      %mul3A_1205 = arith.muli %scan3A_1200, %mul3A_1204 : i32
      %get3A_1206 = arith.constant 0 : i32
      %get3A_1207 = arith.index_cast %get3A_1206 : i32 to index
      %get3A_1208 = arith.index_cast %mul3A_1205 : i32 to index
      %get3A_1209 = tpu.vector_load %arg5[%get3A_1207, %get3A_1208] {strides = array<i32>} : memref<2x20000xf32, #tpu.memory_space<vmem>>, vector<16xf32>,
      %gt3A = arith.cmpf ogt, %get3A_1209, %scan3A_1201 : vector<16xf32>
      %gt3A_1210 = arith.cmpf ogt, %get3A_1209, %scan3A_1202 : vector<16xf32>
      %gt3A_1211 = arith.cmpf ogt, %get3A_1209, %scan3A_1203 : vector<16xf32>
      %select_n3A_1212 = arith.select %gt3A, %get3A_1209, %scan3A_1201 : vector<16xi1>, vector<16xf32>
      %select_n3A_1213 = arith.select %gt3A_1210, %get3A_1209, %scan3A_1202 : vector<16xi1>, vector<16xf32>
      %select_n3A_1214 = arith.select %gt3A, %scan3A_1201, %select_n3A_1213 : vector<16xi1>, vector<16xf32>
      %select_n3A_1215 = arith.select %gt3A_1211, %get3A_1209, %scan3A_1203 : vector<16xi1>, vector<16xf32>
      %select_n3A_1216 = arith.select %gt3A_1210, %scan3A_1202, %select_n3A_1215 : vector<16xi1>, vector<16xf32>
      scf.yield %select_n3A_1212, %select_n3A_1214, %select_n3A_1216 : vector<16xf32>, vector<16xf32>, vector<16xf32>
    }
    %scan3A_649 = arith.constant 1250 : i32
    %add3A_650 = arith.constant 2 : i32
    %add3A_651 = arith.addi %mul3A_2, %add3A_650 : i32
    %add3A_652 = arith.constant 2 : i32
    %add3A_653 = arith.addi %mul3A_2, %add3A_652 : i32
    %dma_start3A_654 = arith.constant 0 : i32
    %dma_start3A_655 = arith.constant 0 : i32
    %dma_start3A_656 = tpu.memref_slice %arg5[%dma_start3A_654, %dma_start3A_655] : memref<2x20000xf32, #tpu.memory_space<vmem>> -> memref<1x20000xf32, #tpu.memory_space<vmem>>
    %dma_start3A_657 = tpu.memref_squeeze %dma_start3A_656 : memref<1x20000xf32, #tpu.memory_space<vmem>> -> memref<20000xf32, #tpu.memory_space<vmem>>
    %dma_start3A_658 = arith.constant 40000 : i32
    %dma_start3A_659 = tpu.memref_slice %arg2[%add3A_653, %dma_start3A_658] : memref<128x100000xf32, #tpu.memory_space<hbm>> -> memref<1x20000xf32, #tpu.memory_space<hbm>>
    %dma_start3A_660 = tpu.memref_squeeze %dma_start3A_659 : memref<1x20000xf32, #tpu.memory_space<hbm>> -> memref<20000xf32, #tpu.memory_space<hbm>>
    %dma_start3A_661 = arith.constant 0 : i32
    %dma_start3A_662 = tpu.memref_slice %arg5[%dma_start3A_654, %dma_start3A_661] : memref<2x20000xf32, #tpu.memory_space<vmem>> -> memref<1x20000xf32, #tpu.memory_space<vmem>>
    %dma_start3A_663 = tpu.memref_squeeze %dma_start3A_662 : memref<1x20000xf32, #tpu.memory_space<vmem>> -> memref<20000xf32, #tpu.memory_space<vmem>>
    %dma_start3A_664 = arith.constant 40000 : i32
    %dma_start3A_665 = tpu.memref_slice %arg2[%add3A_653, %dma_start3A_664] : memref<128x100000xf32, #tpu.memory_space<hbm>> -> memref<1x20000xf32, #tpu.memory_space<hbm>>
    %dma_start3A_666 = tpu.memref_squeeze %dma_start3A_665 : memref<1x20000xf32, #tpu.memory_space<hbm>> -> memref<20000xf32, #tpu.memory_space<hbm>>
    tpu.enqueue_dma source(%dma_start3A_666 : memref<20000xf32, #tpu.memory_space<hbm>>) target(%dma_start3A_663 : memref<20000xf32, #tpu.memory_space<vmem>>) target_semaphore(%arg9 : memref<!tpu.dma_semaphore, #tpu.memory_space<semaphore_mem>>)
    %dma_wait3A_667 = arith.constant 1 : i32
    %dma_wait3A_668 = arith.constant 0 : i32
    %dma_wait3A_669 = tpu.memref_slice %arg5[%dma_wait3A_667, %dma_wait3A_668] : memref<2x20000xf32, #tpu.memory_space<vmem>> -> memref<1x20000xf32, #tpu.memory_space<vmem>>
    %dma_wait3A_670 = tpu.memref_squeeze %dma_wait3A_669 : memref<1x20000xf32, #tpu.memory_space<vmem>> -> memref<20000xf32, #tpu.memory_space<vmem>>
    %dma_wait3A_671 = arith.constant 20000 : i32
    %dma_wait3A_672 = tpu.memref_slice %arg2[%add3A_611, %dma_wait3A_671] : memref<128x100000xf32, #tpu.memory_space<hbm>> -> memref<1x20000xf32, #tpu.memory_space<hbm>>
    %dma_wait3A_673 = tpu.memref_squeeze %dma_wait3A_672 : memref<1x20000xf32, #tpu.memory_space<hbm>> -> memref<20000xf32, #tpu.memory_space<hbm>>
    %dma_wait3A_674 = arith.constant 0 : i32
    %dma_wait3A_675 = tpu.memref_slice %arg5[%dma_wait3A_667, %dma_wait3A_674] : memref<2x20000xf32, #tpu.memory_space<vmem>> -> memref<1x20000xf32, #tpu.memory_space<vmem>>
    %dma_wait3A_676 = tpu.memref_squeeze %dma_wait3A_675 : memref<1x20000xf32, #tpu.memory_space<vmem>> -> memref<20000xf32, #tpu.memory_space<vmem>>
    %dma_wait3A_677 = arith.constant 20000 : i32
    %dma_wait3A_678 = tpu.memref_slice %arg2[%add3A_611, %dma_wait3A_677] : memref<128x100000xf32, #tpu.memory_space<hbm>> -> memref<1x20000xf32, #tpu.memory_space<hbm>>
    %dma_wait3A_679 = tpu.memref_squeeze %dma_wait3A_678 : memref<1x20000xf32, #tpu.memory_space<hbm>> -> memref<20000xf32, #tpu.memory_space<hbm>>
    tpu.wait_dma2 semaphore(%arg10 : memref<!tpu.dma_semaphore, #tpu.memory_space<semaphore_mem>>) src(%dma_wait3A_679 : memref<20000xf32, #tpu.memory_space<hbm>>) dst(%dma_wait3A_676 : memref<20000xf32, #tpu.memory_space<vmem>>)
    %scan3A_680 = arith.constant 0 : i32
    %scan3A_681 = arith.constant 1250 : i32
    %scan3A_682 = arith.addi %scan3A_680, %scan3A_681 : i32
    %scan3A_683 = arith.constant 1 : i32
    %scan3A_684:3 = scf.for %scan3A_1200 = %scan3A_680 to %scan3A_682 step %scan3A_683 iter_args(%scan3A_1201 = %scan3A_648#0, %scan3A_1202 = %scan3A_648#1, %scan3A_1203 = %scan3A_648#2) -> (vector<16xf32>, vector<16xf32>, vector<16xf32>)  : i32 {
      %mul3A_1204 = arith.constant 16 : i32
      %mul3A_1205 = arith.muli %scan3A_1200, %mul3A_1204 : i32
      %get3A_1206 = arith.constant 1 : i32
      %get3A_1207 = arith.index_cast %get3A_1206 : i32 to index
      %get3A_1208 = arith.index_cast %mul3A_1205 : i32 to index
      %get3A_1209 = tpu.vector_load %arg5[%get3A_1207, %get3A_1208] {strides = array<i32>} : memref<2x20000xf32, #tpu.memory_space<vmem>>, vector<16xf32>,
      %gt3A = arith.cmpf ogt, %get3A_1209, %scan3A_1201 : vector<16xf32>
      %gt3A_1210 = arith.cmpf ogt, %get3A_1209, %scan3A_1202 : vector<16xf32>
      %gt3A_1211 = arith.cmpf ogt, %get3A_1209, %scan3A_1203 : vector<16xf32>
      %select_n3A_1212 = arith.select %gt3A, %get3A_1209, %scan3A_1201 : vector<16xi1>, vector<16xf32>
      %select_n3A_1213 = arith.select %gt3A_1210, %get3A_1209, %scan3A_1202 : vector<16xi1>, vector<16xf32>
      %select_n3A_1214 = arith.select %gt3A, %scan3A_1201, %select_n3A_1213 : vector<16xi1>, vector<16xf32>
      %select_n3A_1215 = arith.select %gt3A_1211, %get3A_1209, %scan3A_1203 : vector<16xi1>, vector<16xf32>
      %select_n3A_1216 = arith.select %gt3A_1210, %scan3A_1202, %select_n3A_1215 : vector<16xi1>, vector<16xf32>
      scf.yield %select_n3A_1212, %select_n3A_1214, %select_n3A_1216 : vector<16xf32>, vector<16xf32>, vector<16xf32>
    }
    %scan3A_685 = arith.constant 1250 : i32
    %add3A_686 = arith.constant 2 : i32
    %add3A_687 = arith.addi %mul3A_2, %add3A_686 : i32
    %add3A_688 = arith.constant 2 : i32
    %add3A_689 = arith.addi %mul3A_2, %add3A_688 : i32
    %dma_start3A_690 = arith.constant 1 : i32
    %dma_start3A_691 = arith.constant 0 : i32
    %dma_start3A_692 = tpu.memref_slice %arg5[%dma_start3A_690, %dma_start3A_691] : memref<2x20000xf32, #tpu.memory_space<vmem>> -> memref<1x20000xf32, #tpu.memory_space<vmem>>
    %dma_start3A_693 = tpu.memref_squeeze %dma_start3A_692 : memref<1x20000xf32, #tpu.memory_space<vmem>> -> memref<20000xf32, #tpu.memory_space<vmem>>
    %dma_start3A_694 = arith.constant 60000 : i32
    %dma_start3A_695 = tpu.memref_slice %arg2[%add3A_689, %dma_start3A_694] : memref<128x100000xf32, #tpu.memory_space<hbm>> -> memref<1x20000xf32, #tpu.memory_space<hbm>>
    %dma_start3A_696 = tpu.memref_squeeze %dma_start3A_695 : memref<1x20000xf32, #tpu.memory_space<hbm>> -> memref<20000xf32, #tpu.memory_space<hbm>>
    %dma_start3A_697 = arith.constant 0 : i32
    %dma_start3A_698 = tpu.memref_slice %arg5[%dma_start3A_690, %dma_start3A_697] : memref<2x20000xf32, #tpu.memory_space<vmem>> -> memref<1x20000xf32, #tpu.memory_space<vmem>>
    %dma_start3A_699 = tpu.memref_squeeze %dma_start3A_698 : memref<1x20000xf32, #tpu.memory_space<vmem>> -> memref<20000xf32, #tpu.memory_space<vmem>>
    %dma_start3A_700 = arith.constant 60000 : i32
    %dma_start3A_701 = tpu.memref_slice %arg2[%add3A_689, %dma_start3A_700] : memref<128x100000xf32, #tpu.memory_space<hbm>> -> memref<1x20000xf32, #tpu.memory_space<hbm>>
    %dma_start3A_702 = tpu.memref_squeeze %dma_start3A_701 : memref<1x20000xf32, #tpu.memory_space<hbm>> -> memref<20000xf32, #tpu.memory_space<hbm>>
    tpu.enqueue_dma source(%dma_start3A_702 : memref<20000xf32, #tpu.memory_space<hbm>>) target(%dma_start3A_699 : memref<20000xf32, #tpu.memory_space<vmem>>) target_semaphore(%arg10 : memref<!tpu.dma_semaphore, #tpu.memory_space<semaphore_mem>>)
    %dma_wait3A_703 = arith.constant 0 : i32
    %dma_wait3A_704 = arith.constant 0 : i32
    %dma_wait3A_705 = tpu.memref_slice %arg5[%dma_wait3A_703, %dma_wait3A_704] : memref<2x20000xf32, #tpu.memory_space<vmem>> -> memref<1x20000xf32, #tpu.memory_space<vmem>>
    %dma_wait3A_706 = tpu.memref_squeeze %dma_wait3A_705 : memref<1x20000xf32, #tpu.memory_space<vmem>> -> memref<20000xf32, #tpu.memory_space<vmem>>
    %dma_wait3A_707 = arith.constant 40000 : i32
    %dma_wait3A_708 = tpu.memref_slice %arg2[%add3A_653, %dma_wait3A_707] : memref<128x100000xf32, #tpu.memory_space<hbm>> -> memref<1x20000xf32, #tpu.memory_space<hbm>>
    %dma_wait3A_709 = tpu.memref_squeeze %dma_wait3A_708 : memref<1x20000xf32, #tpu.memory_space<hbm>> -> memref<20000xf32, #tpu.memory_space<hbm>>
    %dma_wait3A_710 = arith.constant 0 : i32
    %dma_wait3A_711 = tpu.memref_slice %arg5[%dma_wait3A_703, %dma_wait3A_710] : memref<2x20000xf32, #tpu.memory_space<vmem>> -> memref<1x20000xf32, #tpu.memory_space<vmem>>
    %dma_wait3A_712 = tpu.memref_squeeze %dma_wait3A_711 : memref<1x20000xf32, #tpu.memory_space<vmem>> -> memref<20000xf32, #tpu.memory_space<vmem>>
    %dma_wait3A_713 = arith.constant 40000 : i32
    %dma_wait3A_714 = tpu.memref_slice %arg2[%add3A_653, %dma_wait3A_713] : memref<128x100000xf32, #tpu.memory_space<hbm>> -> memref<1x20000xf32, #tpu.memory_space<hbm>>
    %dma_wait3A_715 = tpu.memref_squeeze %dma_wait3A_714 : memref<1x20000xf32, #tpu.memory_space<hbm>> -> memref<20000xf32, #tpu.memory_space<hbm>>
    tpu.wait_dma2 semaphore(%arg9 : memref<!tpu.dma_semaphore, #tpu.memory_space<semaphore_mem>>) src(%dma_wait3A_715 : memref<20000xf32, #tpu.memory_space<hbm>>) dst(%dma_wait3A_712 : memref<20000xf32, #tpu.memory_space<vmem>>)
    %scan3A_716 = arith.constant 0 : i32
    %scan3A_717 = arith.constant 1250 : i32
    %scan3A_718 = arith.addi %scan3A_716, %scan3A_717 : i32
    %scan3A_719 = arith.constant 1 : i32
    %scan3A_720:3 = scf.for %scan3A_1200 = %scan3A_716 to %scan3A_718 step %scan3A_719 iter_args(%scan3A_1201 = %scan3A_684#0, %scan3A_1202 = %scan3A_684#1, %scan3A_1203 = %scan3A_684#2) -> (vector<16xf32>, vector<16xf32>, vector<16xf32>)  : i32 {
      %mul3A_1204 = arith.constant 16 : i32
      %mul3A_1205 = arith.muli %scan3A_1200, %mul3A_1204 : i32
      %get3A_1206 = arith.constant 0 : i32
      %get3A_1207 = arith.index_cast %get3A_1206 : i32 to index
      %get3A_1208 = arith.index_cast %mul3A_1205 : i32 to index
      %get3A_1209 = tpu.vector_load %arg5[%get3A_1207, %get3A_1208] {strides = array<i32>} : memref<2x20000xf32, #tpu.memory_space<vmem>>, vector<16xf32>,
      %gt3A = arith.cmpf ogt, %get3A_1209, %scan3A_1201 : vector<16xf32>
      %gt3A_1210 = arith.cmpf ogt, %get3A_1209, %scan3A_1202 : vector<16xf32>
      %gt3A_1211 = arith.cmpf ogt, %get3A_1209, %scan3A_1203 : vector<16xf32>
      %select_n3A_1212 = arith.select %gt3A, %get3A_1209, %scan3A_1201 : vector<16xi1>, vector<16xf32>
      %select_n3A_1213 = arith.select %gt3A_1210, %get3A_1209, %scan3A_1202 : vector<16xi1>, vector<16xf32>
      %select_n3A_1214 = arith.select %gt3A, %scan3A_1201, %select_n3A_1213 : vector<16xi1>, vector<16xf32>
      %select_n3A_1215 = arith.select %gt3A_1211, %get3A_1209, %scan3A_1203 : vector<16xi1>, vector<16xf32>
      %select_n3A_1216 = arith.select %gt3A_1210, %scan3A_1202, %select_n3A_1215 : vector<16xi1>, vector<16xf32>
      scf.yield %select_n3A_1212, %select_n3A_1214, %select_n3A_1216 : vector<16xf32>, vector<16xf32>, vector<16xf32>
    }
    %scan3A_721 = arith.constant 1250 : i32
    %add3A_722 = arith.constant 2 : i32
    %add3A_723 = arith.addi %mul3A_2, %add3A_722 : i32
    %add3A_724 = arith.constant 2 : i32
    %add3A_725 = arith.addi %mul3A_2, %add3A_724 : i32
    %dma_start3A_726 = arith.constant 0 : i32
    %dma_start3A_727 = arith.constant 0 : i32
    %dma_start3A_728 = tpu.memref_slice %arg5[%dma_start3A_726, %dma_start3A_727] : memref<2x20000xf32, #tpu.memory_space<vmem>> -> memref<1x20000xf32, #tpu.memory_space<vmem>>
    %dma_start3A_729 = tpu.memref_squeeze %dma_start3A_728 : memref<1x20000xf32, #tpu.memory_space<vmem>> -> memref<20000xf32, #tpu.memory_space<vmem>>
    %dma_start3A_730 = arith.constant 80000 : i32
    %dma_start3A_731 = tpu.memref_slice %arg2[%add3A_725, %dma_start3A_730] : memref<128x100000xf32, #tpu.memory_space<hbm>> -> memref<1x20000xf32, #tpu.memory_space<hbm>>
    %dma_start3A_732 = tpu.memref_squeeze %dma_start3A_731 : memref<1x20000xf32, #tpu.memory_space<hbm>> -> memref<20000xf32, #tpu.memory_space<hbm>>
    %dma_start3A_733 = arith.constant 0 : i32
    %dma_start3A_734 = tpu.memref_slice %arg5[%dma_start3A_726, %dma_start3A_733] : memref<2x20000xf32, #tpu.memory_space<vmem>> -> memref<1x20000xf32, #tpu.memory_space<vmem>>
    %dma_start3A_735 = tpu.memref_squeeze %dma_start3A_734 : memref<1x20000xf32, #tpu.memory_space<vmem>> -> memref<20000xf32, #tpu.memory_space<vmem>>
    %dma_start3A_736 = arith.constant 80000 : i32
    %dma_start3A_737 = tpu.memref_slice %arg2[%add3A_725, %dma_start3A_736] : memref<128x100000xf32, #tpu.memory_space<hbm>> -> memref<1x20000xf32, #tpu.memory_space<hbm>>
    %dma_start3A_738 = tpu.memref_squeeze %dma_start3A_737 : memref<1x20000xf32, #tpu.memory_space<hbm>> -> memref<20000xf32, #tpu.memory_space<hbm>>
    tpu.enqueue_dma source(%dma_start3A_738 : memref<20000xf32, #tpu.memory_space<hbm>>) target(%dma_start3A_735 : memref<20000xf32, #tpu.memory_space<vmem>>) target_semaphore(%arg9 : memref<!tpu.dma_semaphore, #tpu.memory_space<semaphore_mem>>)
    %dma_wait3A_739 = arith.constant 1 : i32
    %dma_wait3A_740 = arith.constant 0 : i32
    %dma_wait3A_741 = tpu.memref_slice %arg5[%dma_wait3A_739, %dma_wait3A_740] : memref<2x20000xf32, #tpu.memory_space<vmem>> -> memref<1x20000xf32, #tpu.memory_space<vmem>>
    %dma_wait3A_742 = tpu.memref_squeeze %dma_wait3A_741 : memref<1x20000xf32, #tpu.memory_space<vmem>> -> memref<20000xf32, #tpu.memory_space<vmem>>
    %dma_wait3A_743 = arith.constant 60000 : i32
    %dma_wait3A_744 = tpu.memref_slice %arg2[%add3A_689, %dma_wait3A_743] : memref<128x100000xf32, #tpu.memory_space<hbm>> -> memref<1x20000xf32, #tpu.memory_space<hbm>>
    %dma_wait3A_745 = tpu.memref_squeeze %dma_wait3A_744 : memref<1x20000xf32, #tpu.memory_space<hbm>> -> memref<20000xf32, #tpu.memory_space<hbm>>
    %dma_wait3A_746 = arith.constant 0 : i32
    %dma_wait3A_747 = tpu.memref_slice %arg5[%dma_wait3A_739, %dma_wait3A_746] : memref<2x20000xf32, #tpu.memory_space<vmem>> -> memref<1x20000xf32, #tpu.memory_space<vmem>>
    %dma_wait3A_748 = tpu.memref_squeeze %dma_wait3A_747 : memref<1x20000xf32, #tpu.memory_space<vmem>> -> memref<20000xf32, #tpu.memory_space<vmem>>
    %dma_wait3A_749 = arith.constant 60000 : i32
    %dma_wait3A_750 = tpu.memref_slice %arg2[%add3A_689, %dma_wait3A_749] : memref<128x100000xf32, #tpu.memory_space<hbm>> -> memref<1x20000xf32, #tpu.memory_space<hbm>>
    %dma_wait3A_751 = tpu.memref_squeeze %dma_wait3A_750 : memref<1x20000xf32, #tpu.memory_space<hbm>> -> memref<20000xf32, #tpu.memory_space<hbm>>
    tpu.wait_dma2 semaphore(%arg10 : memref<!tpu.dma_semaphore, #tpu.memory_space<semaphore_mem>>) src(%dma_wait3A_751 : memref<20000xf32, #tpu.memory_space<hbm>>) dst(%dma_wait3A_748 : memref<20000xf32, #tpu.memory_space<vmem>>)
    %scan3A_752 = arith.constant 0 : i32
    %scan3A_753 = arith.constant 1250 : i32
    %scan3A_754 = arith.addi %scan3A_752, %scan3A_753 : i32
    %scan3A_755 = arith.constant 1 : i32
    %scan3A_756:3 = scf.for %scan3A_1200 = %scan3A_752 to %scan3A_754 step %scan3A_755 iter_args(%scan3A_1201 = %scan3A_720#0, %scan3A_1202 = %scan3A_720#1, %scan3A_1203 = %scan3A_720#2) -> (vector<16xf32>, vector<16xf32>, vector<16xf32>)  : i32 {
      %mul3A_1204 = arith.constant 16 : i32
      %mul3A_1205 = arith.muli %scan3A_1200, %mul3A_1204 : i32
      %get3A_1206 = arith.constant 1 : i32
      %get3A_1207 = arith.index_cast %get3A_1206 : i32 to index
      %get3A_1208 = arith.index_cast %mul3A_1205 : i32 to index
      %get3A_1209 = tpu.vector_load %arg5[%get3A_1207, %get3A_1208] {strides = array<i32>} : memref<2x20000xf32, #tpu.memory_space<vmem>>, vector<16xf32>,
      %gt3A = arith.cmpf ogt, %get3A_1209, %scan3A_1201 : vector<16xf32>
      %gt3A_1210 = arith.cmpf ogt, %get3A_1209, %scan3A_1202 : vector<16xf32>
      %gt3A_1211 = arith.cmpf ogt, %get3A_1209, %scan3A_1203 : vector<16xf32>
      %select_n3A_1212 = arith.select %gt3A, %get3A_1209, %scan3A_1201 : vector<16xi1>, vector<16xf32>
      %select_n3A_1213 = arith.select %gt3A_1210, %get3A_1209, %scan3A_1202 : vector<16xi1>, vector<16xf32>
      %select_n3A_1214 = arith.select %gt3A, %scan3A_1201, %select_n3A_1213 : vector<16xi1>, vector<16xf32>
      %select_n3A_1215 = arith.select %gt3A_1211, %get3A_1209, %scan3A_1203 : vector<16xi1>, vector<16xf32>
      %select_n3A_1216 = arith.select %gt3A_1210, %scan3A_1202, %select_n3A_1215 : vector<16xi1>, vector<16xf32>
      scf.yield %select_n3A_1212, %select_n3A_1214, %select_n3A_1216 : vector<16xf32>, vector<16xf32>, vector<16xf32>
    }
    %scan3A_757 = arith.constant 1250 : i32
    %add3A_758 = arith.constant 2 : i32
    %add3A_759 = arith.addi %mul3A_2, %add3A_758 : i32
    %add3A_760 = arith.constant 3 : i32
    %add3A_761 = arith.addi %mul3A_2, %add3A_760 : i32
    %dma_start3A_762 = arith.constant 1 : i32
    %dma_start3A_763 = arith.constant 0 : i32
    %dma_start3A_764 = tpu.memref_slice %arg5[%dma_start3A_762, %dma_start3A_763] : memref<2x20000xf32, #tpu.memory_space<vmem>> -> memref<1x20000xf32, #tpu.memory_space<vmem>>
    %dma_start3A_765 = tpu.memref_squeeze %dma_start3A_764 : memref<1x20000xf32, #tpu.memory_space<vmem>> -> memref<20000xf32, #tpu.memory_space<vmem>>
    %dma_start3A_766 = arith.constant 0 : i32
    %dma_start3A_767 = tpu.memref_slice %arg2[%add3A_761, %dma_start3A_766] : memref<128x100000xf32, #tpu.memory_space<hbm>> -> memref<1x20000xf32, #tpu.memory_space<hbm>>
    %dma_start3A_768 = tpu.memref_squeeze %dma_start3A_767 : memref<1x20000xf32, #tpu.memory_space<hbm>> -> memref<20000xf32, #tpu.memory_space<hbm>>
    %dma_start3A_769 = arith.constant 0 : i32
    %dma_start3A_770 = tpu.memref_slice %arg5[%dma_start3A_762, %dma_start3A_769] : memref<2x20000xf32, #tpu.memory_space<vmem>> -> memref<1x20000xf32, #tpu.memory_space<vmem>>
    %dma_start3A_771 = tpu.memref_squeeze %dma_start3A_770 : memref<1x20000xf32, #tpu.memory_space<vmem>> -> memref<20000xf32, #tpu.memory_space<vmem>>
    %dma_start3A_772 = arith.constant 0 : i32
    %dma_start3A_773 = tpu.memref_slice %arg2[%add3A_761, %dma_start3A_772] : memref<128x100000xf32, #tpu.memory_space<hbm>> -> memref<1x20000xf32, #tpu.memory_space<hbm>>
    %dma_start3A_774 = tpu.memref_squeeze %dma_start3A_773 : memref<1x20000xf32, #tpu.memory_space<hbm>> -> memref<20000xf32, #tpu.memory_space<hbm>>
    tpu.enqueue_dma source(%dma_start3A_774 : memref<20000xf32, #tpu.memory_space<hbm>>) target(%dma_start3A_771 : memref<20000xf32, #tpu.memory_space<vmem>>) target_semaphore(%arg10 : memref<!tpu.dma_semaphore, #tpu.memory_space<semaphore_mem>>)
    %dma_wait3A_775 = arith.constant 0 : i32
    %dma_wait3A_776 = arith.constant 0 : i32
    %dma_wait3A_777 = tpu.memref_slice %arg5[%dma_wait3A_775, %dma_wait3A_776] : memref<2x20000xf32, #tpu.memory_space<vmem>> -> memref<1x20000xf32, #tpu.memory_space<vmem>>
    %dma_wait3A_778 = tpu.memref_squeeze %dma_wait3A_777 : memref<1x20000xf32, #tpu.memory_space<vmem>> -> memref<20000xf32, #tpu.memory_space<vmem>>
    %dma_wait3A_779 = arith.constant 80000 : i32
    %dma_wait3A_780 = tpu.memref_slice %arg2[%add3A_725, %dma_wait3A_779] : memref<128x100000xf32, #tpu.memory_space<hbm>> -> memref<1x20000xf32, #tpu.memory_space<hbm>>
    %dma_wait3A_781 = tpu.memref_squeeze %dma_wait3A_780 : memref<1x20000xf32, #tpu.memory_space<hbm>> -> memref<20000xf32, #tpu.memory_space<hbm>>
    %dma_wait3A_782 = arith.constant 0 : i32
    %dma_wait3A_783 = tpu.memref_slice %arg5[%dma_wait3A_775, %dma_wait3A_782] : memref<2x20000xf32, #tpu.memory_space<vmem>> -> memref<1x20000xf32, #tpu.memory_space<vmem>>
    %dma_wait3A_784 = tpu.memref_squeeze %dma_wait3A_783 : memref<1x20000xf32, #tpu.memory_space<vmem>> -> memref<20000xf32, #tpu.memory_space<vmem>>
    %dma_wait3A_785 = arith.constant 80000 : i32
    %dma_wait3A_786 = tpu.memref_slice %arg2[%add3A_725, %dma_wait3A_785] : memref<128x100000xf32, #tpu.memory_space<hbm>> -> memref<1x20000xf32, #tpu.memory_space<hbm>>
    %dma_wait3A_787 = tpu.memref_squeeze %dma_wait3A_786 : memref<1x20000xf32, #tpu.memory_space<hbm>> -> memref<20000xf32, #tpu.memory_space<hbm>>
    tpu.wait_dma2 semaphore(%arg9 : memref<!tpu.dma_semaphore, #tpu.memory_space<semaphore_mem>>) src(%dma_wait3A_787 : memref<20000xf32, #tpu.memory_space<hbm>>) dst(%dma_wait3A_784 : memref<20000xf32, #tpu.memory_space<vmem>>)
    %scan3A_788 = arith.constant 0 : i32
    %scan3A_789 = arith.constant 1250 : i32
    %scan3A_790 = arith.addi %scan3A_788, %scan3A_789 : i32
    %scan3A_791 = arith.constant 1 : i32
    %scan3A_792:3 = scf.for %scan3A_1200 = %scan3A_788 to %scan3A_790 step %scan3A_791 iter_args(%scan3A_1201 = %scan3A_756#0, %scan3A_1202 = %scan3A_756#1, %scan3A_1203 = %scan3A_756#2) -> (vector<16xf32>, vector<16xf32>, vector<16xf32>)  : i32 {
      %mul3A_1204 = arith.constant 16 : i32
      %mul3A_1205 = arith.muli %scan3A_1200, %mul3A_1204 : i32
      %get3A_1206 = arith.constant 0 : i32
      %get3A_1207 = arith.index_cast %get3A_1206 : i32 to index
      %get3A_1208 = arith.index_cast %mul3A_1205 : i32 to index
      %get3A_1209 = tpu.vector_load %arg5[%get3A_1207, %get3A_1208] {strides = array<i32>} : memref<2x20000xf32, #tpu.memory_space<vmem>>, vector<16xf32>,
      %gt3A = arith.cmpf ogt, %get3A_1209, %scan3A_1201 : vector<16xf32>
      %gt3A_1210 = arith.cmpf ogt, %get3A_1209, %scan3A_1202 : vector<16xf32>
      %gt3A_1211 = arith.cmpf ogt, %get3A_1209, %scan3A_1203 : vector<16xf32>
      %select_n3A_1212 = arith.select %gt3A, %get3A_1209, %scan3A_1201 : vector<16xi1>, vector<16xf32>
      %select_n3A_1213 = arith.select %gt3A_1210, %get3A_1209, %scan3A_1202 : vector<16xi1>, vector<16xf32>
      %select_n3A_1214 = arith.select %gt3A, %scan3A_1201, %select_n3A_1213 : vector<16xi1>, vector<16xf32>
      %select_n3A_1215 = arith.select %gt3A_1211, %get3A_1209, %scan3A_1203 : vector<16xi1>, vector<16xf32>
      %select_n3A_1216 = arith.select %gt3A_1210, %scan3A_1202, %select_n3A_1215 : vector<16xi1>, vector<16xf32>
      scf.yield %select_n3A_1212, %select_n3A_1214, %select_n3A_1216 : vector<16xf32>, vector<16xf32>, vector<16xf32>
    }
    %scan3A_793 = arith.constant 1250 : i32
    %reduce_max3A_794 = arith.constant true
    %reduce_max3A_795 = vector.broadcast %reduce_max3A_794 : i1 to vector<16xi1>
    %reduce_max3A_796 = tpu.scan <max>, %scan3A_792#0 masked %reduce_max3A_795 : vector<16xf32>, vector<16xi1> -> vector<16xf32>
    %reduce_max3A_797 = vector.extract %reduce_max3A_796[15] : f32 from vector<16xf32>
    %eq3A_798 = vector.broadcast %reduce_max3A_797 : f32 to vector<16xf32>
    %eq3A_799 = arith.cmpf oeq, %scan3A_792#0, %eq3A_798 : vector<16xf32>
    %all_reduce_ffs3A_800 = tpu.all_reduce %eq3A_799 {dim = 0 : i64, kind = #tpu.reduction_kind<find_first_set>} : vector<16xi1> -> vector<16xi32>
    %eq3A_801 = arith.cmpi eq, %iota3A, %all_reduce_ffs3A_800 : vector<16xi32>
    %select_n3A_802 = arith.select %eq3A_801, %scan3A_792#1, %scan3A_792#0 : vector<16xi1>, vector<16xf32>
    %select_n3A_803 = arith.select %eq3A_801, %scan3A_792#2, %scan3A_792#1 : vector<16xi1>, vector<16xf32>
    %reduce_max3A_804 = arith.constant true
    %reduce_max3A_805 = vector.broadcast %reduce_max3A_804 : i1 to vector<16xi1>
    %reduce_max3A_806 = tpu.scan <max>, %select_n3A_802 masked %reduce_max3A_805 : vector<16xf32>, vector<16xi1> -> vector<16xf32>
    %reduce_max3A_807 = vector.extract %reduce_max3A_806[15] : f32 from vector<16xf32>
    %eq3A_808 = vector.broadcast %reduce_max3A_807 : f32 to vector<16xf32>
    %eq3A_809 = arith.cmpf oeq, %select_n3A_802, %eq3A_808 : vector<16xf32>
    %all_reduce_ffs3A_810 = tpu.all_reduce %eq3A_809 {dim = 0 : i64, kind = #tpu.reduction_kind<find_first_set>} : vector<16xi1> -> vector<16xi32>
    %eq3A_811 = arith.cmpi eq, %iota3A, %all_reduce_ffs3A_810 : vector<16xi32>
    %select_n3A_812 = arith.select %eq3A_811, %select_n3A_803, %select_n3A_802 : vector<16xi1>, vector<16xf32>
    %reduce_max3A_813 = arith.constant true
    %reduce_max3A_814 = vector.broadcast %reduce_max3A_813 : i1 to vector<16xi1>
    %reduce_max3A_815 = tpu.scan <max>, %select_n3A_812 masked %reduce_max3A_814 : vector<16xf32>, vector<16xi1> -> vector<16xf32>
    %reduce_max3A_816 = vector.extract %reduce_max3A_815[15] : f32 from vector<16xf32>
    %jit3A_817 = arith.constant 16 : i32
    %div3A_818 = arith.divsi %mul3A_2, %jit3A_817 : i32
    %sign3A_819 = arith.constant 0 : i32
    %sign3A_820 = arith.cmpi sgt, %mul3A_2, %sign3A_819 : i32
    %sign3A_821 = arith.extui %sign3A_820 : i1 to i32
    %sign3A_822 = arith.constant 0 : i32
    %sign3A_823 = arith.cmpi slt, %mul3A_2, %sign3A_822 : i32
    %sign3A_824 = arith.extui %sign3A_823 : i1 to i32
    %sign3A_825 = arith.subi %sign3A_821, %sign3A_824 : i32
    %sign3A_826 = arith.constant 0 : i32
    %sign3A_827 = arith.cmpi sgt, %jit3A_817, %sign3A_826 : i32
    %sign3A_828 = arith.extui %sign3A_827 : i1 to i32
    %sign3A_829 = arith.constant 0 : i32
    %sign3A_830 = arith.cmpi slt, %jit3A_817, %sign3A_829 : i32
    %sign3A_831 = arith.extui %sign3A_830 : i1 to i32
    %sign3A_832 = arith.subi %sign3A_828, %sign3A_831 : i32
    %ne3A_833 = arith.cmpi ne, %sign3A_825, %sign3A_832 : i32
    %rem3A_834 = arith.remsi %mul3A_2, %jit3A_817 : i32
    %ne3A_835 = arith.constant 0 : i32
    %ne3A_836 = arith.cmpi ne, %rem3A_834, %ne3A_835 : i32
    %and3A_837 = arith.andi %ne3A_833, %ne3A_836 : i1
    %sub3A_838 = arith.constant 1 : i32
    %sub3A_839 = arith.subi %div3A_818, %sub3A_838 : i32
    %select_n3A_840 = arith.select %and3A_837, %sub3A_839, %div3A_818 : i32
    %mul3A_841 = arith.constant 16 : i32
    %mul3A_842 = arith.muli %select_n3A_840, %mul3A_841 : i32
    %get3A_843 = arith.index_cast %mul3A_842 : i32 to index
    %get3A_844 = tpu.vector_load %arg6[%get3A_843] {strides = array<i32>} : memref<128xi32, #tpu.memory_space<vmem>>, vector<16xi32>,
    %sub3A_845 = arith.subi %add3A_759, %mul3A_842 : i32
    %eq3A_846 = vector.broadcast %sub3A_845 : i32 to vector<16xi32>
    %eq3A_847 = arith.cmpi eq, %iota3A, %eq3A_846 : vector<16xi32>
    %jit3A_848 = arith.constant 0 : i32
    %broadcast_in_dim3A_849 = vector.broadcast %jit3A_848 : i32 to vector<16xi32>
    %select_n3A_850 = arith.select %eq3A_847, %get3A_844, %broadcast_in_dim3A_849 : vector<16xi1>, vector<16xi32>
    %reduce_max3A_851 = arith.constant true
    %reduce_max3A_852 = vector.broadcast %reduce_max3A_851 : i1 to vector<16xi1>
    %reduce_max3A_853 = arith.constant -2147483648 : i32
    %reduce_max3A_854 = vector.broadcast %reduce_max3A_853 : i32 to vector<16xi32>
    %reduce_max3A_855 = arith.xori %select_n3A_850, %reduce_max3A_854 : vector<16xi32>
    %reduce_max3A_856 = tpu.scan <max>, %reduce_max3A_855 masked %reduce_max3A_852 : vector<16xi32>, vector<16xi1> -> vector<16xi32>
    %reduce_max3A_857 = arith.xori %reduce_max3A_856, %reduce_max3A_854 : vector<16xi32>
    %reduce_max3A_858 = vector.extract %reduce_max3A_857[15] : i32 from vector<16xi32>
    %jit3A_859 = arith.constant 16 : i32
    %div3A_860 = arith.divsi %reduce_max3A_858, %jit3A_859 : i32
    %sign3A_861 = arith.constant 0 : i32
    %sign3A_862 = arith.cmpi sgt, %reduce_max3A_858, %sign3A_861 : i32
    %sign3A_863 = arith.extui %sign3A_862 : i1 to i32
    %sign3A_864 = arith.constant 0 : i32
    %sign3A_865 = arith.cmpi slt, %reduce_max3A_858, %sign3A_864 : i32
    %sign3A_866 = arith.extui %sign3A_865 : i1 to i32
    %sign3A_867 = arith.subi %sign3A_863, %sign3A_866 : i32
    %sign3A_868 = arith.constant 0 : i32
    %sign3A_869 = arith.cmpi sgt, %jit3A_859, %sign3A_868 : i32
    %sign3A_870 = arith.extui %sign3A_869 : i1 to i32
    %sign3A_871 = arith.constant 0 : i32
    %sign3A_872 = arith.cmpi slt, %jit3A_859, %sign3A_871 : i32
    %sign3A_873 = arith.extui %sign3A_872 : i1 to i32
    %sign3A_874 = arith.subi %sign3A_870, %sign3A_873 : i32
    %ne3A_875 = arith.cmpi ne, %sign3A_867, %sign3A_874 : i32
    %rem3A_876 = arith.remsi %reduce_max3A_858, %jit3A_859 : i32
    %ne3A_877 = arith.constant 0 : i32
    %ne3A_878 = arith.cmpi ne, %rem3A_876, %ne3A_877 : i32
    %and3A_879 = arith.andi %ne3A_875, %ne3A_878 : i1
    %sub3A_880 = arith.constant 1 : i32
    %sub3A_881 = arith.subi %div3A_860, %sub3A_880 : i32
    %select_n3A_882 = arith.select %and3A_879, %sub3A_881, %div3A_860 : i32
    %mul3A_883 = arith.constant 16 : i32
    %mul3A_884 = arith.muli %select_n3A_882, %mul3A_883 : i32
    "tpu.region"() ({
      %run_scoped3A = tpu.sem_alloc : memref<!tpu.dma_semaphore, #tpu.memory_space<semaphore_mem>>
      %dma_start3A_1200 = tpu.memref_slice %arg2[%add3A_759, %mul3A_884] : memref<128x100000xf32, #tpu.memory_space<hbm>> -> memref<1x16xf32, #tpu.memory_space<hbm>>
      %dma_start3A_1201 = tpu.memref_squeeze %dma_start3A_1200 : memref<1x16xf32, #tpu.memory_space<hbm>> -> memref<16xf32, #tpu.memory_space<hbm>>
      %dma_start3A_1202 = tpu.memref_slice %arg2[%add3A_759, %mul3A_884] : memref<128x100000xf32, #tpu.memory_space<hbm>> -> memref<1x16xf32, #tpu.memory_space<hbm>>
      %dma_start3A_1203 = tpu.memref_squeeze %dma_start3A_1202 : memref<1x16xf32, #tpu.memory_space<hbm>> -> memref<16xf32, #tpu.memory_space<hbm>>
      tpu.enqueue_dma source(%dma_start3A_1203 : memref<16xf32, #tpu.memory_space<hbm>>) target(%arg7 : memref<16xf32, #tpu.memory_space<vmem>>) target_semaphore(%run_scoped3A : memref<!tpu.dma_semaphore, #tpu.memory_space<semaphore_mem>>)
      %dma_wait3A_1204 = tpu.memref_slice %arg2[%add3A_759, %mul3A_884] : memref<128x100000xf32, #tpu.memory_space<hbm>> -> memref<1x16xf32, #tpu.memory_space<hbm>>
      %dma_wait3A_1205 = tpu.memref_squeeze %dma_wait3A_1204 : memref<1x16xf32, #tpu.memory_space<hbm>> -> memref<16xf32, #tpu.memory_space<hbm>>
      %dma_wait3A_1206 = tpu.memref_slice %arg2[%add3A_759, %mul3A_884] : memref<128x100000xf32, #tpu.memory_space<hbm>> -> memref<1x16xf32, #tpu.memory_space<hbm>>
      %dma_wait3A_1207 = tpu.memref_squeeze %dma_wait3A_1206 : memref<1x16xf32, #tpu.memory_space<hbm>> -> memref<16xf32, #tpu.memory_space<hbm>>
      tpu.wait_dma2 semaphore(%run_scoped3A : memref<!tpu.dma_semaphore, #tpu.memory_space<semaphore_mem>>) src(%dma_wait3A_1207 : memref<16xf32, #tpu.memory_space<hbm>>) dst(%arg7 : memref<16xf32, #tpu.memory_space<vmem>>)
      tpu.yield
    }) : () -> ()
    %sub3A_885 = arith.subi %reduce_max3A_858, %mul3A_884 : i32
    %eq3A_886 = vector.broadcast %sub3A_885 : i32 to vector<16xi32>
    %eq3A_887 = arith.cmpi eq, %iota3A, %eq3A_886 : vector<16xi32>
    %get3A_888 = arith.constant 0 : index
    %get3A_889 = tpu.vector_load %arg7[%get3A_888] {strides = array<i32>} : memref<16xf32, #tpu.memory_space<vmem>>, vector<16xf32>,
    %jit3A_890 = arith.constant -3.000000e+38 : f32
    %broadcast_in_dim3A_891 = vector.broadcast %jit3A_890 : f32 to vector<16xf32>
    %select_n3A_892 = arith.select %eq3A_887, %get3A_889, %broadcast_in_dim3A_891 : vector<16xi1>, vector<16xf32>
    %reduce_max3A_893 = arith.constant true
    %reduce_max3A_894 = vector.broadcast %reduce_max3A_893 : i1 to vector<16xi1>
    %reduce_max3A_895 = tpu.scan <max>, %select_n3A_892 masked %reduce_max3A_894 : vector<16xf32>, vector<16xi1> -> vector<16xf32>
    %reduce_max3A_896 = vector.extract %reduce_max3A_895[15] : f32 from vector<16xf32>
    %eq3A_897 = arith.cmpf oeq, %reduce_max3A_896, %reduce_max3A_797 : f32
    %sub3A_898 = arith.subf %reduce_max3A_807, %reduce_max3A_896 : f32
    %sub3A_899 = arith.subf %reduce_max3A_797, %reduce_max3A_896 : f32
    %select_n3A_900 = arith.select %eq3A_897, %sub3A_898, %sub3A_899 : f32
    %sub3A_901 = arith.subf %reduce_max3A_797, %reduce_max3A_816 : f32
    %add3A_902 = arith.constant 9.99999996E-13 : f32
    %add3A_903 = arith.addf %sub3A_901, %add3A_902 : f32
    %broadcast_in_dim3A_904 = vector.broadcast %select_n3A_900 : f32 to vector<16xf32>
    %broadcast_in_dim3A_905 = vector.broadcast %add3A_903 : f32 to vector<16xf32>
    %div3A_906 = arith.divf %broadcast_in_dim3A_904, %broadcast_in_dim3A_905 : vector<16xf32>
    %eq3A_907 = arith.constant 2 : i32
    %eq3A_908 = vector.broadcast %eq3A_907 : i32 to vector<16xi32>
    %eq3A_909 = arith.cmpi eq, %iota3A, %eq3A_908 : vector<16xi32>
    %select_n3A_910 = arith.select %eq3A_909, %div3A_906, %select_n3A_607 : vector<16xi1>, vector<16xf32>
    %add3A_911 = arith.constant 3 : i32
    %add3A_912 = arith.addi %mul3A_2, %add3A_911 : i32
    %add3A_913 = arith.constant 3 : i32
    %add3A_914 = arith.addi %mul3A_2, %add3A_913 : i32
    %dma_start3A_915 = arith.constant 0 : i32
    %dma_start3A_916 = arith.constant 0 : i32
    %dma_start3A_917 = tpu.memref_slice %arg5[%dma_start3A_915, %dma_start3A_916] : memref<2x20000xf32, #tpu.memory_space<vmem>> -> memref<1x20000xf32, #tpu.memory_space<vmem>>
    %dma_start3A_918 = tpu.memref_squeeze %dma_start3A_917 : memref<1x20000xf32, #tpu.memory_space<vmem>> -> memref<20000xf32, #tpu.memory_space<vmem>>
    %dma_start3A_919 = arith.constant 20000 : i32
    %dma_start3A_920 = tpu.memref_slice %arg2[%add3A_914, %dma_start3A_919] : memref<128x100000xf32, #tpu.memory_space<hbm>> -> memref<1x20000xf32, #tpu.memory_space<hbm>>
    %dma_start3A_921 = tpu.memref_squeeze %dma_start3A_920 : memref<1x20000xf32, #tpu.memory_space<hbm>> -> memref<20000xf32, #tpu.memory_space<hbm>>
    %dma_start3A_922 = arith.constant 0 : i32
    %dma_start3A_923 = tpu.memref_slice %arg5[%dma_start3A_915, %dma_start3A_922] : memref<2x20000xf32, #tpu.memory_space<vmem>> -> memref<1x20000xf32, #tpu.memory_space<vmem>>
    %dma_start3A_924 = tpu.memref_squeeze %dma_start3A_923 : memref<1x20000xf32, #tpu.memory_space<vmem>> -> memref<20000xf32, #tpu.memory_space<vmem>>
    %dma_start3A_925 = arith.constant 20000 : i32
    %dma_start3A_926 = tpu.memref_slice %arg2[%add3A_914, %dma_start3A_925] : memref<128x100000xf32, #tpu.memory_space<hbm>> -> memref<1x20000xf32, #tpu.memory_space<hbm>>
    %dma_start3A_927 = tpu.memref_squeeze %dma_start3A_926 : memref<1x20000xf32, #tpu.memory_space<hbm>> -> memref<20000xf32, #tpu.memory_space<hbm>>
    tpu.enqueue_dma source(%dma_start3A_927 : memref<20000xf32, #tpu.memory_space<hbm>>) target(%dma_start3A_924 : memref<20000xf32, #tpu.memory_space<vmem>>) target_semaphore(%arg9 : memref<!tpu.dma_semaphore, #tpu.memory_space<semaphore_mem>>)
    %dma_wait3A_928 = arith.constant 1 : i32
    %dma_wait3A_929 = arith.constant 0 : i32
    %dma_wait3A_930 = tpu.memref_slice %arg5[%dma_wait3A_928, %dma_wait3A_929] : memref<2x20000xf32, #tpu.memory_space<vmem>> -> memref<1x20000xf32, #tpu.memory_space<vmem>>
    %dma_wait3A_931 = tpu.memref_squeeze %dma_wait3A_930 : memref<1x20000xf32, #tpu.memory_space<vmem>> -> memref<20000xf32, #tpu.memory_space<vmem>>
    %dma_wait3A_932 = arith.constant 0 : i32
    %dma_wait3A_933 = tpu.memref_slice %arg2[%add3A_761, %dma_wait3A_932] : memref<128x100000xf32, #tpu.memory_space<hbm>> -> memref<1x20000xf32, #tpu.memory_space<hbm>>
    %dma_wait3A_934 = tpu.memref_squeeze %dma_wait3A_933 : memref<1x20000xf32, #tpu.memory_space<hbm>> -> memref<20000xf32, #tpu.memory_space<hbm>>
    %dma_wait3A_935 = arith.constant 0 : i32
    %dma_wait3A_936 = tpu.memref_slice %arg5[%dma_wait3A_928, %dma_wait3A_935] : memref<2x20000xf32, #tpu.memory_space<vmem>> -> memref<1x20000xf32, #tpu.memory_space<vmem>>
    %dma_wait3A_937 = tpu.memref_squeeze %dma_wait3A_936 : memref<1x20000xf32, #tpu.memory_space<vmem>> -> memref<20000xf32, #tpu.memory_space<vmem>>
    %dma_wait3A_938 = arith.constant 0 : i32
    %dma_wait3A_939 = tpu.memref_slice %arg2[%add3A_761, %dma_wait3A_938] : memref<128x100000xf32, #tpu.memory_space<hbm>> -> memref<1x20000xf32, #tpu.memory_space<hbm>>
    %dma_wait3A_940 = tpu.memref_squeeze %dma_wait3A_939 : memref<1x20000xf32, #tpu.memory_space<hbm>> -> memref<20000xf32, #tpu.memory_space<hbm>>
    tpu.wait_dma2 semaphore(%arg10 : memref<!tpu.dma_semaphore, #tpu.memory_space<semaphore_mem>>) src(%dma_wait3A_940 : memref<20000xf32, #tpu.memory_space<hbm>>) dst(%dma_wait3A_937 : memref<20000xf32, #tpu.memory_space<vmem>>)
    %broadcast_in_dim3A_941 = arith.constant -3.000000e+38 : f32
    %broadcast_in_dim3A_942 = vector.broadcast %broadcast_in_dim3A_941 : f32 to vector<16xf32>
    %broadcast_in_dim3A_943 = arith.constant -3.000000e+38 : f32
    %broadcast_in_dim3A_944 = vector.broadcast %broadcast_in_dim3A_943 : f32 to vector<16xf32>
    %broadcast_in_dim3A_945 = arith.constant -3.000000e+38 : f32
    %broadcast_in_dim3A_946 = vector.broadcast %broadcast_in_dim3A_945 : f32 to vector<16xf32>
    %scan3A_947 = arith.constant 0 : i32
    %scan3A_948 = arith.constant 1250 : i32
    %scan3A_949 = arith.addi %scan3A_947, %scan3A_948 : i32
    %scan3A_950 = arith.constant 1 : i32
    %scan3A_951:3 = scf.for %scan3A_1200 = %scan3A_947 to %scan3A_949 step %scan3A_950 iter_args(%scan3A_1201 = %broadcast_in_dim3A_942, %scan3A_1202 = %broadcast_in_dim3A_944, %scan3A_1203 = %broadcast_in_dim3A_946) -> (vector<16xf32>, vector<16xf32>, vector<16xf32>)  : i32 {
      %mul3A_1204 = arith.constant 16 : i32
      %mul3A_1205 = arith.muli %scan3A_1200, %mul3A_1204 : i32
      %get3A_1206 = arith.constant 1 : i32
      %get3A_1207 = arith.index_cast %get3A_1206 : i32 to index
      %get3A_1208 = arith.index_cast %mul3A_1205 : i32 to index
      %get3A_1209 = tpu.vector_load %arg5[%get3A_1207, %get3A_1208] {strides = array<i32>} : memref<2x20000xf32, #tpu.memory_space<vmem>>, vector<16xf32>,
      %gt3A = arith.cmpf ogt, %get3A_1209, %scan3A_1201 : vector<16xf32>
      %gt3A_1210 = arith.cmpf ogt, %get3A_1209, %scan3A_1202 : vector<16xf32>
      %gt3A_1211 = arith.cmpf ogt, %get3A_1209, %scan3A_1203 : vector<16xf32>
      %select_n3A_1212 = arith.select %gt3A, %get3A_1209, %scan3A_1201 : vector<16xi1>, vector<16xf32>
      %select_n3A_1213 = arith.select %gt3A_1210, %get3A_1209, %scan3A_1202 : vector<16xi1>, vector<16xf32>
      %select_n3A_1214 = arith.select %gt3A, %scan3A_1201, %select_n3A_1213 : vector<16xi1>, vector<16xf32>
      %select_n3A_1215 = arith.select %gt3A_1211, %get3A_1209, %scan3A_1203 : vector<16xi1>, vector<16xf32>
      %select_n3A_1216 = arith.select %gt3A_1210, %scan3A_1202, %select_n3A_1215 : vector<16xi1>, vector<16xf32>
      scf.yield %select_n3A_1212, %select_n3A_1214, %select_n3A_1216 : vector<16xf32>, vector<16xf32>, vector<16xf32>
    }
    %scan3A_952 = arith.constant 1250 : i32
    %add3A_953 = arith.constant 3 : i32
    %add3A_954 = arith.addi %mul3A_2, %add3A_953 : i32
    %add3A_955 = arith.constant 3 : i32
    %add3A_956 = arith.addi %mul3A_2, %add3A_955 : i32
    %dma_start3A_957 = arith.constant 1 : i32
    %dma_start3A_958 = arith.constant 0 : i32
    %dma_start3A_959 = tpu.memref_slice %arg5[%dma_start3A_957, %dma_start3A_958] : memref<2x20000xf32, #tpu.memory_space<vmem>> -> memref<1x20000xf32, #tpu.memory_space<vmem>>
    %dma_start3A_960 = tpu.memref_squeeze %dma_start3A_959 : memref<1x20000xf32, #tpu.memory_space<vmem>> -> memref<20000xf32, #tpu.memory_space<vmem>>
    %dma_start3A_961 = arith.constant 40000 : i32
    %dma_start3A_962 = tpu.memref_slice %arg2[%add3A_956, %dma_start3A_961] : memref<128x100000xf32, #tpu.memory_space<hbm>> -> memref<1x20000xf32, #tpu.memory_space<hbm>>
    %dma_start3A_963 = tpu.memref_squeeze %dma_start3A_962 : memref<1x20000xf32, #tpu.memory_space<hbm>> -> memref<20000xf32, #tpu.memory_space<hbm>>
    %dma_start3A_964 = arith.constant 0 : i32
    %dma_start3A_965 = tpu.memref_slice %arg5[%dma_start3A_957, %dma_start3A_964] : memref<2x20000xf32, #tpu.memory_space<vmem>> -> memref<1x20000xf32, #tpu.memory_space<vmem>>
    %dma_start3A_966 = tpu.memref_squeeze %dma_start3A_965 : memref<1x20000xf32, #tpu.memory_space<vmem>> -> memref<20000xf32, #tpu.memory_space<vmem>>
    %dma_start3A_967 = arith.constant 40000 : i32
    %dma_start3A_968 = tpu.memref_slice %arg2[%add3A_956, %dma_start3A_967] : memref<128x100000xf32, #tpu.memory_space<hbm>> -> memref<1x20000xf32, #tpu.memory_space<hbm>>
    %dma_start3A_969 = tpu.memref_squeeze %dma_start3A_968 : memref<1x20000xf32, #tpu.memory_space<hbm>> -> memref<20000xf32, #tpu.memory_space<hbm>>
    tpu.enqueue_dma source(%dma_start3A_969 : memref<20000xf32, #tpu.memory_space<hbm>>) target(%dma_start3A_966 : memref<20000xf32, #tpu.memory_space<vmem>>) target_semaphore(%arg10 : memref<!tpu.dma_semaphore, #tpu.memory_space<semaphore_mem>>)
    %dma_wait3A_970 = arith.constant 0 : i32
    %dma_wait3A_971 = arith.constant 0 : i32
    %dma_wait3A_972 = tpu.memref_slice %arg5[%dma_wait3A_970, %dma_wait3A_971] : memref<2x20000xf32, #tpu.memory_space<vmem>> -> memref<1x20000xf32, #tpu.memory_space<vmem>>
    %dma_wait3A_973 = tpu.memref_squeeze %dma_wait3A_972 : memref<1x20000xf32, #tpu.memory_space<vmem>> -> memref<20000xf32, #tpu.memory_space<vmem>>
    %dma_wait3A_974 = arith.constant 20000 : i32
    %dma_wait3A_975 = tpu.memref_slice %arg2[%add3A_914, %dma_wait3A_974] : memref<128x100000xf32, #tpu.memory_space<hbm>> -> memref<1x20000xf32, #tpu.memory_space<hbm>>
    %dma_wait3A_976 = tpu.memref_squeeze %dma_wait3A_975 : memref<1x20000xf32, #tpu.memory_space<hbm>> -> memref<20000xf32, #tpu.memory_space<hbm>>
    %dma_wait3A_977 = arith.constant 0 : i32
    %dma_wait3A_978 = tpu.memref_slice %arg5[%dma_wait3A_970, %dma_wait3A_977] : memref<2x20000xf32, #tpu.memory_space<vmem>> -> memref<1x20000xf32, #tpu.memory_space<vmem>>
    %dma_wait3A_979 = tpu.memref_squeeze %dma_wait3A_978 : memref<1x20000xf32, #tpu.memory_space<vmem>> -> memref<20000xf32, #tpu.memory_space<vmem>>
    %dma_wait3A_980 = arith.constant 20000 : i32
    %dma_wait3A_981 = tpu.memref_slice %arg2[%add3A_914, %dma_wait3A_980] : memref<128x100000xf32, #tpu.memory_space<hbm>> -> memref<1x20000xf32, #tpu.memory_space<hbm>>
    %dma_wait3A_982 = tpu.memref_squeeze %dma_wait3A_981 : memref<1x20000xf32, #tpu.memory_space<hbm>> -> memref<20000xf32, #tpu.memory_space<hbm>>
    tpu.wait_dma2 semaphore(%arg9 : memref<!tpu.dma_semaphore, #tpu.memory_space<semaphore_mem>>) src(%dma_wait3A_982 : memref<20000xf32, #tpu.memory_space<hbm>>) dst(%dma_wait3A_979 : memref<20000xf32, #tpu.memory_space<vmem>>)
    %scan3A_983 = arith.constant 0 : i32
    %scan3A_984 = arith.constant 1250 : i32
    %scan3A_985 = arith.addi %scan3A_983, %scan3A_984 : i32
    %scan3A_986 = arith.constant 1 : i32
    %scan3A_987:3 = scf.for %scan3A_1200 = %scan3A_983 to %scan3A_985 step %scan3A_986 iter_args(%scan3A_1201 = %scan3A_951#0, %scan3A_1202 = %scan3A_951#1, %scan3A_1203 = %scan3A_951#2) -> (vector<16xf32>, vector<16xf32>, vector<16xf32>)  : i32 {
      %mul3A_1204 = arith.constant 16 : i32
      %mul3A_1205 = arith.muli %scan3A_1200, %mul3A_1204 : i32
      %get3A_1206 = arith.constant 0 : i32
      %get3A_1207 = arith.index_cast %get3A_1206 : i32 to index
      %get3A_1208 = arith.index_cast %mul3A_1205 : i32 to index
      %get3A_1209 = tpu.vector_load %arg5[%get3A_1207, %get3A_1208] {strides = array<i32>} : memref<2x20000xf32, #tpu.memory_space<vmem>>, vector<16xf32>,
      %gt3A = arith.cmpf ogt, %get3A_1209, %scan3A_1201 : vector<16xf32>
      %gt3A_1210 = arith.cmpf ogt, %get3A_1209, %scan3A_1202 : vector<16xf32>
      %gt3A_1211 = arith.cmpf ogt, %get3A_1209, %scan3A_1203 : vector<16xf32>
      %select_n3A_1212 = arith.select %gt3A, %get3A_1209, %scan3A_1201 : vector<16xi1>, vector<16xf32>
      %select_n3A_1213 = arith.select %gt3A_1210, %get3A_1209, %scan3A_1202 : vector<16xi1>, vector<16xf32>
      %select_n3A_1214 = arith.select %gt3A, %scan3A_1201, %select_n3A_1213 : vector<16xi1>, vector<16xf32>
      %select_n3A_1215 = arith.select %gt3A_1211, %get3A_1209, %scan3A_1203 : vector<16xi1>, vector<16xf32>
      %select_n3A_1216 = arith.select %gt3A_1210, %scan3A_1202, %select_n3A_1215 : vector<16xi1>, vector<16xf32>
      scf.yield %select_n3A_1212, %select_n3A_1214, %select_n3A_1216 : vector<16xf32>, vector<16xf32>, vector<16xf32>
    }
    %scan3A_988 = arith.constant 1250 : i32
    %add3A_989 = arith.constant 3 : i32
    %add3A_990 = arith.addi %mul3A_2, %add3A_989 : i32
    %add3A_991 = arith.constant 3 : i32
    %add3A_992 = arith.addi %mul3A_2, %add3A_991 : i32
    %dma_start3A_993 = arith.constant 0 : i32
    %dma_start3A_994 = arith.constant 0 : i32
    %dma_start3A_995 = tpu.memref_slice %arg5[%dma_start3A_993, %dma_start3A_994] : memref<2x20000xf32, #tpu.memory_space<vmem>> -> memref<1x20000xf32, #tpu.memory_space<vmem>>
    %dma_start3A_996 = tpu.memref_squeeze %dma_start3A_995 : memref<1x20000xf32, #tpu.memory_space<vmem>> -> memref<20000xf32, #tpu.memory_space<vmem>>
    %dma_start3A_997 = arith.constant 60000 : i32
    %dma_start3A_998 = tpu.memref_slice %arg2[%add3A_992, %dma_start3A_997] : memref<128x100000xf32, #tpu.memory_space<hbm>> -> memref<1x20000xf32, #tpu.memory_space<hbm>>
    %dma_start3A_999 = tpu.memref_squeeze %dma_start3A_998 : memref<1x20000xf32, #tpu.memory_space<hbm>> -> memref<20000xf32, #tpu.memory_space<hbm>>
    %dma_start3A_1000 = arith.constant 0 : i32
    %dma_start3A_1001 = tpu.memref_slice %arg5[%dma_start3A_993, %dma_start3A_1000] : memref<2x20000xf32, #tpu.memory_space<vmem>> -> memref<1x20000xf32, #tpu.memory_space<vmem>>
    %dma_start3A_1002 = tpu.memref_squeeze %dma_start3A_1001 : memref<1x20000xf32, #tpu.memory_space<vmem>> -> memref<20000xf32, #tpu.memory_space<vmem>>
    %dma_start3A_1003 = arith.constant 60000 : i32
    %dma_start3A_1004 = tpu.memref_slice %arg2[%add3A_992, %dma_start3A_1003] : memref<128x100000xf32, #tpu.memory_space<hbm>> -> memref<1x20000xf32, #tpu.memory_space<hbm>>
    %dma_start3A_1005 = tpu.memref_squeeze %dma_start3A_1004 : memref<1x20000xf32, #tpu.memory_space<hbm>> -> memref<20000xf32, #tpu.memory_space<hbm>>
    tpu.enqueue_dma source(%dma_start3A_1005 : memref<20000xf32, #tpu.memory_space<hbm>>) target(%dma_start3A_1002 : memref<20000xf32, #tpu.memory_space<vmem>>) target_semaphore(%arg9 : memref<!tpu.dma_semaphore, #tpu.memory_space<semaphore_mem>>)
    %dma_wait3A_1006 = arith.constant 1 : i32
    %dma_wait3A_1007 = arith.constant 0 : i32
    %dma_wait3A_1008 = tpu.memref_slice %arg5[%dma_wait3A_1006, %dma_wait3A_1007] : memref<2x20000xf32, #tpu.memory_space<vmem>> -> memref<1x20000xf32, #tpu.memory_space<vmem>>
    %dma_wait3A_1009 = tpu.memref_squeeze %dma_wait3A_1008 : memref<1x20000xf32, #tpu.memory_space<vmem>> -> memref<20000xf32, #tpu.memory_space<vmem>>
    %dma_wait3A_1010 = arith.constant 40000 : i32
    %dma_wait3A_1011 = tpu.memref_slice %arg2[%add3A_956, %dma_wait3A_1010] : memref<128x100000xf32, #tpu.memory_space<hbm>> -> memref<1x20000xf32, #tpu.memory_space<hbm>>
    %dma_wait3A_1012 = tpu.memref_squeeze %dma_wait3A_1011 : memref<1x20000xf32, #tpu.memory_space<hbm>> -> memref<20000xf32, #tpu.memory_space<hbm>>
    %dma_wait3A_1013 = arith.constant 0 : i32
    %dma_wait3A_1014 = tpu.memref_slice %arg5[%dma_wait3A_1006, %dma_wait3A_1013] : memref<2x20000xf32, #tpu.memory_space<vmem>> -> memref<1x20000xf32, #tpu.memory_space<vmem>>
    %dma_wait3A_1015 = tpu.memref_squeeze %dma_wait3A_1014 : memref<1x20000xf32, #tpu.memory_space<vmem>> -> memref<20000xf32, #tpu.memory_space<vmem>>
    %dma_wait3A_1016 = arith.constant 40000 : i32
    %dma_wait3A_1017 = tpu.memref_slice %arg2[%add3A_956, %dma_wait3A_1016] : memref<128x100000xf32, #tpu.memory_space<hbm>> -> memref<1x20000xf32, #tpu.memory_space<hbm>>
    %dma_wait3A_1018 = tpu.memref_squeeze %dma_wait3A_1017 : memref<1x20000xf32, #tpu.memory_space<hbm>> -> memref<20000xf32, #tpu.memory_space<hbm>>
    tpu.wait_dma2 semaphore(%arg10 : memref<!tpu.dma_semaphore, #tpu.memory_space<semaphore_mem>>) src(%dma_wait3A_1018 : memref<20000xf32, #tpu.memory_space<hbm>>) dst(%dma_wait3A_1015 : memref<20000xf32, #tpu.memory_space<vmem>>)
    %scan3A_1019 = arith.constant 0 : i32
    %scan3A_1020 = arith.constant 1250 : i32
    %scan3A_1021 = arith.addi %scan3A_1019, %scan3A_1020 : i32
    %scan3A_1022 = arith.constant 1 : i32
    %scan3A_1023:3 = scf.for %scan3A_1200 = %scan3A_1019 to %scan3A_1021 step %scan3A_1022 iter_args(%scan3A_1201 = %scan3A_987#0, %scan3A_1202 = %scan3A_987#1, %scan3A_1203 = %scan3A_987#2) -> (vector<16xf32>, vector<16xf32>, vector<16xf32>)  : i32 {
      %mul3A_1204 = arith.constant 16 : i32
      %mul3A_1205 = arith.muli %scan3A_1200, %mul3A_1204 : i32
      %get3A_1206 = arith.constant 1 : i32
      %get3A_1207 = arith.index_cast %get3A_1206 : i32 to index
      %get3A_1208 = arith.index_cast %mul3A_1205 : i32 to index
      %get3A_1209 = tpu.vector_load %arg5[%get3A_1207, %get3A_1208] {strides = array<i32>} : memref<2x20000xf32, #tpu.memory_space<vmem>>, vector<16xf32>,
      %gt3A = arith.cmpf ogt, %get3A_1209, %scan3A_1201 : vector<16xf32>
      %gt3A_1210 = arith.cmpf ogt, %get3A_1209, %scan3A_1202 : vector<16xf32>
      %gt3A_1211 = arith.cmpf ogt, %get3A_1209, %scan3A_1203 : vector<16xf32>
      %select_n3A_1212 = arith.select %gt3A, %get3A_1209, %scan3A_1201 : vector<16xi1>, vector<16xf32>
      %select_n3A_1213 = arith.select %gt3A_1210, %get3A_1209, %scan3A_1202 : vector<16xi1>, vector<16xf32>
      %select_n3A_1214 = arith.select %gt3A, %scan3A_1201, %select_n3A_1213 : vector<16xi1>, vector<16xf32>
      %select_n3A_1215 = arith.select %gt3A_1211, %get3A_1209, %scan3A_1203 : vector<16xi1>, vector<16xf32>
      %select_n3A_1216 = arith.select %gt3A_1210, %scan3A_1202, %select_n3A_1215 : vector<16xi1>, vector<16xf32>
      scf.yield %select_n3A_1212, %select_n3A_1214, %select_n3A_1216 : vector<16xf32>, vector<16xf32>, vector<16xf32>
    }
    %scan3A_1024 = arith.constant 1250 : i32
    %add3A_1025 = arith.constant 3 : i32
    %add3A_1026 = arith.addi %mul3A_2, %add3A_1025 : i32
    %add3A_1027 = arith.constant 3 : i32
    %add3A_1028 = arith.addi %mul3A_2, %add3A_1027 : i32
    %dma_start3A_1029 = arith.constant 1 : i32
    %dma_start3A_1030 = arith.constant 0 : i32
    %dma_start3A_1031 = tpu.memref_slice %arg5[%dma_start3A_1029, %dma_start3A_1030] : memref<2x20000xf32, #tpu.memory_space<vmem>> -> memref<1x20000xf32, #tpu.memory_space<vmem>>
    %dma_start3A_1032 = tpu.memref_squeeze %dma_start3A_1031 : memref<1x20000xf32, #tpu.memory_space<vmem>> -> memref<20000xf32, #tpu.memory_space<vmem>>
    %dma_start3A_1033 = arith.constant 80000 : i32
    %dma_start3A_1034 = tpu.memref_slice %arg2[%add3A_1028, %dma_start3A_1033] : memref<128x100000xf32, #tpu.memory_space<hbm>> -> memref<1x20000xf32, #tpu.memory_space<hbm>>
    %dma_start3A_1035 = tpu.memref_squeeze %dma_start3A_1034 : memref<1x20000xf32, #tpu.memory_space<hbm>> -> memref<20000xf32, #tpu.memory_space<hbm>>
    %dma_start3A_1036 = arith.constant 0 : i32
    %dma_start3A_1037 = tpu.memref_slice %arg5[%dma_start3A_1029, %dma_start3A_1036] : memref<2x20000xf32, #tpu.memory_space<vmem>> -> memref<1x20000xf32, #tpu.memory_space<vmem>>
    %dma_start3A_1038 = tpu.memref_squeeze %dma_start3A_1037 : memref<1x20000xf32, #tpu.memory_space<vmem>> -> memref<20000xf32, #tpu.memory_space<vmem>>
    %dma_start3A_1039 = arith.constant 80000 : i32
    %dma_start3A_1040 = tpu.memref_slice %arg2[%add3A_1028, %dma_start3A_1039] : memref<128x100000xf32, #tpu.memory_space<hbm>> -> memref<1x20000xf32, #tpu.memory_space<hbm>>
    %dma_start3A_1041 = tpu.memref_squeeze %dma_start3A_1040 : memref<1x20000xf32, #tpu.memory_space<hbm>> -> memref<20000xf32, #tpu.memory_space<hbm>>
    tpu.enqueue_dma source(%dma_start3A_1041 : memref<20000xf32, #tpu.memory_space<hbm>>) target(%dma_start3A_1038 : memref<20000xf32, #tpu.memory_space<vmem>>) target_semaphore(%arg10 : memref<!tpu.dma_semaphore, #tpu.memory_space<semaphore_mem>>)
    %dma_wait3A_1042 = arith.constant 0 : i32
    %dma_wait3A_1043 = arith.constant 0 : i32
    %dma_wait3A_1044 = tpu.memref_slice %arg5[%dma_wait3A_1042, %dma_wait3A_1043] : memref<2x20000xf32, #tpu.memory_space<vmem>> -> memref<1x20000xf32, #tpu.memory_space<vmem>>
    %dma_wait3A_1045 = tpu.memref_squeeze %dma_wait3A_1044 : memref<1x20000xf32, #tpu.memory_space<vmem>> -> memref<20000xf32, #tpu.memory_space<vmem>>
    %dma_wait3A_1046 = arith.constant 60000 : i32
    %dma_wait3A_1047 = tpu.memref_slice %arg2[%add3A_992, %dma_wait3A_1046] : memref<128x100000xf32, #tpu.memory_space<hbm>> -> memref<1x20000xf32, #tpu.memory_space<hbm>>
    %dma_wait3A_1048 = tpu.memref_squeeze %dma_wait3A_1047 : memref<1x20000xf32, #tpu.memory_space<hbm>> -> memref<20000xf32, #tpu.memory_space<hbm>>
    %dma_wait3A_1049 = arith.constant 0 : i32
    %dma_wait3A_1050 = tpu.memref_slice %arg5[%dma_wait3A_1042, %dma_wait3A_1049] : memref<2x20000xf32, #tpu.memory_space<vmem>> -> memref<1x20000xf32, #tpu.memory_space<vmem>>
    %dma_wait3A_1051 = tpu.memref_squeeze %dma_wait3A_1050 : memref<1x20000xf32, #tpu.memory_space<vmem>> -> memref<20000xf32, #tpu.memory_space<vmem>>
    %dma_wait3A_1052 = arith.constant 60000 : i32
    %dma_wait3A_1053 = tpu.memref_slice %arg2[%add3A_992, %dma_wait3A_1052] : memref<128x100000xf32, #tpu.memory_space<hbm>> -> memref<1x20000xf32, #tpu.memory_space<hbm>>
    %dma_wait3A_1054 = tpu.memref_squeeze %dma_wait3A_1053 : memref<1x20000xf32, #tpu.memory_space<hbm>> -> memref<20000xf32, #tpu.memory_space<hbm>>
    tpu.wait_dma2 semaphore(%arg9 : memref<!tpu.dma_semaphore, #tpu.memory_space<semaphore_mem>>) src(%dma_wait3A_1054 : memref<20000xf32, #tpu.memory_space<hbm>>) dst(%dma_wait3A_1051 : memref<20000xf32, #tpu.memory_space<vmem>>)
    %scan3A_1055 = arith.constant 0 : i32
    %scan3A_1056 = arith.constant 1250 : i32
    %scan3A_1057 = arith.addi %scan3A_1055, %scan3A_1056 : i32
    %scan3A_1058 = arith.constant 1 : i32
    %scan3A_1059:3 = scf.for %scan3A_1200 = %scan3A_1055 to %scan3A_1057 step %scan3A_1058 iter_args(%scan3A_1201 = %scan3A_1023#0, %scan3A_1202 = %scan3A_1023#1, %scan3A_1203 = %scan3A_1023#2) -> (vector<16xf32>, vector<16xf32>, vector<16xf32>)  : i32 {
      %mul3A_1204 = arith.constant 16 : i32
      %mul3A_1205 = arith.muli %scan3A_1200, %mul3A_1204 : i32
      %get3A_1206 = arith.constant 0 : i32
      %get3A_1207 = arith.index_cast %get3A_1206 : i32 to index
      %get3A_1208 = arith.index_cast %mul3A_1205 : i32 to index
      %get3A_1209 = tpu.vector_load %arg5[%get3A_1207, %get3A_1208] {strides = array<i32>} : memref<2x20000xf32, #tpu.memory_space<vmem>>, vector<16xf32>,
      %gt3A = arith.cmpf ogt, %get3A_1209, %scan3A_1201 : vector<16xf32>
      %gt3A_1210 = arith.cmpf ogt, %get3A_1209, %scan3A_1202 : vector<16xf32>
      %gt3A_1211 = arith.cmpf ogt, %get3A_1209, %scan3A_1203 : vector<16xf32>
      %select_n3A_1212 = arith.select %gt3A, %get3A_1209, %scan3A_1201 : vector<16xi1>, vector<16xf32>
      %select_n3A_1213 = arith.select %gt3A_1210, %get3A_1209, %scan3A_1202 : vector<16xi1>, vector<16xf32>
      %select_n3A_1214 = arith.select %gt3A, %scan3A_1201, %select_n3A_1213 : vector<16xi1>, vector<16xf32>
      %select_n3A_1215 = arith.select %gt3A_1211, %get3A_1209, %scan3A_1203 : vector<16xi1>, vector<16xf32>
      %select_n3A_1216 = arith.select %gt3A_1210, %scan3A_1202, %select_n3A_1215 : vector<16xi1>, vector<16xf32>
      scf.yield %select_n3A_1212, %select_n3A_1214, %select_n3A_1216 : vector<16xf32>, vector<16xf32>, vector<16xf32>
    }
    %scan3A_1060 = arith.constant 1250 : i32
    %add3A_1061 = arith.constant 3 : i32
    %add3A_1062 = arith.addi %mul3A_2, %add3A_1061 : i32
    %dma_wait3A_1063 = arith.constant 1 : i32
    %dma_wait3A_1064 = arith.constant 0 : i32
    %dma_wait3A_1065 = tpu.memref_slice %arg5[%dma_wait3A_1063, %dma_wait3A_1064] : memref<2x20000xf32, #tpu.memory_space<vmem>> -> memref<1x20000xf32, #tpu.memory_space<vmem>>
    %dma_wait3A_1066 = tpu.memref_squeeze %dma_wait3A_1065 : memref<1x20000xf32, #tpu.memory_space<vmem>> -> memref<20000xf32, #tpu.memory_space<vmem>>
    %dma_wait3A_1067 = arith.constant 80000 : i32
    %dma_wait3A_1068 = tpu.memref_slice %arg2[%add3A_1028, %dma_wait3A_1067] : memref<128x100000xf32, #tpu.memory_space<hbm>> -> memref<1x20000xf32, #tpu.memory_space<hbm>>
    %dma_wait3A_1069 = tpu.memref_squeeze %dma_wait3A_1068 : memref<1x20000xf32, #tpu.memory_space<hbm>> -> memref<20000xf32, #tpu.memory_space<hbm>>
    %dma_wait3A_1070 = arith.constant 0 : i32
    %dma_wait3A_1071 = tpu.memref_slice %arg5[%dma_wait3A_1063, %dma_wait3A_1070] : memref<2x20000xf32, #tpu.memory_space<vmem>> -> memref<1x20000xf32, #tpu.memory_space<vmem>>
    %dma_wait3A_1072 = tpu.memref_squeeze %dma_wait3A_1071 : memref<1x20000xf32, #tpu.memory_space<vmem>> -> memref<20000xf32, #tpu.memory_space<vmem>>
    %dma_wait3A_1073 = arith.constant 80000 : i32
    %dma_wait3A_1074 = tpu.memref_slice %arg2[%add3A_1028, %dma_wait3A_1073] : memref<128x100000xf32, #tpu.memory_space<hbm>> -> memref<1x20000xf32, #tpu.memory_space<hbm>>
    %dma_wait3A_1075 = tpu.memref_squeeze %dma_wait3A_1074 : memref<1x20000xf32, #tpu.memory_space<hbm>> -> memref<20000xf32, #tpu.memory_space<hbm>>
    tpu.wait_dma2 semaphore(%arg10 : memref<!tpu.dma_semaphore, #tpu.memory_space<semaphore_mem>>) src(%dma_wait3A_1075 : memref<20000xf32, #tpu.memory_space<hbm>>) dst(%dma_wait3A_1072 : memref<20000xf32, #tpu.memory_space<vmem>>)
    %scan3A_1076 = arith.constant 0 : i32
    %scan3A_1077 = arith.constant 1250 : i32
    %scan3A_1078 = arith.addi %scan3A_1076, %scan3A_1077 : i32
    %scan3A_1079 = arith.constant 1 : i32
    %scan3A_1080:3 = scf.for %scan3A_1200 = %scan3A_1076 to %scan3A_1078 step %scan3A_1079 iter_args(%scan3A_1201 = %scan3A_1059#0, %scan3A_1202 = %scan3A_1059#1, %scan3A_1203 = %scan3A_1059#2) -> (vector<16xf32>, vector<16xf32>, vector<16xf32>)  : i32 {
      %mul3A_1204 = arith.constant 16 : i32
      %mul3A_1205 = arith.muli %scan3A_1200, %mul3A_1204 : i32
      %get3A_1206 = arith.constant 1 : i32
      %get3A_1207 = arith.index_cast %get3A_1206 : i32 to index
      %get3A_1208 = arith.index_cast %mul3A_1205 : i32 to index
      %get3A_1209 = tpu.vector_load %arg5[%get3A_1207, %get3A_1208] {strides = array<i32>} : memref<2x20000xf32, #tpu.memory_space<vmem>>, vector<16xf32>,
      %gt3A = arith.cmpf ogt, %get3A_1209, %scan3A_1201 : vector<16xf32>
      %gt3A_1210 = arith.cmpf ogt, %get3A_1209, %scan3A_1202 : vector<16xf32>
      %gt3A_1211 = arith.cmpf ogt, %get3A_1209, %scan3A_1203 : vector<16xf32>
      %select_n3A_1212 = arith.select %gt3A, %get3A_1209, %scan3A_1201 : vector<16xi1>, vector<16xf32>
      %select_n3A_1213 = arith.select %gt3A_1210, %get3A_1209, %scan3A_1202 : vector<16xi1>, vector<16xf32>
      %select_n3A_1214 = arith.select %gt3A, %scan3A_1201, %select_n3A_1213 : vector<16xi1>, vector<16xf32>
      %select_n3A_1215 = arith.select %gt3A_1211, %get3A_1209, %scan3A_1203 : vector<16xi1>, vector<16xf32>
      %select_n3A_1216 = arith.select %gt3A_1210, %scan3A_1202, %select_n3A_1215 : vector<16xi1>, vector<16xf32>
      scf.yield %select_n3A_1212, %select_n3A_1214, %select_n3A_1216 : vector<16xf32>, vector<16xf32>, vector<16xf32>
    }
    %scan3A_1081 = arith.constant 1250 : i32
    %reduce_max3A_1082 = arith.constant true
    %reduce_max3A_1083 = vector.broadcast %reduce_max3A_1082 : i1 to vector<16xi1>
    %reduce_max3A_1084 = tpu.scan <max>, %scan3A_1080#0 masked %reduce_max3A_1083 : vector<16xf32>, vector<16xi1> -> vector<16xf32>
    %reduce_max3A_1085 = vector.extract %reduce_max3A_1084[15] : f32 from vector<16xf32>
    %eq3A_1086 = vector.broadcast %reduce_max3A_1085 : f32 to vector<16xf32>
    %eq3A_1087 = arith.cmpf oeq, %scan3A_1080#0, %eq3A_1086 : vector<16xf32>
    %all_reduce_ffs3A_1088 = tpu.all_reduce %eq3A_1087 {dim = 0 : i64, kind = #tpu.reduction_kind<find_first_set>} : vector<16xi1> -> vector<16xi32>
    %eq3A_1089 = arith.cmpi eq, %iota3A, %all_reduce_ffs3A_1088 : vector<16xi32>
    %select_n3A_1090 = arith.select %eq3A_1089, %scan3A_1080#1, %scan3A_1080#0 : vector<16xi1>, vector<16xf32>
    %select_n3A_1091 = arith.select %eq3A_1089, %scan3A_1080#2, %scan3A_1080#1 : vector<16xi1>, vector<16xf32>
    %reduce_max3A_1092 = arith.constant true
    %reduce_max3A_1093 = vector.broadcast %reduce_max3A_1092 : i1 to vector<16xi1>
    %reduce_max3A_1094 = tpu.scan <max>, %select_n3A_1090 masked %reduce_max3A_1093 : vector<16xf32>, vector<16xi1> -> vector<16xf32>
    %reduce_max3A_1095 = vector.extract %reduce_max3A_1094[15] : f32 from vector<16xf32>
    %eq3A_1096 = vector.broadcast %reduce_max3A_1095 : f32 to vector<16xf32>
    %eq3A_1097 = arith.cmpf oeq, %select_n3A_1090, %eq3A_1096 : vector<16xf32>
    %all_reduce_ffs3A_1098 = tpu.all_reduce %eq3A_1097 {dim = 0 : i64, kind = #tpu.reduction_kind<find_first_set>} : vector<16xi1> -> vector<16xi32>
    %eq3A_1099 = arith.cmpi eq, %iota3A, %all_reduce_ffs3A_1098 : vector<16xi32>
    %select_n3A_1100 = arith.select %eq3A_1099, %select_n3A_1091, %select_n3A_1090 : vector<16xi1>, vector<16xf32>
    %reduce_max3A_1101 = arith.constant true
    %reduce_max3A_1102 = vector.broadcast %reduce_max3A_1101 : i1 to vector<16xi1>
    %reduce_max3A_1103 = tpu.scan <max>, %select_n3A_1100 masked %reduce_max3A_1102 : vector<16xf32>, vector<16xi1> -> vector<16xf32>
    %reduce_max3A_1104 = vector.extract %reduce_max3A_1103[15] : f32 from vector<16xf32>
    %jit3A_1105 = arith.constant 16 : i32
    %div3A_1106 = arith.divsi %mul3A_2, %jit3A_1105 : i32
    %sign3A_1107 = arith.constant 0 : i32
    %sign3A_1108 = arith.cmpi sgt, %mul3A_2, %sign3A_1107 : i32
    %sign3A_1109 = arith.extui %sign3A_1108 : i1 to i32
    %sign3A_1110 = arith.constant 0 : i32
    %sign3A_1111 = arith.cmpi slt, %mul3A_2, %sign3A_1110 : i32
    %sign3A_1112 = arith.extui %sign3A_1111 : i1 to i32
    %sign3A_1113 = arith.subi %sign3A_1109, %sign3A_1112 : i32
    %sign3A_1114 = arith.constant 0 : i32
    %sign3A_1115 = arith.cmpi sgt, %jit3A_1105, %sign3A_1114 : i32
    %sign3A_1116 = arith.extui %sign3A_1115 : i1 to i32
    %sign3A_1117 = arith.constant 0 : i32
    %sign3A_1118 = arith.cmpi slt, %jit3A_1105, %sign3A_1117 : i32
    %sign3A_1119 = arith.extui %sign3A_1118 : i1 to i32
    %sign3A_1120 = arith.subi %sign3A_1116, %sign3A_1119 : i32
    %ne3A_1121 = arith.cmpi ne, %sign3A_1113, %sign3A_1120 : i32
    %rem3A_1122 = arith.remsi %mul3A_2, %jit3A_1105 : i32
    %ne3A_1123 = arith.constant 0 : i32
    %ne3A_1124 = arith.cmpi ne, %rem3A_1122, %ne3A_1123 : i32
    %and3A_1125 = arith.andi %ne3A_1121, %ne3A_1124 : i1
    %sub3A_1126 = arith.constant 1 : i32
    %sub3A_1127 = arith.subi %div3A_1106, %sub3A_1126 : i32
    %select_n3A_1128 = arith.select %and3A_1125, %sub3A_1127, %div3A_1106 : i32
    %mul3A_1129 = arith.constant 16 : i32
    %mul3A_1130 = arith.muli %select_n3A_1128, %mul3A_1129 : i32
    %get3A_1131 = arith.index_cast %mul3A_1130 : i32 to index
    %get3A_1132 = tpu.vector_load %arg6[%get3A_1131] {strides = array<i32>} : memref<128xi32, #tpu.memory_space<vmem>>, vector<16xi32>,
    %sub3A_1133 = arith.subi %add3A_1062, %mul3A_1130 : i32
    %eq3A_1134 = vector.broadcast %sub3A_1133 : i32 to vector<16xi32>
    %eq3A_1135 = arith.cmpi eq, %iota3A, %eq3A_1134 : vector<16xi32>
    %jit3A_1136 = arith.constant 0 : i32
    %broadcast_in_dim3A_1137 = vector.broadcast %jit3A_1136 : i32 to vector<16xi32>
    %select_n3A_1138 = arith.select %eq3A_1135, %get3A_1132, %broadcast_in_dim3A_1137 : vector<16xi1>, vector<16xi32>
    %reduce_max3A_1139 = arith.constant true
    %reduce_max3A_1140 = vector.broadcast %reduce_max3A_1139 : i1 to vector<16xi1>
    %reduce_max3A_1141 = arith.constant -2147483648 : i32
    %reduce_max3A_1142 = vector.broadcast %reduce_max3A_1141 : i32 to vector<16xi32>
    %reduce_max3A_1143 = arith.xori %select_n3A_1138, %reduce_max3A_1142 : vector<16xi32>
    %reduce_max3A_1144 = tpu.scan <max>, %reduce_max3A_1143 masked %reduce_max3A_1140 : vector<16xi32>, vector<16xi1> -> vector<16xi32>
    %reduce_max3A_1145 = arith.xori %reduce_max3A_1144, %reduce_max3A_1142 : vector<16xi32>
    %reduce_max3A_1146 = vector.extract %reduce_max3A_1145[15] : i32 from vector<16xi32>
    %jit3A_1147 = arith.constant 16 : i32
    %div3A_1148 = arith.divsi %reduce_max3A_1146, %jit3A_1147 : i32
    %sign3A_1149 = arith.constant 0 : i32
    %sign3A_1150 = arith.cmpi sgt, %reduce_max3A_1146, %sign3A_1149 : i32
    %sign3A_1151 = arith.extui %sign3A_1150 : i1 to i32
    %sign3A_1152 = arith.constant 0 : i32
    %sign3A_1153 = arith.cmpi slt, %reduce_max3A_1146, %sign3A_1152 : i32
    %sign3A_1154 = arith.extui %sign3A_1153 : i1 to i32
    %sign3A_1155 = arith.subi %sign3A_1151, %sign3A_1154 : i32
    %sign3A_1156 = arith.constant 0 : i32
    %sign3A_1157 = arith.cmpi sgt, %jit3A_1147, %sign3A_1156 : i32
    %sign3A_1158 = arith.extui %sign3A_1157 : i1 to i32
    %sign3A_1159 = arith.constant 0 : i32
    %sign3A_1160 = arith.cmpi slt, %jit3A_1147, %sign3A_1159 : i32
    %sign3A_1161 = arith.extui %sign3A_1160 : i1 to i32
    %sign3A_1162 = arith.subi %sign3A_1158, %sign3A_1161 : i32
    %ne3A_1163 = arith.cmpi ne, %sign3A_1155, %sign3A_1162 : i32
    %rem3A_1164 = arith.remsi %reduce_max3A_1146, %jit3A_1147 : i32
    %ne3A_1165 = arith.constant 0 : i32
    %ne3A_1166 = arith.cmpi ne, %rem3A_1164, %ne3A_1165 : i32
    %and3A_1167 = arith.andi %ne3A_1163, %ne3A_1166 : i1
    %sub3A_1168 = arith.constant 1 : i32
    %sub3A_1169 = arith.subi %div3A_1148, %sub3A_1168 : i32
    %select_n3A_1170 = arith.select %and3A_1167, %sub3A_1169, %div3A_1148 : i32
    %mul3A_1171 = arith.constant 16 : i32
    %mul3A_1172 = arith.muli %select_n3A_1170, %mul3A_1171 : i32
    "tpu.region"() ({
      %run_scoped3A = tpu.sem_alloc : memref<!tpu.dma_semaphore, #tpu.memory_space<semaphore_mem>>
      %dma_start3A_1200 = tpu.memref_slice %arg2[%add3A_1062, %mul3A_1172] : memref<128x100000xf32, #tpu.memory_space<hbm>> -> memref<1x16xf32, #tpu.memory_space<hbm>>
      %dma_start3A_1201 = tpu.memref_squeeze %dma_start3A_1200 : memref<1x16xf32, #tpu.memory_space<hbm>> -> memref<16xf32, #tpu.memory_space<hbm>>
      %dma_start3A_1202 = tpu.memref_slice %arg2[%add3A_1062, %mul3A_1172] : memref<128x100000xf32, #tpu.memory_space<hbm>> -> memref<1x16xf32, #tpu.memory_space<hbm>>
      %dma_start3A_1203 = tpu.memref_squeeze %dma_start3A_1202 : memref<1x16xf32, #tpu.memory_space<hbm>> -> memref<16xf32, #tpu.memory_space<hbm>>
      tpu.enqueue_dma source(%dma_start3A_1203 : memref<16xf32, #tpu.memory_space<hbm>>) target(%arg7 : memref<16xf32, #tpu.memory_space<vmem>>) target_semaphore(%run_scoped3A : memref<!tpu.dma_semaphore, #tpu.memory_space<semaphore_mem>>)
      %dma_wait3A_1204 = tpu.memref_slice %arg2[%add3A_1062, %mul3A_1172] : memref<128x100000xf32, #tpu.memory_space<hbm>> -> memref<1x16xf32, #tpu.memory_space<hbm>>
      %dma_wait3A_1205 = tpu.memref_squeeze %dma_wait3A_1204 : memref<1x16xf32, #tpu.memory_space<hbm>> -> memref<16xf32, #tpu.memory_space<hbm>>
      %dma_wait3A_1206 = tpu.memref_slice %arg2[%add3A_1062, %mul3A_1172] : memref<128x100000xf32, #tpu.memory_space<hbm>> -> memref<1x16xf32, #tpu.memory_space<hbm>>
      %dma_wait3A_1207 = tpu.memref_squeeze %dma_wait3A_1206 : memref<1x16xf32, #tpu.memory_space<hbm>> -> memref<16xf32, #tpu.memory_space<hbm>>
      tpu.wait_dma2 semaphore(%run_scoped3A : memref<!tpu.dma_semaphore, #tpu.memory_space<semaphore_mem>>) src(%dma_wait3A_1207 : memref<16xf32, #tpu.memory_space<hbm>>) dst(%arg7 : memref<16xf32, #tpu.memory_space<vmem>>)
      tpu.yield
    }) : () -> ()
    %sub3A_1173 = arith.subi %reduce_max3A_1146, %mul3A_1172 : i32
    %eq3A_1174 = vector.broadcast %sub3A_1173 : i32 to vector<16xi32>
    %eq3A_1175 = arith.cmpi eq, %iota3A, %eq3A_1174 : vector<16xi32>
    %get3A_1176 = arith.constant 0 : index
    %get3A_1177 = tpu.vector_load %arg7[%get3A_1176] {strides = array<i32>} : memref<16xf32, #tpu.memory_space<vmem>>, vector<16xf32>,
    %jit3A_1178 = arith.constant -3.000000e+38 : f32
    %broadcast_in_dim3A_1179 = vector.broadcast %jit3A_1178 : f32 to vector<16xf32>
    %select_n3A_1180 = arith.select %eq3A_1175, %get3A_1177, %broadcast_in_dim3A_1179 : vector<16xi1>, vector<16xf32>
    %reduce_max3A_1181 = arith.constant true
    %reduce_max3A_1182 = vector.broadcast %reduce_max3A_1181 : i1 to vector<16xi1>
    %reduce_max3A_1183 = tpu.scan <max>, %select_n3A_1180 masked %reduce_max3A_1182 : vector<16xf32>, vector<16xi1> -> vector<16xf32>
    %reduce_max3A_1184 = vector.extract %reduce_max3A_1183[15] : f32 from vector<16xf32>
    %eq3A_1185 = arith.cmpf oeq, %reduce_max3A_1184, %reduce_max3A_1085 : f32
    %sub3A_1186 = arith.subf %reduce_max3A_1095, %reduce_max3A_1184 : f32
    %sub3A_1187 = arith.subf %reduce_max3A_1085, %reduce_max3A_1184 : f32
    %select_n3A_1188 = arith.select %eq3A_1185, %sub3A_1186, %sub3A_1187 : f32
    %sub3A_1189 = arith.subf %reduce_max3A_1085, %reduce_max3A_1104 : f32
    %add3A_1190 = arith.constant 9.99999996E-13 : f32
    %add3A_1191 = arith.addf %sub3A_1189, %add3A_1190 : f32
    %broadcast_in_dim3A_1192 = vector.broadcast %select_n3A_1188 : f32 to vector<16xf32>
    %broadcast_in_dim3A_1193 = vector.broadcast %add3A_1191 : f32 to vector<16xf32>
    %div3A_1194 = arith.divf %broadcast_in_dim3A_1192, %broadcast_in_dim3A_1193 : vector<16xf32>
    %eq3A_1195 = arith.constant 3 : i32
    %eq3A_1196 = vector.broadcast %eq3A_1195 : i32 to vector<16xi32>
    %eq3A_1197 = arith.cmpi eq, %iota3A, %eq3A_1196 : vector<16xi32>
    %select_n3A_1198 = arith.select %eq3A_1197, %div3A_1194, %select_n3A_910 : vector<16xi1>, vector<16xf32>
    %swap3A = arith.constant 0 : index
    %swap3A_1199 = tpu.vector_load %arg8[%swap3A] {strides = array<i32>} : memref<16xf32, #tpu.memory_space<vmem>>, vector<16xf32>,
    tpu.vector_store %arg8[%swap3A], %select_n3A_1198 {strides = array<i32>} : memref<16xf32, #tpu.memory_space<vmem>>, vector<16xf32>,
    "tpu.region"() ({
      %run_scoped3A = tpu.sem_alloc : memref<!tpu.dma_semaphore, #tpu.memory_space<semaphore_mem>>
      %dma_start3A_1200 = arith.constant 0 : i32
      %dma_start3A_1201 = tpu.memref_slice %arg4[%add3A, %dma_start3A_1200] : memref<32x16xf32, #tpu.memory_space<hbm>> -> memref<1x16xf32, #tpu.memory_space<hbm>>
      %dma_start3A_1202 = tpu.memref_squeeze %dma_start3A_1201 : memref<1x16xf32, #tpu.memory_space<hbm>> -> memref<16xf32, #tpu.memory_space<hbm>>
      %dma_start3A_1203 = arith.constant 0 : i32
      %dma_start3A_1204 = tpu.memref_slice %arg4[%add3A, %dma_start3A_1203] : memref<32x16xf32, #tpu.memory_space<hbm>> -> memref<1x16xf32, #tpu.memory_space<hbm>>
      %dma_start3A_1205 = tpu.memref_squeeze %dma_start3A_1204 : memref<1x16xf32, #tpu.memory_space<hbm>> -> memref<16xf32, #tpu.memory_space<hbm>>
      tpu.enqueue_dma source(%arg8 : memref<16xf32, #tpu.memory_space<vmem>>) target(%dma_start3A_1205 : memref<16xf32, #tpu.memory_space<hbm>>) target_semaphore(%run_scoped3A : memref<!tpu.dma_semaphore, #tpu.memory_space<semaphore_mem>>)
      %dma_wait3A_1206 = arith.constant 0 : i32
      %dma_wait3A_1207 = tpu.memref_slice %arg4[%add3A, %dma_wait3A_1206] : memref<32x16xf32, #tpu.memory_space<hbm>> -> memref<1x16xf32, #tpu.memory_space<hbm>>
      %dma_wait3A_1208 = tpu.memref_squeeze %dma_wait3A_1207 : memref<1x16xf32, #tpu.memory_space<hbm>> -> memref<16xf32, #tpu.memory_space<hbm>>
      %dma_wait3A_1209 = arith.constant 0 : i32
      %dma_wait3A_1210 = tpu.memref_slice %arg4[%add3A, %dma_wait3A_1209] : memref<32x16xf32, #tpu.memory_space<hbm>> -> memref<1x16xf32, #tpu.memory_space<hbm>>
      %dma_wait3A_1211 = tpu.memref_squeeze %dma_wait3A_1210 : memref<1x16xf32, #tpu.memory_space<hbm>> -> memref<16xf32, #tpu.memory_space<hbm>>
      tpu.wait_dma2 semaphore(%run_scoped3A : memref<!tpu.dma_semaphore, #tpu.memory_space<semaphore_mem>>) src(%arg8 : memref<16xf32, #tpu.memory_space<vmem>>) dst(%dma_wait3A_1211 : memref<16xf32, #tpu.memory_space<hbm>>)
      tpu.yield
    }) : () -> ()
    return
  }
}

</mosaic_0001>

<sc_bundles>
// kernel: kernel.3.cloned.1.call-start
scs
__scs_entry_jumppad:
0x0: {  	(pc) =	sbr.rel $0x88, $3  }
0x1: {  	(tag) =	ssettag $0x0;
	lr =	simm.s32 $0x1  }
0x2: {  	[smem:$0x3F9F] =	sst lr;
	_ =	strace $0xD0000000  }
0x3: {  	_ = 	snop  }
0x4: {  	_ = 	snop  }
0x5: {  	_ = 	snop  }
0x6: {  	_ = 	snop  }
0x7: {  	_ = 	snop  }
__scs_overlays_trampoline_lowered:
0x8: {  	[smem:$0x3FAE] =	sst s0  }
0x9: {  	[smem:$0x3FAF] =	sst s1  }
0xa: {  	[smem:$0x3FB0] =	sst s2  }
0xb: {  	[smem:$0x3FB1] =	sst s3  }
0xc: {  	[smem:$0x3FB2] =	sst s4  }
0xd: {  	[smem:$0x3FB3] =	sst s5  }
0xe: {  	[smem:$0x3FB4] =	sst s6  }
0xf: {  	[smem:$0x3FB5] =	sst s7  }
0x10: {  	[smem:$0x3FB6] =	sst s8  }
0x11: {  	[smem:$0x3FB7] =	sst s9;
	s0 =	simm.s32 @!p0 $0x0  }
0x12: {  	s1 =	sld [smem:$0x3F9D];
	s0 =	simm.s32 @p0 $0x1  }
0x13: {  	[smem:$0x3FB8] =	sst s0;
	s0 =	simm.s32 @!p1 $0x0  }
0x14: {  	s2 =	sld [smem:$0x3F9C];
	s0 =	simm.s32 @p1 $0x1  }
0x15: {  	[smem:$0x3FB9] =	sst s0;
	s0 =	simm.s32 @!p2 $0x0  }
0x16: {  	s3 =	sld [smem:$0x3FDB];
	s0 =	simm.s32 @p2 $0x1  }
0x17: {  	s4 =	simm.s32 $0x1BF5;
	[smem:$0x3FBB] =	sst s0  }
0x18: {  	s0 =	sld [smem:$0x3F9E];
	_ =	swait.ge [sflag:s4], $0x0  }
0x19: {  	s7 =	sld [smem:$0x3F9F]  }
0x1a: {  	s8 =	sadd.s32 $0xFFFFE003, lr  }
0x1b: {  	s9 =	sadd.s32 $0xFFFFFEF7, lr;
	s5 =	simm.s32 $0xFFFFFFFF;
	p2 =	slt.u32 s8, $0xFFFFF086  }
0x1c: {  	p1 =	slt.u32 s9, $0xF7A;
	s5 =	simm.s32 @!p2 $0x0  }
0x1d: {  	s5 =	simm.s32 @p1 $0x1;
	p0 =	seq.s32 s7, s2  }
0x1e: {  	s7 =	smul.u32 @!p0 $0xF7A, s2;
	p2 =	seq.s32 @!p0 s5, $0x0  }
0x1f: {  	s9 =	smul.u32 $0xF7A, s1;
	s8 =	simm.s32 @!p0 $0x1BF5;
	p2 =	por !p2, p0  }
0x20: {  	[sflag:s8] =	ssyncset.s32 @!p0 $0xFFFFF086;
	s6 =	sadd.s32 @!p0 s3, s7;
	s7 =	simm.s32 @!p0 $0x108  }
0x21: {  	s3 =	sadd.s32 s3, s9;
	s6 =	sadd.s32 @!p0 $0x88, s6;
	s7 =	simm.s32 @p2 $0x1082  }
0x22: {  	[simem:s7], [sflag:s8] =	dma.local @!p0 [hbm:s6], $0xF7A  }
0x23: {  	s9 =	sor.u32 $0xD0000000, s2;
	s6 =	simm.s32 $0x108;
	_ =	swait.ge @!p0 [sflag:s8], $0x0  }
0x24: {  	s3 =	sadd.s32 $0x88, s3;
	s6 =	simm.s32 @!p1 $0x1082;
	[sflag:s4] =	ssyncset.s32 $0xFFFFF086  }
0x25: {  	[simem:s6], [sflag:s4] =	dma.local [hbm:s3], $0xF7A  }
0x26: {  	[smem:$0x3F9F] =	sst s1;
	(tag) =	ssettag s2;
	_ =	strace s9  }
0x27: {  	s1 =	sld [smem:$0x3FAF]  }
0x28: {  	s2 =	sld [smem:$0x3FB0]  }
0x29: {  	s4 =	sld [smem:$0x3FB2]  }
0x2a: {  	p0 =	seq.s32 s5, $0x0;
	s5 =	sld [smem:$0x3FB3]  }
0x2b: {  	s6 =	sld [smem:$0x3FB4]  }
0x2c: {  	s7 =	sld [smem:$0x3FB5]  }
0x2d: {  	s3 =	simm.s32 $0x108;
	s8 =	sld [smem:$0x3FB6]  }
0x2e: {  	s3 =	simm.s32 @!p0 $0x1082;
	s9 =	sld [smem:$0x3FB7]  }
0x2f: {  	lr =	sadd.s32 s0, s3;
	s0 =	sld [smem:$0x3FAE]  }
0x30: {  	s3 =	sld [smem:$0x3FB1]  }
0x31: {  	[smem:$0x3FBA] =	sst s10  }
0x32: {  	s10 =	sld [smem:$0x3FB8];
	_ =	sdelay $0x3  }
0x33: {  	p0 =	seq.s32 s10, $0x1;
	s10 =	sld [smem:$0x3FBA];
	_ =	sdelay $0x3  }
0x34: {  	[smem:$0x3FBA] =	sst s10  }
0x35: {  	s10 =	sld [smem:$0x3FB9];
	_ =	sdelay $0x3  }
0x36: {  	p1 =	seq.s32 s10, $0x1;
	s10 =	sld [smem:$0x3FBA];
	_ =	sdelay $0x3  }
0x37: {  	[smem:$0x3FBA] =	sst s10  }
0x38: {  	s10 =	sld [smem:$0x3FBB]  }
0x39: {  	_ = 	snop;
	(pc) =	sbr.ind lr, $3  }
0x3a: {  	_ = 	snop  }
0x3b: {  	_ = 	snop  }
0x3c: {  	p2 =	seq.s32 s10, $0x1;
	s10 =	sld [smem:$0x3FBA]  }
0x3d: {  	_ =	shalt  }
0x3e: {  	_ =	shalt  }
0x3f: {  	_ =	shalt  }
0x40: {  	_ =	shalt  }
0x41: {  	_ =	shalt  }
0x42: {  	_ =	shalt  }
0x43: {  	_ =	shalt  }
0x44: {  	_ =	shalt  }
0x45: {  	_ =	shalt  }
0x46: {  	_ =	shalt  }
0x47: {  	_ =	shalt  }
0x48: {  	_ =	shalt  }
0x49: {  	_ =	shalt  }
0x4a: {  	_ =	shalt  }
0x4b: {  	_ =	shalt  }
0x4c: {  	_ =	shalt  }
0x4d: {  	_ =	shalt  }
0x4e: {  	_ =	shalt  }
0x4f: {  	_ =	shalt  }
0x50: {  	_ =	shalt  }
0x51: {  	_ =	shalt  }
0x52: {  	_ =	shalt  }
0x53: {  	_ =	shalt  }
0x54: {  	_ =	shalt  }
0x55: {  	_ =	shalt  }
0x56: {  	_ =	shalt  }
0x57: {  	_ =	shalt  }
0x58: {  	_ =	shalt  }
0x59: {  	_ =	shalt  }
0x5a: {  	_ =	shalt  }
0x5b: {  	_ =	shalt  }
0x5c: {  	_ =	shalt  }
0x5d: {  	_ =	shalt  }
0x5e: {  	_ =	shalt  }
0x5f: {  	_ =	shalt  }
0x60: {  	_ =	shalt  }
0x61: {  	_ =	shalt  }
0x62: {  	_ =	shalt  }
0x63: {  	_ =	shalt  }
0x64: {  	_ =	shalt  }
0x65: {  	_ =	shalt  }
0x66: {  	_ =	shalt  }
0x67: {  	_ =	shalt  }
0x68: {  	_ =	shalt  }
0x69: {  	_ =	shalt  }
0x6a: {  	_ =	shalt  }
0x6b: {  	_ =	shalt  }
0x6c: {  	_ =	shalt  }
0x6d: {  	_ =	shalt  }
0x6e: {  	_ =	shalt  }
0x6f: {  	_ =	shalt  }
0x70: {  	_ =	shalt  }
0x71: {  	_ =	shalt  }
0x72: {  	_ =	shalt  }
0x73: {  	_ =	shalt  }
0x74: {  	_ =	shalt  }
0x75: {  	_ =	shalt  }
0x76: {  	_ =	shalt  }
0x77: {  	_ =	shalt  }
0x78: {  	_ =	shalt  }
0x79: {  	_ =	shalt  }
0x7a: {  	_ =	shalt  }
0x7b: {  	_ =	shalt  }
0x7c: {  	_ =	shalt  }
0x7d: {  	_ =	shalt  }
0x7e: {  	_ =	shalt  }
0x7f: {  	_ =	shalt  }
0x80: {  	_ =	shalt  }
0x81: {  	_ =	shalt  }
0x82: {  	_ =	shalt  }
0x83: {  	_ =	shalt  }
0x84: {  	_ =	shalt  }
0x85: {  	_ =	shalt  }
0x86: {  	_ =	shalt  }
0x87: {  	_ =	shalt  }
.Lfunc_end0:
.L_simem_size_0:
called_computation_lowered:
.L_overlay_start_0:
0x88: {  	s2 =	sld [smem:$0x3FD9]  }
0x89: {  	s3 =	sld [smem:$0x3FFE];
	_ =	sdelay $0x1  }
0x8a: {  	s1 =	srdreg.scid  }
0x8b: {  	s0 =	sand.u32 $0x1, s1  }
0x8c: {  	s17 =	sshll.u32 s0, $0xA;
	s2 =	sadd.s32 s3, s2  }
0x8d: {  	s2 =	sadd.s32 s2, s17  }
0x8e: {  	[smem:$0x3FC6] =	sst s2  }
0x8f: {  	_ = 	snop  }
0x90: {  	s2 =	sld [smem:$0x3FC8];
	(tm) =	ssettm $0x1  }
0x91: {  	s18 =	sld [smem:$0x3FFB];
	_ =	sdelay $0x3  }
0x92: {  	_ =	strace s18  }
0x93: {  	s3 =	sld [smem:$0x3FFC];
	_ =	sdelay $0x3  }
0x94: {  	_ =	strace s3  }
0x95: {  	s3 =	sld [smem:$0x3FFD];
	_ =	sdelay $0x3  }
0x96: {  	_ =	strace s3  }
0x97: {  	_ =	strace $0x8FFFFFFF  }
0x98: {  	s19 =	sld [smem:$0x3FDB];
	_ =	sdelay $0x1  }
0x99: {  	s4 =	simm.s32 $_scs_section_size  }
0x9a: {  	s5 =	simm.s32 $_size__tile_overlayer_lowered;
	s6 =	simm.s32 $_tile_overlayer_lowered  }
0x9b: {  	s22 =	simm.s32 $0x1BFF;
	s21 =	sshll.u32 s6, $0x1;
	s3 =	sadd.s32 s4, s19  }
0x9c: {  	s7 =	simm.s32 $0x0;
	s20 =	sshll.u32 s5, $0x1;
	s5 =	sadd.s32 s21, s3  }
0x9d: {  	[timem:s7], [sflag:s22] =	dma.local [hbm:s5], s20  }
0x9e: {  	_ =	swait.ge [sflag:s22], s20  }
0x9f: {  	s4 =	ssub.s32 $0x0, s20;
	[sflag:s22] =	ssyncset.done $0x0  }
0xa0: {  	[sflag:s22] =	ssyncadd.s32 s4;
	_ =	sdelay $0x1  }
0xa1: {  	s23 =	simm.s32 $0x1B8B  }
0xa2: {  	_ =	swait.ge [sflag:s23], $0x1  }
0xa3: {  	[sflag:s23] =	ssyncset.done $0x0  }
0xa4: {  	s25 =	simm.s32 $0x1B8E;
	s24 =	sld [smem:$0x3FFE];
	[sflag:s23] =	ssyncadd.s32 $0xFFFFFFFF  }
0xa5: {  	s26 =	simm.s32 $execute0_lowered;
	[smem:$0x3FD2] =	sst s25  }
0xa6: {  	s5 =	sshll.u32 s26, $0x1;
	_ =	strace $0x80000046;
	[dreg:$0x1] =	wrdreg $0xFFFFFFFF  }
0xa7: {  	s28 =	simm.s32 $_size_execute0_lowered;
	s3 =	sadd.s32 s3, s5;
	[dreg:$0x0] =	wrdreg $0x0  }
0xa8: {  	s5 =	sshll.u32 s28, $0x1;
	[dreg:$0x2] =	wrdreg s3  }
0xa9: {  	[dreg:$0x3] =	wrdreg s5  }
0xaa: {  	[dreg:$0x4] =	wrdreg $0xC0  }
0xab: {  	_ =	task [dreg:s7], $0x5FFFF  }
0xac: {  	[dreg:$0x1] =	wrdreg $0xFFFFFFFF  }
0xad: {  	[dreg:$0x0] =	wrdreg $0x60  }
0xae: {  	[dreg:$0x2] =	wrdreg s24  }
0xaf: {  	[dreg:$0x3] =	wrdreg s2  }
0xb0: {  	[dreg:$0x4] =	wrdreg $0x9  }
0xb1: {  	_ =	task.clear_ibuf [dreg:s7], $0x5FFFF;
	_ =	strace $0x90000046  }
0xb2: {  	s29 =	simm.s32 $0x9;
	_ =	strace $0x80000048  }
0xb3: {  	_ =	swait.ge [sflag:s29], $0x1  }
0xb4: {  	[sflag:s29] =	ssyncadd.s32 $0xFFFFFFFF  }
0xb5: {  	_ =	strace $0x90000048  }
0xb6: {  	_ =	sfence  }
0xb7: {  	s30 =	sld [smem:$0x0];
	_ =	sdelay $0x2  }
0xb8: {  	s31 =	sshll.u32 s1, $0xD;
	s1 =	sshrl.u32 s1, $0x2  }
0xb9: {  	s3 =	sand.u32 $0x4000, s31;
	s1 =	sadd.s32 s1, s30  }
0xba: {  	s0 =	sor.u32 s3, s0;
	s1 =	sshll.u32 s1, $0x11  }
0xbb: {  	s0 =	sor.u32 s1, s0  }
0xbc: {  	s0 =	sadd.s32 $0x8F2B, s0  }
0xbd: {  	[sflag:s0] =	ssyncadd.remote.s32 $0x1  }
0xbe: {  	_ =	sfence.sel $0xFFFF  }
0xbf: {  	[dreg:$0x0] =	wrdreg $0xFFFFFFFF;
	(pc) =	sbr.abs _section_cstart, $3  }
0xc0: {  	[dreg:$0x1] =	wrdreg $0xFFFFFFFF  }
0xc1: {  	_ =	task.clear_ibuf [dreg:s7], $0x2FFFF;
	_ =	strace $0x9FFFFFFF  }
0xc2: {  	(tm) =	ssettm $0x7FFFFFFF  }
0xc3: {  	_ =	shalt  }
tec
execute0_lowered:
.L_overlay_start_1:
0x0: {  	(tag) =	ssettag $0x1  }
0x1: {  	s0 =	rddreg [dreg:$0x0];
	s1 =	srdreg.scid  }
0x2: {  	s2 =	stileid.u32;
	s3 =	simm.s32 $0x0;
	s1 =	sand.u32 $0x1, s1  }
0x3: {  	s2 =	sshll.u32 s2, $0x1;
	[smem:$0x7FF] =	sst s3;
	s5 =	sadd.s32 $0x187000, s0  }
0x4: {  	s2 =	sor.u32 s1, s2;
	_ =	strace $0x80000047;
	s1 =	ssub.s32 $0x2, s1  }
0x5: {  	s4 =	smul.u32 $0x61A80, s2;
	s8 =	sshll.u32 s2, $0x2;
	s6 =	sshrl.u32 s1, $0x1  }
0x6: {  	s29 =	sshllo.u32 s2, $0x2;
	s2 =	sshll.u32 s2, $0x1;
	s9 =	sor.u32 $0x1, s8  }
0x7: {  	s1 =	ssub.s32 s1, s6;
	s11 =	sor.u32 $0x2, s8;
	s14 =	sand.u32 $0x70, s8  }
0x8: {  	s8 =	sand.u32 $0xC, s8;
	s15 =	smul.u32 $0x186A0, s29;
	s0 =	sadd.s32 s0, s2  }
0x9: {  	[dreg:$0x3] =	wrdreg s4;
	s7 =	sshrl.u32 s4, $0x3;
	s13 =	smul.u32 $0x186A0, s11  }
0xa: {  	[dreg:$0xa] =	wrdreg s0;
	s1 =	smax.u32 s1, $0x1;
	s6 =	sadd.s32 s5, s7  }
0xb: {  	s21 =	ssub.s32 s29, s14;
	[dreg:$0xb] =	wrdreg s1;
	s24 =	sadd.s32 $0x9C4, s6  }
0xc: {  	s4 =	sshrl.u32 s15, $0x3;
	s25 =	sadd.s32 $0x1388, s6;
	[dreg:$0x4] =	wrdreg s24  }
0xd: {  	s26 =	sadd.s32 $0x1D4C, s6;
	s28 =	sadd.s32 $0x2710, s6;
	[dreg:$0x5] =	wrdreg s25  }
0xe: {  	s16 =	sshrl.u32 s13, $0x3;
	s20 =	sadd.s32 s5, s4;
	[dreg:$0x6] =	wrdreg s26  }
0xf: {  	[dreg:$0x7] =	wrdreg s28;
	s19 =	sadd.s32 s5, s16;
	s29 =	sadd.s32 $0x9C4, s20  }
0x10: {  	s7 =	smul.u32 $0x186A0, s9;
	s24 =	sadd.s32 $0x9C4, s19;
	[dreg:$0x12] =	wrdreg s29  }
0x11: {  	s2 =	simm.s32 $0x3;
	s25 =	sadd.s32 $0x1388, s19;
	[dreg:$0xe] =	wrdreg s24  }
0x12: {  	s10 =	sshrl.u32 s7, $0x3;
	s26 =	sadd.s32 $0x1D4C, s19;
	[dreg:$0xf] =	wrdreg s25  }
0x13: {  	s12 =	sadd.s32 s5, s10;
	s28 =	sadd.s32 $0x2710, s19;
	[dreg:$0x10] =	wrdreg s26  }
0x14: {  	s17 =	ssub.s32 s9, s14;
	s30 =	sadd.s32 $0x9C4, s12;
	[dreg:$0x11] =	wrdreg s28  }
0x15: {  	s18 =	ssub.s32 s11, s14;
	s31 =	sadd.s32 $0x1388, s12;
	[dreg:$0x8] =	wrdreg s30  }
0x16: {  	v3 =	vmov s8;
	s8 =	simm.s32 $0x1;
	s22 =	sadd.s32 $0x1D4C, s12;
	[dreg:$0x9] =	wrdreg s31  }
0x17: {  	s11 =	simm.s32 $0x0;
	s23 =	sadd.s32 $0x2710, s12;
	[dreg:$0xc] =	wrdreg s22  }
0x18: {  	v1 =	vlaneseq.u32;
	vm2 =	vcmask $0x310;
	vm3 =	vcmask $0x710;
	s1 =	simm.s32 $0x4E20;
	[dreg:$0xd] =	wrdreg s23;
	s30 =	sadd.s32 $0x1388, s20  }
0x19: {  	vm4 =	vcmask $0xB10;
	v4 =	vmov s17;
	v0 =	vmov s18;
	s9 =	simm.s32 $0x2;
	s31 =	sadd.s32 $0x1D4C, s20;
	[dreg:$0x13] =	wrdreg s30  }
0x1a: {  	v2 =	vmov s21;
	vm0 =	veq.s32 v3, v1;
	vm1 =	veq.s32 v4, v1;
	s0 =	sadd.s32 $0x2710, s20;
	s10 =	simm.s32 $0x9CC0;
	[dreg:$0x14] =	wrdreg s31  }
.LBB2_1:
0x1b: {  	s4 =	rddreg [dreg:$0x1];
	s16 =	simm.s32 $0x9C40  }
0x1c: {  	[tilespmem:s16], [sflag:$0x3] =	stream.linear.gather [hbm4b:s4+s3], $0x80, $0x38;
	[tilespmem:$0x9CE0] =	vst v63  }
0x1d: {  	_ =	swait.ge [sflag:s2], $0x80  }
0x1e: {  	[sflag:s2] =	ssyncset.done $0x0  }
0x1f: {  	[sflag:s2] =	ssyncadd.s32 $0xFFFFFF80  }
0x20: {  	[tilespmem:s3], [sflag:$0x1] =	stream.linear.gather [hbm4b:s6+s3], $0x4E20, $0x38;
	[tilespmem:$0x9CE0] =	vst v63  }
0x21: {  	s30 =	rddreg [dreg:$0x4]  }
0x22: {  	[tilespmem:s1], [sflag:$0x2] =	stream.linear.gather [hbm4b:s30+s3], $0x4E20, $0x38;
	[tilespmem:$0x9CE0] =	vst v63  }
0x23: {  	_ =	swait.ge [sflag:s8], $0x4E20  }
0x24: {  	[sflag:s8] =	ssyncset.done $0x0  }
0x25: {  	s31 =	simm.s32 $0x0;
	[sflag:s8] =	ssyncadd.s32 $0xFFFFB1E0  }
0x26: {  	v6 =	vld [tilespmem:s31+$0x0];
	_ =	sdelay $0x3  }
0x27: {  	v5 =	vimm.f32 $-3.000000010e+38  }
0x28: {  	s17 =	simm.s32 $0x10;
	v7 =	vimm.f32 $-3.000000010e+38;
	vm5 =	vgt.f32 v6, v5  }
0x29: {  	s16 =	simm.s32 $0x80;
	v4 =	vld [tilespmem:s17+$0x0];
	vm6 =	vgt.f32 v6, v5;
	v8 =	vsel vm5, v6, v5;
	v9 =	vsel vm5, v6, v5  }
.LBB2_2:
0x2a: {  	p0 =	sne.s32 s16, $0x13840;
	v3 =	vsel vm5, v7, v9;
	v7 =	vsel vm6, v5, v8;
	v5 =	vsel vm6, v6, v5;
	s17 =	smov.u32 s16;
	s16 =	sadd.s32 $0x40, s16  }
.Ltmp0:
0x2b: {  	(pc) =	sbr.rel @p0 .LBB2_2-.Ltmp0, $3  }
0x2c: {  	_ =	sdelay $0x1  }
0x2d: {  	s17 =	sshra.s32 s17, $0x2;
	vm5 =	vgt.f32 v4, v7;
	vm7 =	vgt.f32 v4, v3;
	v6 =	vmov v4  }
0x2e: {  	v4 =	vld [tilespmem:s17+$0x0];
	vm6 =	vgt.f32 v6, v5;
	v8 =	vsel vm5, v6, v7;
	v9 =	vsel vm7, v6, v3  }
0x2f: {  	s16 =	simm.s32 $0x0;
	s4 =	rddreg [dreg:$0x5]  }
0x30: {  	[tilespmem:s16], [sflag:$0x1] =	stream.linear.gather [hbm4b:s4+s16], $0x4E20, $0x38;
	[tilespmem:$0x9CE0] =	vst v63  }
0x31: {  	_ =	swait.ge [sflag:s9], $0x4E20  }
0x32: {  	[sflag:s9] =	ssyncset.done $0x0  }
0x33: {  	s31 =	simm.s32 $0x0;
	[sflag:s9] =	ssyncadd.s32 $0xFFFFB1E0  }
0x34: {  	v3 =	vld [tilespmem:s31+$0x4E20]  }
0x35: {  	v7 =	vsel vm5, v7, v9;
	v8 =	vsel vm6, v5, v8  }
0x36: {  	v5 =	vsel vm6, v6, v5;
	vm5 =	vgt.f32 v4, v8;
	vm6 =	vgt.f32 v4, v7  }
0x37: {  	vm7 =	vgt.f32 v4, v5;
	v6 =	vsel vm5, v4, v8;
	v9 =	vsel vm6, v4, v7  }
0x38: {  	v7 =	vsel vm7, v5, v6;
	v9 =	vsel vm5, v8, v9  }
0x39: {  	s17 =	simm.s32 $0x10;
	v6 =	vsel vm7, v4, v5;
	vm5 =	vgt.f32 v3, v7;
	vm7 =	vgt.f32 v3, v9  }
0x3a: {  	s16 =	simm.s32 $0x80;
	v5 =	vld [tilespmem:s17+$0x4E20];
	vm6 =	vgt.f32 v3, v6;
	v8 =	vsel vm5, v3, v7;
	v9 =	vsel vm7, v3, v9  }
.LBB2_4:
0x3b: {  	p0 =	sne.s32 s16, $0x13840;
	v4 =	vsel vm5, v7, v9;
	v7 =	vsel vm6, v6, v8;
	v6 =	vsel vm6, v3, v6;
	s17 =	smov.u32 s16;
	s16 =	sadd.s32 $0x40, s16  }
.Ltmp1:
0x3c: {  	(pc) =	sbr.rel @p0 .LBB2_4-.Ltmp1, $3  }
0x3d: {  	_ =	sdelay $0x1  }
0x3e: {  	s17 =	sshra.s32 s17, $0x2;
	vm5 =	vgt.f32 v5, v7;
	vm7 =	vgt.f32 v5, v4;
	v3 =	vmov v5  }
0x3f: {  	v5 =	vld [tilespmem:s17+$0x4E20];
	vm6 =	vgt.f32 v3, v6;
	v8 =	vsel vm5, v3, v7;
	v9 =	vsel vm7, v3, v4  }
0x40: {  	s16 =	simm.s32 $0x0;
	s4 =	rddreg [dreg:$0x6]  }
0x41: {  	[tilespmem:s1], [sflag:$0x2] =	stream.linear.gather [hbm4b:s4+s16], $0x4E20, $0x38;
	[tilespmem:$0x9CE0] =	vst v63  }
0x42: {  	_ =	swait.ge [sflag:s8], $0x4E20  }
0x43: {  	[sflag:s8] =	ssyncset.done $0x0  }
0x44: {  	s31 =	simm.s32 $0x0;
	[sflag:s8] =	ssyncadd.s32 $0xFFFFB1E0  }
0x45: {  	v4 =	vld [tilespmem:s31+$0x0]  }
0x46: {  	v7 =	vsel vm5, v7, v9;
	v8 =	vsel vm6, v6, v8  }
0x47: {  	v3 =	vsel vm6, v3, v6;
	vm5 =	vgt.f32 v5, v8;
	vm6 =	vgt.f32 v5, v7  }
0x48: {  	vm7 =	vgt.f32 v5, v3;
	v6 =	vsel vm5, v5, v8;
	v9 =	vsel vm6, v5, v7  }
0x49: {  	v7 =	vsel vm7, v3, v6;
	v9 =	vsel vm5, v8, v9  }
0x4a: {  	s17 =	simm.s32 $0x10;
	v6 =	vsel vm7, v5, v3;
	vm5 =	vgt.f32 v4, v7;
	vm7 =	vgt.f32 v4, v9  }
0x4b: {  	s16 =	simm.s32 $0x80;
	v5 =	vld [tilespmem:s17+$0x0];
	vm6 =	vgt.f32 v4, v6;
	v8 =	vsel vm5, v4, v7;
	v9 =	vsel vm7, v4, v9  }
.LBB2_6:
0x4c: {  	p0 =	sne.s32 s16, $0x13840;
	v3 =	vsel vm5, v7, v9;
	v7 =	vsel vm6, v6, v8;
	v6 =	vsel vm6, v4, v6;
	s17 =	smov.u32 s16;
	s16 =	sadd.s32 $0x40, s16  }
.Ltmp2:
0x4d: {  	(pc) =	sbr.rel @p0 .LBB2_6-.Ltmp2, $3  }
0x4e: {  	_ =	sdelay $0x1  }
0x4f: {  	s17 =	sshra.s32 s17, $0x2;
	vm5 =	vgt.f32 v5, v7;
	vm7 =	vgt.f32 v5, v3;
	v4 =	vmov v5  }
0x50: {  	v5 =	vld [tilespmem:s17+$0x0];
	vm6 =	vgt.f32 v4, v6;
	v8 =	vsel vm5, v4, v7;
	v9 =	vsel vm7, v4, v3  }
0x51: {  	s16 =	simm.s32 $0x0;
	s4 =	rddreg [dreg:$0x7]  }
0x52: {  	[tilespmem:s16], [sflag:$0x1] =	stream.linear.gather [hbm4b:s4+s16], $0x4E20, $0x38;
	[tilespmem:$0x9CE0] =	vst v63  }
0x53: {  	_ =	swait.ge [sflag:s9], $0x4E20  }
0x54: {  	[sflag:s9] =	ssyncset.done $0x0  }
0x55: {  	s31 =	simm.s32 $0x0;
	[sflag:s9] =	ssyncadd.s32 $0xFFFFB1E0  }
0x56: {  	v3 =	vld [tilespmem:s31+$0x4E20]  }
0x57: {  	v7 =	vsel vm5, v7, v9;
	v8 =	vsel vm6, v6, v8  }
0x58: {  	v4 =	vsel vm6, v4, v6;
	vm5 =	vgt.f32 v5, v8;
	vm6 =	vgt.f32 v5, v7  }
0x59: {  	vm7 =	vgt.f32 v5, v4;
	v6 =	vsel vm5, v5, v8;
	v7 =	vsel vm6, v5, v7  }
0x5a: {  	v6 =	vsel vm7, v4, v6;
	v7 =	vsel vm5, v8, v7  }
0x5b: {  	s17 =	simm.s32 $0x10;
	v5 =	vsel vm7, v5, v4;
	vm5 =	vgt.f32 v3, v6;
	vm7 =	vgt.f32 v3, v7  }
0x5c: {  	s16 =	simm.s32 $0x80;
	v4 =	vld [tilespmem:s17+$0x4E20];
	vm6 =	vgt.f32 v3, v5;
	v8 =	vsel vm5, v3, v6;
	v9 =	vsel vm7, v3, v7  }
.LBB2_8:
0x5d: {  	p0 =	sne.s32 s16, $0x13840;
	v7 =	vsel vm5, v6, v9;
	v6 =	vsel vm6, v5, v8;
	v5 =	vsel vm6, v3, v5;
	s17 =	smov.u32 s16;
	s16 =	sadd.s32 $0x40, s16  }
.Ltmp3:
0x5e: {  	(pc) =	sbr.rel @p0 .LBB2_8-.Ltmp3, $3  }
0x5f: {  	_ =	sdelay $0x1  }
0x60: {  	s17 =	sshra.s32 s17, $0x2;
	vm5 =	vgt.f32 v4, v6;
	vm7 =	vgt.f32 v4, v7;
	v3 =	vmov v4  }
0x61: {  	v4 =	vld [tilespmem:s17+$0x4E20];
	vm6 =	vgt.f32 v3, v5;
	v8 =	vsel vm5, v3, v6;
	v9 =	vsel vm7, v3, v7  }
0x62: {  	s16 =	simm.s32 $0x0  }
0x63: {  	[tilespmem:s1], [sflag:$0x2] =	stream.linear.gather [hbm4b:s12+s16], $0x4E20, $0x38;
	[tilespmem:$0x9CE0] =	vst v63  }
0x64: {  	_ =	swait.ge [sflag:s8], $0x4E20  }
0x65: {  	[sflag:s8] =	ssyncset.done $0x0  }
0x66: {  	s31 =	simm.s32 $0x0;
	[sflag:s8] =	ssyncadd.s32 $0xFFFFB1E0  }
0x67: {  	v7 =	vld [tilespmem:s31+$0x0]  }
0x68: {  	v6 =	vsel vm5, v6, v9;
	v9 =	vsel vm6, v5, v8  }
0x69: {  	v3 =	vsel vm6, v3, v5;
	vm5 =	vgt.f32 v4, v9;
	vm6 =	vgt.f32 v4, v6  }
0x6a: {  	vm7 =	vgt.f32 v4, v3;
	v5 =	vsel vm5, v4, v9;
	v6 =	vsel vm6, v4, v6  }
0x6b: {  	v8 =	vsel vm7, v3, v5;
	v6 =	vsel vm5, v9, v6  }
0x6c: {  	s17 =	simm.s32 $0x10;
	v4 =	vsel vm7, v4, v3;
	vm6 =	vgt.f32 v7, v8;
	vm7 =	vgt.f32 v7, v6  }
0x6d: {  	s16 =	simm.s32 $0x80;
	v9 =	vld [tilespmem:s17+$0x0];
	vm5 =	vgt.f32 v7, v4;
	v5 =	vsel vm6, v7, v8;
	v10 =	vsel vm7, v7, v6  }
.LBB2_10:
0x6e: {  	p0 =	sne.s32 s16, $0x13840;
	v3 =	vsel vm6, v8, v10;
	v8 =	vsel vm5, v4, v5;
	v4 =	vsel vm5, v7, v4;
	s17 =	smov.u32 s16;
	s16 =	sadd.s32 $0x40, s16  }
.Ltmp4:
0x6f: {  	(pc) =	sbr.rel @p0 .LBB2_10-.Ltmp4, $3  }
0x70: {  	_ =	sdelay $0x1  }
0x71: {  	s17 =	sshra.s32 s17, $0x2;
	vm6 =	vgt.f32 v9, v8;
	vm7 =	vgt.f32 v9, v3;
	v7 =	vmov v9  }
0x72: {  	v9 =	vld [tilespmem:s17+$0x0];
	vm5 =	vgt.f32 v7, v4;
	v5 =	vsel vm6, v7, v8;
	v10 =	vsel vm7, v7, v3  }
0x73: {  	_ =	sdelay $0x2  }
0x74: {  	v6 =	vsel vm5, v7, v4  }
0x75: {  	vm8 =	vgt.f32 v9, v6  }
0x76: {  	v7 =	vsel vm8, v9, v6  }
0x77: {  	(xrf0) =	vmax.scan.msk.f32 $0xffff, v7;
	_ =	sdelay $0x5  }
0x78: {  	v3, _, _ =	vpop (xrf0)  }
0x79: {  	v11 =	vbroadcast v3, $0xF  }
0x7a: {  	v12 =	vld [tilespmem:s14+$0x9C40]  }
0x7b: {  	v14 =	vsel vm5, v4, v5;
	vm5 =	veq.f32 v7, v11  }
0x7c: {  	vm7 =	vgt.f32 v9, v14;
	v4 =	vmctz.xlane vm5  }
0x7d: {  	v5 =	vsel vm7, v9, v14  }
0x7e: {  	v6 =	vsel vm8, v6, v5;
	vm5 =	veq.s32 v4, v1  }
0x7f: {  	v4 =	vxor.u32 $0x80000000, v12;
	v5 =	vsel vm5, v6, v7  }
0x80: {  	v4 =	vnsel vm0, $0x80000000, v4;
	(xrf0) =	vmax.scan.msk.f32 $0xffff, v5  }
0x81: {  	(xrf0) =	vmax.scan.msk.u32 $0xffff, v4;
	_ =	sdelay $0x4  }
0x82: {  	v4, _, _ =	vpop (xrf0)  }
0x83: {  	v7, _, _ =	vpop (xrf0)  }
0x84: {  	(v2sf) =	vpush v7, $0xF;
	_ =	sdelay $0xe  }
0x85: {  	s17 =	spop (v2sf)  }
0x86: {  	s16 =	sxor.u32 $0x80000000, s17  }
0x87: {  	p0 =	sgt.s32 s17, $0xFFFFFFFF;
	s17 =	sand.u32 $0xF, s17;
	p1 =	slt.s32 s16, $0x1  }
0x88: {  	s18 =	sshra.s32 s16, $0x1F;
	p6 =	sne.s32 s17, $0x0;
	p0 =	por p0, p1  }
0x89: {  	s26 =	sshrl.u32 s18, $0x1C;
	p0 =	por !p6, !p0  }
0x8a: {  	s18 =	simm.s32 $0x1;
	s17 =	sadd.s32 s26, s16;
	p0 =	por !p0, !p0  }
0x8b: {  	s17 =	sshrl.u32 s17, $0x4;
	s18 =	simm.s32 @!p0 $0x0  }
0x8c: {  	s17 =	ssub.s32 s17, s18  }
0x8d: {  	s4 =	rddreg [dreg:$0x3];
	s17 =	sshll.u32 s17, $0x4  }
0x8e: {  	s28 =	sadd.s32 s4, s17  }
0x8f: {  	s18 =	sshrl.u32 s28, $0x3  }
0x90: {  	s21 =	simm.s32 $0x0;
	s18 =	sadd.s32 s5, s18  }
0x91: {  	[tilespmem:s10], [sflag:$0x3] =	stream.linear.gather [hbm4b:s18+s21], $0x10, $0x38;
	[tilespmem:$0x9CE0] =	vst v63  }
0x92: {  	_ =	swait.ge [sflag:s2], $0x10  }
0x93: {  	[sflag:s2] =	ssyncset.done $0x0  }
0x94: {  	s29 =	rddreg [dreg:$0x8];
	[sflag:s2] =	ssyncadd.s32 $0xFFFFFFF0  }
0x95: {  	v7 =	vld [tilespmem:$0x9CC0];
	[tilespmem:s21], [sflag:$0x1] =	stream.linear.gather [hbm4b:s29+s21], $0x4E20, $0x38  }
0x96: {  	_ =	swait.ge [sflag:s9], $0x4E20  }
0x97: {  	[sflag:s9] =	ssyncset.done $0x0  }
0x98: {  	s30 =	simm.s32 $0x0;
	[sflag:s9] =	ssyncadd.s32 $0xFFFFB1E0  }
0x99: {  	v13 =	vld [tilespmem:s30+$0x4E20]  }
0x9a: {  	v8 =	vsel vm6, v8, v10  }
0x9b: {  	vm6 =	vgt.f32 v9, v8;
	v10 =	vbroadcast v4, $0xF  }
0x9c: {  	v8 =	vsel vm6, v9, v8  }
0x9d: {  	v8 =	vsel vm7, v14, v8;
	v11 =	vimm.f32 $-3.000000010e+38;
	vm6 =	veq.f32 v5, v10  }
0x9e: {  	s31 =	simm.s32 $0x10;
	v14 =	vimm.f32 $-3.000000010e+38;
	v9 =	vmctz.xlane vm6;
	vm6 =	vgt.f32 v13, v11  }
0x9f: {  	s18 =	simm.s32 $0x80;
	v12 =	vld [tilespmem:s31+$0x4E20];
	vm7 =	vgt.f32 v13, v11;
	v15 =	vsel vm6, v13, v11;
	v16 =	vsel vm6, v13, v11  }
.LBB2_12:
0xa0: {  	p0 =	sne.s32 s18, $0x13840;
	v10 =	vsel vm6, v14, v16;
	v14 =	vsel vm7, v11, v15;
	v11 =	vsel vm7, v13, v11;
	s21 =	smov.u32 s18;
	s18 =	sadd.s32 $0x40, s18  }
.Ltmp5:
0xa1: {  	(pc) =	sbr.rel @p0 .LBB2_12-.Ltmp5, $3  }
0xa2: {  	_ =	sdelay $0x1  }
0xa3: {  	s21 =	sshra.s32 s21, $0x2;
	vm6 =	vgt.f32 v12, v14;
	vm8 =	vgt.f32 v12, v10;
	v13 =	vmov v12  }
0xa4: {  	v12 =	vld [tilespmem:s21+$0x4E20];
	vm7 =	vgt.f32 v13, v11;
	v15 =	vsel vm6, v13, v14;
	v16 =	vsel vm8, v13, v10  }
0xa5: {  	s18 =	simm.s32 $0x0;
	s4 =	rddreg [dreg:$0x9]  }
0xa6: {  	[tilespmem:s1], [sflag:$0x2] =	stream.linear.gather [hbm4b:s4+s18], $0x4E20, $0x38;
	[tilespmem:$0x9CE0] =	vst v63  }
0xa7: {  	_ =	swait.ge [sflag:s8], $0x4E20  }
0xa8: {  	[sflag:s8] =	ssyncset.done $0x0  }
0xa9: {  	s31 =	simm.s32 $0x0;
	[sflag:s8] =	ssyncadd.s32 $0xFFFFB1E0  }
0xaa: {  	v10 =	vld [tilespmem:s31+$0x0]  }
0xab: {  	v14 =	vsel vm6, v14, v16;
	v15 =	vsel vm7, v11, v15  }
0xac: {  	v11 =	vsel vm7, v13, v11;
	vm6 =	vgt.f32 v12, v15;
	vm7 =	vgt.f32 v12, v14  }
0xad: {  	vm8 =	vgt.f32 v12, v11;
	v13 =	vsel vm6, v12, v15;
	v16 =	vsel vm7, v12, v14  }
0xae: {  	v14 =	vsel vm8, v11, v13;
	v16 =	vsel vm6, v15, v16  }
0xaf: {  	s21 =	simm.s32 $0x10;
	v13 =	vsel vm8, v12, v11;
	vm6 =	vgt.f32 v10, v14;
	vm8 =	vgt.f32 v10, v16  }
0xb0: {  	s18 =	simm.s32 $0x80;
	v12 =	vld [tilespmem:s21+$0x0];
	vm7 =	vgt.f32 v10, v13;
	v15 =	vsel vm6, v10, v14;
	v16 =	vsel vm8, v10, v16  }
.LBB2_14:
0xb1: {  	p0 =	sne.s32 s18, $0x13840;
	v11 =	vsel vm6, v14, v16;
	v14 =	vsel vm7, v13, v15;
	v13 =	vsel vm7, v10, v13;
	s21 =	smov.u32 s18;
	s18 =	sadd.s32 $0x40, s18  }
.Ltmp6:
0xb2: {  	(pc) =	sbr.rel @p0 .LBB2_14-.Ltmp6, $3  }
0xb3: {  	_ =	sdelay $0x1  }
0xb4: {  	s21 =	sshra.s32 s21, $0x2;
	vm6 =	vgt.f32 v12, v14;
	vm8 =	vgt.f32 v12, v11;
	v10 =	vmov v12  }
0xb5: {  	v12 =	vld [tilespmem:s21+$0x0];
	vm7 =	vgt.f32 v10, v13;
	v15 =	vsel vm6, v10, v14;
	v16 =	vsel vm8, v10, v11  }
0xb6: {  	s18 =	simm.s32 $0x0;
	s4 =	rddreg [dreg:$0xc]  }
0xb7: {  	[tilespmem:s18], [sflag:$0x1] =	stream.linear.gather [hbm4b:s4+s18], $0x4E20, $0x38;
	[tilespmem:$0x9CE0] =	vst v63  }
0xb8: {  	_ =	swait.ge [sflag:s9], $0x4E20  }
0xb9: {  	[sflag:s9] =	ssyncset.done $0x0  }
0xba: {  	s31 =	simm.s32 $0x0;
	[sflag:s9] =	ssyncadd.s32 $0xFFFFB1E0  }
0xbb: {  	v11 =	vld [tilespmem:s31+$0x4E20]  }
0xbc: {  	v14 =	vsel vm6, v14, v16;
	v15 =	vsel vm7, v13, v15  }
0xbd: {  	v10 =	vsel vm7, v10, v13;
	vm6 =	vgt.f32 v12, v15;
	vm7 =	vgt.f32 v12, v14  }
0xbe: {  	vm8 =	vgt.f32 v12, v10;
	v13 =	vsel vm6, v12, v15;
	v16 =	vsel vm7, v12, v14  }
0xbf: {  	v14 =	vsel vm8, v10, v13;
	v16 =	vsel vm6, v15, v16  }
0xc0: {  	s21 =	simm.s32 $0x10;
	v13 =	vsel vm8, v12, v10;
	vm6 =	vgt.f32 v11, v14;
	vm8 =	vgt.f32 v11, v16  }
0xc1: {  	s18 =	simm.s32 $0x80;
	v12 =	vld [tilespmem:s21+$0x4E20];
	vm7 =	vgt.f32 v11, v13;
	v15 =	vsel vm6, v11, v14;
	v16 =	vsel vm8, v11, v16  }
.LBB2_16:
0xc2: {  	p0 =	sne.s32 s18, $0x13840;
	v10 =	vsel vm6, v14, v16;
	v14 =	vsel vm7, v13, v15;
	v13 =	vsel vm7, v11, v13;
	s21 =	smov.u32 s18;
	s18 =	sadd.s32 $0x40, s18  }
.Ltmp7:
0xc3: {  	(pc) =	sbr.rel @p0 .LBB2_16-.Ltmp7, $3  }
0xc4: {  	_ =	sdelay $0x1  }
0xc5: {  	s21 =	sshra.s32 s21, $0x2;
	vm6 =	vgt.f32 v12, v14;
	vm8 =	vgt.f32 v12, v10;
	v11 =	vmov v12  }
0xc6: {  	v12 =	vld [tilespmem:s21+$0x4E20];
	vm7 =	vgt.f32 v11, v13;
	v15 =	vsel vm6, v11, v14;
	v16 =	vsel vm8, v11, v10  }
0xc7: {  	s18 =	simm.s32 $0x0;
	s4 =	rddreg [dreg:$0xd]  }
0xc8: {  	[tilespmem:s1], [sflag:$0x2] =	stream.linear.gather [hbm4b:s4+s18], $0x4E20, $0x38;
	[tilespmem:$0x9CE0] =	vst v63  }
0xc9: {  	_ =	swait.ge [sflag:s8], $0x4E20  }
0xca: {  	[sflag:s8] =	ssyncset.done $0x0  }
0xcb: {  	s31 =	simm.s32 $0x0;
	[sflag:s8] =	ssyncadd.s32 $0xFFFFB1E0  }
0xcc: {  	v10 =	vld [tilespmem:s31+$0x0]  }
0xcd: {  	v14 =	vsel vm6, v14, v16;
	v15 =	vsel vm7, v13, v15  }
0xce: {  	v11 =	vsel vm7, v11, v13;
	vm6 =	vgt.f32 v12, v15;
	vm7 =	vgt.f32 v12, v14  }
0xcf: {  	vm8 =	vgt.f32 v12, v11;
	v13 =	vsel vm6, v12, v15;
	v14 =	vsel vm7, v12, v14  }
0xd0: {  	v13 =	vsel vm8, v11, v13;
	v14 =	vsel vm6, v15, v14  }
0xd1: {  	s21 =	simm.s32 $0x10;
	v12 =	vsel vm8, v12, v11;
	vm6 =	vgt.f32 v10, v13;
	vm8 =	vgt.f32 v10, v14  }
0xd2: {  	s18 =	simm.s32 $0x80;
	v11 =	vld [tilespmem:s21+$0x0];
	vm7 =	vgt.f32 v10, v12;
	v15 =	vsel vm6, v10, v13;
	v16 =	vsel vm8, v10, v14  }
.LBB2_18:
0xd3: {  	p0 =	sne.s32 s18, $0x13840;
	v14 =	vsel vm6, v13, v16;
	v13 =	vsel vm7, v12, v15;
	v12 =	vsel vm7, v10, v12;
	s21 =	smov.u32 s18;
	s18 =	sadd.s32 $0x40, s18  }
.Ltmp8:
0xd4: {  	(pc) =	sbr.rel @p0 .LBB2_18-.Ltmp8, $3  }
0xd5: {  	_ =	sdelay $0x1  }
0xd6: {  	s21 =	sshra.s32 s21, $0x2;
	vm6 =	vgt.f32 v11, v13;
	vm8 =	vgt.f32 v11, v14;
	v10 =	vmov v11  }
0xd7: {  	v11 =	vld [tilespmem:s21+$0x0];
	vm7 =	vgt.f32 v10, v12;
	v15 =	vsel vm6, v10, v13;
	v16 =	vsel vm8, v10, v14  }
0xd8: {  	s18 =	simm.s32 $0x0  }
0xd9: {  	[tilespmem:s18], [sflag:$0x1] =	stream.linear.gather [hbm4b:s19+s18], $0x4E20, $0x38;
	[tilespmem:$0x9CE0] =	vst v63  }
0xda: {  	_ =	swait.ge [sflag:s9], $0x4E20  }
0xdb: {  	[sflag:s9] =	ssyncset.done $0x0  }
0xdc: {  	s31 =	simm.s32 $0x0;
	[sflag:s9] =	ssyncadd.s32 $0xFFFFB1E0  }
0xdd: {  	v14 =	vld [tilespmem:s31+$0x4E20]  }
0xde: {  	v13 =	vsel vm6, v13, v16;
	v16 =	vsel vm7, v12, v15  }
0xdf: {  	v10 =	vsel vm7, v10, v12;
	vm6 =	vgt.f32 v11, v16;
	vm7 =	vgt.f32 v11, v13  }
0xe0: {  	vm8 =	vgt.f32 v11, v10;
	v12 =	vsel vm6, v11, v16;
	v13 =	vsel vm7, v11, v13  }
0xe1: {  	v15 =	vsel vm8, v10, v12;
	v13 =	vsel vm6, v16, v13  }
0xe2: {  	s21 =	simm.s32 $0x10;
	v11 =	vsel vm8, v11, v10;
	vm7 =	vgt.f32 v14, v15;
	vm8 =	vgt.f32 v14, v13  }
0xe3: {  	s18 =	simm.s32 $0x80;
	v16 =	vld [tilespmem:s21+$0x4E20];
	vm6 =	vgt.f32 v14, v11;
	v12 =	vsel vm7, v14, v15;
	v17 =	vsel vm8, v14, v13  }
.LBB2_20:
0xe4: {  	p0 =	sne.s32 s18, $0x13840;
	v10 =	vsel vm7, v15, v17;
	v15 =	vsel vm6, v11, v12;
	v11 =	vsel vm6, v14, v11;
	s21 =	smov.u32 s18;
	s18 =	sadd.s32 $0x40, s18  }
.Ltmp9:
0xe5: {  	(pc) =	sbr.rel @p0 .LBB2_20-.Ltmp9, $3  }
0xe6: {  	_ =	sdelay $0x1  }
0xe7: {  	s21 =	sshra.s32 s21, $0x2;
	vm7 =	vgt.f32 v16, v15;
	vm8 =	vgt.f32 v16, v10;
	v14 =	vmov v16  }
0xe8: {  	v16 =	vld [tilespmem:s21+$0x4E20];
	vm6 =	vgt.f32 v14, v11;
	v12 =	vsel vm7, v14, v15;
	v17 =	vsel vm8, v14, v10  }
0xe9: {  	_ =	sdelay $0x2  }
0xea: {  	v13 =	vsel vm6, v14, v11  }
0xeb: {  	vm9 =	vgt.f32 v16, v13  }
0xec: {  	v14 =	vsel vm9, v16, v13  }
0xed: {  	(xrf0) =	vmax.scan.msk.f32 $0xffff, v14;
	_ =	sdelay $0x5  }
0xee: {  	v10, _, _ =	vpop (xrf0)  }
0xef: {  	v18 =	vbroadcast v10, $0xF  }
0xf0: {  	v19 =	vld [tilespmem:s14+$0x9C40]  }
0xf1: {  	v21 =	vsel vm6, v11, v12;
	vm6 =	veq.f32 v14, v18  }
0xf2: {  	vm8 =	vgt.f32 v16, v21;
	v11 =	vmctz.xlane vm6  }
0xf3: {  	v12 =	vsel vm8, v16, v21  }
0xf4: {  	v13 =	vsel vm9, v13, v12;
	vm6 =	veq.s32 v11, v1  }
0xf5: {  	v11 =	vxor.u32 $0x80000000, v19;
	v12 =	vsel vm6, v13, v14  }
0xf6: {  	v11 =	vnsel vm1, $0x80000000, v11;
	(xrf0) =	vmax.scan.msk.f32 $0xffff, v12  }
0xf7: {  	(xrf0) =	vmax.scan.msk.u32 $0xffff, v11;
	_ =	sdelay $0x4  }
0xf8: {  	v11, _, _ =	vpop (xrf0)  }
0xf9: {  	v14, _, _ =	vpop (xrf0)  }
0xfa: {  	(v2sf) =	vpush v14, $0xF;
	_ =	sdelay $0xe  }
0xfb: {  	s21 =	spop (v2sf)  }
0xfc: {  	s18 =	sxor.u32 $0x80000000, s21  }
0xfd: {  	p0 =	sgt.s32 s21, $0xFFFFFFFF;
	s21 =	sand.u32 $0xF, s21;
	p1 =	slt.s32 s18, $0x1  }
0xfe: {  	s22 =	sshra.s32 s18, $0x1F;
	p6 =	sne.s32 s21, $0x0;
	p0 =	por p0, p1  }
0xff: {  	s28 =	sshrl.u32 s22, $0x1C;
	p0 =	por !p6, !p0  }
0x100: {  	s22 =	simm.s32 $0x1;
	s21 =	sadd.s32 s28, s18;
	p0 =	por !p0, !p0  }
0x101: {  	s21 =	sshrl.u32 s21, $0x4;
	s22 =	simm.s32 @!p0 $0x0  }
0x102: {  	s21 =	ssub.s32 s21, s22  }
0x103: {  	s21 =	sshll.u32 s21, $0x4  }
0x104: {  	s29 =	sadd.s32 s7, s21  }
0x105: {  	s22 =	sshrl.u32 s29, $0x3  }
0x106: {  	s23 =	simm.s32 $0x0;
	s22 =	sadd.s32 s5, s22  }
0x107: {  	[tilespmem:s10], [sflag:$0x3] =	stream.linear.gather [hbm4b:s22+s23], $0x10, $0x38;
	[tilespmem:$0x9CE0] =	vst v63  }
0x108: {  	_ =	swait.ge [sflag:s2], $0x10  }
0x109: {  	[sflag:s2] =	ssyncset.done $0x0  }
0x10a: {  	s4 =	rddreg [dreg:$0xe];
	[sflag:s2] =	ssyncadd.s32 $0xFFFFFFF0  }
0x10b: {  	v14 =	vld [tilespmem:$0x9CC0];
	[tilespmem:s1], [sflag:$0x2] =	stream.linear.gather [hbm4b:s4+s23], $0x4E20, $0x38  }
0x10c: {  	_ =	swait.ge [sflag:s8], $0x4E20  }
0x10d: {  	[sflag:s8] =	ssyncset.done $0x0  }
0x10e: {  	s30 =	simm.s32 $0x0;
	[sflag:s8] =	ssyncadd.s32 $0xFFFFB1E0  }
0x10f: {  	v20 =	vld [tilespmem:s30+$0x0]  }
0x110: {  	v15 =	vsel vm7, v15, v17  }
0x111: {  	vm7 =	vgt.f32 v16, v15;
	v17 =	vbroadcast v11, $0xF  }
0x112: {  	v15 =	vsel vm7, v16, v15  }
0x113: {  	v15 =	vsel vm8, v21, v15;
	v18 =	vimm.f32 $-3.000000010e+38;
	vm7 =	veq.f32 v12, v17  }
0x114: {  	s31 =	simm.s32 $0x10;
	v21 =	vimm.f32 $-3.000000010e+38;
	v16 =	vmctz.xlane vm7;
	vm7 =	vgt.f32 v20, v18  }
0x115: {  	s22 =	simm.s32 $0x80;
	v19 =	vld [tilespmem:s31+$0x0];
	vm8 =	vgt.f32 v20, v18;
	v22 =	vsel vm7, v20, v18;
	v23 =	vsel vm7, v20, v18  }
.LBB2_22:
0x116: {  	p0 =	sne.s32 s22, $0x13840;
	v17 =	vsel vm7, v21, v23;
	v21 =	vsel vm8, v18, v22;
	v18 =	vsel vm8, v20, v18;
	s23 =	smov.u32 s22;
	s22 =	sadd.s32 $0x40, s22  }
.Ltmp10:
0x117: {  	(pc) =	sbr.rel @p0 .LBB2_22-.Ltmp10, $3  }
0x118: {  	_ =	sdelay $0x1  }
0x119: {  	s23 =	sshra.s32 s23, $0x2;
	vm7 =	vgt.f32 v19, v21;
	vm9 =	vgt.f32 v19, v17;
	v20 =	vmov v19  }
0x11a: {  	v19 =	vld [tilespmem:s23+$0x0];
	vm8 =	vgt.f32 v20, v18;
	v22 =	vsel vm7, v20, v21;
	v23 =	vsel vm9, v20, v17  }
0x11b: {  	s22 =	simm.s32 $0x0;
	s4 =	rddreg [dreg:$0xf]  }
0x11c: {  	[tilespmem:s22], [sflag:$0x1] =	stream.linear.gather [hbm4b:s4+s22], $0x4E20, $0x38;
	[tilespmem:$0x9CE0] =	vst v63  }
0x11d: {  	_ =	swait.ge [sflag:s9], $0x4E20  }
0x11e: {  	[sflag:s9] =	ssyncset.done $0x0  }
0x11f: {  	s31 =	simm.s32 $0x0;
	[sflag:s9] =	ssyncadd.s32 $0xFFFFB1E0  }
0x120: {  	v17 =	vld [tilespmem:s31+$0x4E20]  }
0x121: {  	v21 =	vsel vm7, v21, v23;
	v22 =	vsel vm8, v18, v22  }
0x122: {  	v18 =	vsel vm8, v20, v18;
	vm7 =	vgt.f32 v19, v22;
	vm8 =	vgt.f32 v19, v21  }
0x123: {  	vm9 =	vgt.f32 v19, v18;
	v20 =	vsel vm7, v19, v22;
	v23 =	vsel vm8, v19, v21  }
0x124: {  	v21 =	vsel vm9, v18, v20;
	v23 =	vsel vm7, v22, v23  }
0x125: {  	s23 =	simm.s32 $0x10;
	v20 =	vsel vm9, v19, v18;
	vm7 =	vgt.f32 v17, v21;
	vm9 =	vgt.f32 v17, v23  }
0x126: {  	s22 =	simm.s32 $0x80;
	v19 =	vld [tilespmem:s23+$0x4E20];
	vm8 =	vgt.f32 v17, v20;
	v22 =	vsel vm7, v17, v21;
	v23 =	vsel vm9, v17, v23  }
.LBB2_24:
0x127: {  	p0 =	sne.s32 s22, $0x13840;
	v18 =	vsel vm7, v21, v23;
	v21 =	vsel vm8, v20, v22;
	v20 =	vsel vm8, v17, v20;
	s23 =	smov.u32 s22;
	s22 =	sadd.s32 $0x40, s22  }
.Ltmp11:
0x128: {  	(pc) =	sbr.rel @p0 .LBB2_24-.Ltmp11, $3  }
0x129: {  	_ =	sdelay $0x1  }
0x12a: {  	s23 =	sshra.s32 s23, $0x2;
	vm7 =	vgt.f32 v19, v21;
	vm9 =	vgt.f32 v19, v18;
	v17 =	vmov v19  }
0x12b: {  	v19 =	vld [tilespmem:s23+$0x4E20];
	vm8 =	vgt.f32 v17, v20;
	v22 =	vsel vm7, v17, v21;
	v23 =	vsel vm9, v17, v18  }
0x12c: {  	s22 =	simm.s32 $0x0;
	s4 =	rddreg [dreg:$0x10]  }
0x12d: {  	[tilespmem:s1], [sflag:$0x2] =	stream.linear.gather [hbm4b:s4+s22], $0x4E20, $0x38;
	[tilespmem:$0x9CE0] =	vst v63  }
0x12e: {  	_ =	swait.ge [sflag:s8], $0x4E20  }
0x12f: {  	[sflag:s8] =	ssyncset.done $0x0  }
0x130: {  	s31 =	simm.s32 $0x0;
	[sflag:s8] =	ssyncadd.s32 $0xFFFFB1E0  }
0x131: {  	v18 =	vld [tilespmem:s31+$0x0]  }
0x132: {  	v21 =	vsel vm7, v21, v23;
	v22 =	vsel vm8, v20, v22  }
0x133: {  	v17 =	vsel vm8, v17, v20;
	vm7 =	vgt.f32 v19, v22;
	vm8 =	vgt.f32 v19, v21  }
0x134: {  	vm9 =	vgt.f32 v19, v17;
	v20 =	vsel vm7, v19, v22;
	v23 =	vsel vm8, v19, v21  }
0x135: {  	v21 =	vsel vm9, v17, v20;
	v23 =	vsel vm7, v22, v23  }
0x136: {  	s23 =	simm.s32 $0x10;
	v20 =	vsel vm9, v19, v17;
	vm7 =	vgt.f32 v18, v21;
	vm9 =	vgt.f32 v18, v23  }
0x137: {  	s22 =	simm.s32 $0x80;
	v19 =	vld [tilespmem:s23+$0x0];
	vm8 =	vgt.f32 v18, v20;
	v22 =	vsel vm7, v18, v21;
	v23 =	vsel vm9, v18, v23  }
.LBB2_26:
0x138: {  	p0 =	sne.s32 s22, $0x13840;
	v17 =	vsel vm7, v21, v23;
	v21 =	vsel vm8, v20, v22;
	v20 =	vsel vm8, v18, v20;
	s23 =	smov.u32 s22;
	s22 =	sadd.s32 $0x40, s22  }
.Ltmp12:
0x139: {  	(pc) =	sbr.rel @p0 .LBB2_26-.Ltmp12, $3  }
0x13a: {  	_ =	sdelay $0x1  }
0x13b: {  	s23 =	sshra.s32 s23, $0x2;
	vm7 =	vgt.f32 v19, v21;
	vm9 =	vgt.f32 v19, v17;
	v18 =	vmov v19  }
0x13c: {  	v19 =	vld [tilespmem:s23+$0x0];
	vm8 =	vgt.f32 v18, v20;
	v22 =	vsel vm7, v18, v21;
	v23 =	vsel vm9, v18, v17  }
0x13d: {  	s22 =	simm.s32 $0x0;
	s4 =	rddreg [dreg:$0x11]  }
0x13e: {  	[tilespmem:s22], [sflag:$0x1] =	stream.linear.gather [hbm4b:s4+s22], $0x4E20, $0x38;
	[tilespmem:$0x9CE0] =	vst v63  }
0x13f: {  	_ =	swait.ge [sflag:s9], $0x4E20  }
0x140: {  	[sflag:s9] =	ssyncset.done $0x0  }
0x141: {  	s31 =	simm.s32 $0x0;
	[sflag:s9] =	ssyncadd.s32 $0xFFFFB1E0  }
0x142: {  	v17 =	vld [tilespmem:s31+$0x4E20]  }
0x143: {  	v21 =	vsel vm7, v21, v23;
	v22 =	vsel vm8, v20, v22  }
0x144: {  	v18 =	vsel vm8, v18, v20;
	vm7 =	vgt.f32 v19, v22;
	vm8 =	vgt.f32 v19, v21  }
0x145: {  	vm9 =	vgt.f32 v19, v18;
	v20 =	vsel vm7, v19, v22;
	v21 =	vsel vm8, v19, v21  }
0x146: {  	v20 =	vsel vm9, v18, v20;
	v21 =	vsel vm7, v22, v21  }
0x147: {  	s23 =	simm.s32 $0x10;
	v19 =	vsel vm9, v19, v18;
	vm7 =	vgt.f32 v17, v20;
	vm9 =	vgt.f32 v17, v21  }
0x148: {  	s22 =	simm.s32 $0x80;
	v18 =	vld [tilespmem:s23+$0x4E20];
	vm8 =	vgt.f32 v17, v19;
	v22 =	vsel vm7, v17, v20;
	v23 =	vsel vm9, v17, v21  }
.LBB2_28:
0x149: {  	p0 =	sne.s32 s22, $0x13840;
	v21 =	vsel vm7, v20, v23;
	v20 =	vsel vm8, v19, v22;
	v19 =	vsel vm8, v17, v19;
	s23 =	smov.u32 s22;
	s22 =	sadd.s32 $0x40, s22  }
.Ltmp13:
0x14a: {  	(pc) =	sbr.rel @p0 .LBB2_28-.Ltmp13, $3  }
0x14b: {  	_ =	sdelay $0x1  }
0x14c: {  	s23 =	sshra.s32 s23, $0x2;
	vm7 =	vgt.f32 v18, v20;
	vm9 =	vgt.f32 v18, v21;
	v17 =	vmov v18  }
0x14d: {  	v18 =	vld [tilespmem:s23+$0x4E20];
	vm8 =	vgt.f32 v17, v19;
	v22 =	vsel vm7, v17, v20;
	v23 =	vsel vm9, v17, v21  }
0x14e: {  	s22 =	simm.s32 $0x0  }
0x14f: {  	[tilespmem:s1], [sflag:$0x2] =	stream.linear.gather [hbm4b:s20+s22], $0x4E20, $0x38;
	[tilespmem:$0x9CE0] =	vst v63  }
0x150: {  	_ =	swait.ge [sflag:s8], $0x4E20  }
0x151: {  	[sflag:s8] =	ssyncset.done $0x0  }
0x152: {  	s31 =	simm.s32 $0x0;
	[sflag:s8] =	ssyncadd.s32 $0xFFFFB1E0  }
0x153: {  	v21 =	vld [tilespmem:s31+$0x0]  }
0x154: {  	v20 =	vsel vm7, v20, v23;
	v23 =	vsel vm8, v19, v22  }
0x155: {  	v17 =	vsel vm8, v17, v19;
	vm7 =	vgt.f32 v18, v23;
	vm8 =	vgt.f32 v18, v20  }
0x156: {  	vm9 =	vgt.f32 v18, v17;
	v19 =	vsel vm7, v18, v23;
	v20 =	vsel vm8, v18, v20  }
0x157: {  	v22 =	vsel vm9, v17, v19;
	v20 =	vsel vm7, v23, v20  }
0x158: {  	s23 =	simm.s32 $0x10;
	v18 =	vsel vm9, v18, v17;
	vm8 =	vgt.f32 v21, v22;
	vm9 =	vgt.f32 v21, v20  }
0x159: {  	s22 =	simm.s32 $0x80;
	v23 =	vld [tilespmem:s23+$0x0];
	vm7 =	vgt.f32 v21, v18;
	v19 =	vsel vm8, v21, v22;
	v24 =	vsel vm9, v21, v20  }
.LBB2_30:
0x15a: {  	p0 =	sne.s32 s22, $0x13840;
	v17 =	vsel vm8, v22, v24;
	v22 =	vsel vm7, v18, v19;
	v18 =	vsel vm7, v21, v18;
	s23 =	smov.u32 s22;
	s22 =	sadd.s32 $0x40, s22  }
.Ltmp14:
0x15b: {  	(pc) =	sbr.rel @p0 .LBB2_30-.Ltmp14, $3  }
0x15c: {  	_ =	sdelay $0x1  }
0x15d: {  	s23 =	sshra.s32 s23, $0x2;
	vm8 =	vgt.f32 v23, v22;
	vm9 =	vgt.f32 v23, v17;
	v21 =	vmov v23  }
0x15e: {  	v23 =	vld [tilespmem:s23+$0x0];
	vm7 =	vgt.f32 v21, v18;
	v19 =	vsel vm8, v21, v22;
	v24 =	vsel vm9, v21, v17  }
0x15f: {  	_ =	sdelay $0x2  }
0x160: {  	v20 =	vsel vm7, v21, v18  }
0x161: {  	vm10 =	vgt.f32 v23, v20  }
0x162: {  	v21 =	vsel vm10, v23, v20  }
0x163: {  	(xrf0) =	vmax.scan.msk.f32 $0xffff, v21;
	_ =	sdelay $0x5  }
0x164: {  	v17, _, _ =	vpop (xrf0)  }
0x165: {  	v25 =	vbroadcast v17, $0xF  }
0x166: {  	v26 =	vld [tilespmem:s14+$0x9C40]  }
0x167: {  	v28 =	vsel vm7, v18, v19;
	vm7 =	veq.f32 v21, v25  }
0x168: {  	vm9 =	vgt.f32 v23, v28;
	v18 =	vmctz.xlane vm7  }
0x169: {  	v19 =	vsel vm9, v23, v28  }
0x16a: {  	v20 =	vsel vm10, v20, v19;
	vm7 =	veq.s32 v18, v1  }
0x16b: {  	vm10 =	veq.s32 v0, v1;
	v18 =	vxor.u32 $0x80000000, v26;
	v19 =	vsel vm7, v20, v21  }
0x16c: {  	v18 =	vnsel vm10, $0x80000000, v18;
	(xrf0) =	vmax.scan.msk.f32 $0xffff, v19  }
0x16d: {  	(xrf0) =	vmax.scan.msk.u32 $0xffff, v18;
	_ =	sdelay $0x4  }
0x16e: {  	v18, _, _ =	vpop (xrf0)  }
0x16f: {  	v21, _, _ =	vpop (xrf0)  }
0x170: {  	(v2sf) =	vpush v21, $0xF;
	_ =	sdelay $0xe  }
0x171: {  	s23 =	spop (v2sf)  }
0x172: {  	s22 =	sxor.u32 $0x80000000, s23  }
0x173: {  	p0 =	sgt.s32 s23, $0xFFFFFFFF;
	s23 =	sand.u32 $0xF, s23;
	p1 =	slt.s32 s22, $0x1  }
0x174: {  	s24 =	sshra.s32 s22, $0x1F;
	p6 =	sne.s32 s23, $0x0;
	p0 =	por p0, p1  }
0x175: {  	s28 =	sshrl.u32 s24, $0x1C;
	p0 =	por !p6, !p0  }
0x176: {  	s24 =	simm.s32 $0x1;
	s23 =	sadd.s32 s28, s22;
	p0 =	por !p0, !p0  }
0x177: {  	s23 =	sshrl.u32 s23, $0x4;
	s24 =	simm.s32 @!p0 $0x0  }
0x178: {  	s23 =	ssub.s32 s23, s24  }
0x179: {  	s23 =	sshll.u32 s23, $0x4  }
0x17a: {  	s29 =	sadd.s32 s13, s23  }
0x17b: {  	s24 =	sshrl.u32 s29, $0x3  }
0x17c: {  	s25 =	simm.s32 $0x0;
	s24 =	sadd.s32 s5, s24  }
0x17d: {  	[tilespmem:s10], [sflag:$0x3] =	stream.linear.gather [hbm4b:s24+s25], $0x10, $0x38;
	[tilespmem:$0x9CE0] =	vst v63  }
0x17e: {  	_ =	swait.ge [sflag:s2], $0x10  }
0x17f: {  	[sflag:s2] =	ssyncset.done $0x0  }
0x180: {  	s4 =	rddreg [dreg:$0x12];
	[sflag:s2] =	ssyncadd.s32 $0xFFFFFFF0  }
0x181: {  	v21 =	vld [tilespmem:$0x9CC0];
	[tilespmem:s25], [sflag:$0x1] =	stream.linear.gather [hbm4b:s4+s25], $0x4E20, $0x38  }
0x182: {  	_ =	swait.ge [sflag:s9], $0x4E20  }
0x183: {  	[sflag:s9] =	ssyncset.done $0x0  }
0x184: {  	s30 =	simm.s32 $0x0;
	[sflag:s9] =	ssyncadd.s32 $0xFFFFB1E0  }
0x185: {  	v27 =	vld [tilespmem:s30+$0x4E20]  }
0x186: {  	v22 =	vsel vm8, v22, v24  }
0x187: {  	vm8 =	vgt.f32 v23, v22;
	v24 =	vbroadcast v18, $0xF  }
0x188: {  	v22 =	vsel vm8, v23, v22  }
0x189: {  	v22 =	vsel vm9, v28, v22;
	v25 =	vimm.f32 $-3.000000010e+38;
	vm8 =	veq.f32 v19, v24  }
0x18a: {  	s31 =	simm.s32 $0x10;
	v28 =	vimm.f32 $-3.000000010e+38;
	v23 =	vmctz.xlane vm8;
	vm8 =	vgt.f32 v27, v25  }
0x18b: {  	s24 =	simm.s32 $0x80;
	v26 =	vld [tilespmem:s31+$0x4E20];
	vm9 =	vgt.f32 v27, v25;
	v29 =	vsel vm8, v27, v25;
	v30 =	vsel vm8, v27, v25  }
.LBB2_32:
0x18c: {  	p0 =	sne.s32 s24, $0x13840;
	v24 =	vsel vm8, v28, v30;
	v28 =	vsel vm9, v25, v29;
	v25 =	vsel vm9, v27, v25;
	s25 =	smov.u32 s24;
	s24 =	sadd.s32 $0x40, s24  }
.Ltmp15:
0x18d: {  	(pc) =	sbr.rel @p0 .LBB2_32-.Ltmp15, $3  }
0x18e: {  	_ =	sdelay $0x1  }
0x18f: {  	s25 =	sshra.s32 s25, $0x2;
	vm8 =	vgt.f32 v26, v28;
	vm10 =	vgt.f32 v26, v24;
	v27 =	vmov v26  }
0x190: {  	v26 =	vld [tilespmem:s25+$0x4E20];
	vm9 =	vgt.f32 v27, v25;
	v29 =	vsel vm8, v27, v28;
	v30 =	vsel vm10, v27, v24  }
0x191: {  	s24 =	simm.s32 $0x0;
	s4 =	rddreg [dreg:$0x13]  }
0x192: {  	[tilespmem:s1], [sflag:$0x2] =	stream.linear.gather [hbm4b:s4+s24], $0x4E20, $0x38;
	[tilespmem:$0x9CE0] =	vst v63  }
0x193: {  	_ =	swait.ge [sflag:s8], $0x4E20  }
0x194: {  	[sflag:s8] =	ssyncset.done $0x0  }
0x195: {  	s31 =	simm.s32 $0x0;
	[sflag:s8] =	ssyncadd.s32 $0xFFFFB1E0  }
0x196: {  	v24 =	vld [tilespmem:s31+$0x0]  }
0x197: {  	v28 =	vsel vm8, v28, v30;
	v29 =	vsel vm9, v25, v29  }
0x198: {  	v25 =	vsel vm9, v27, v25;
	vm8 =	vgt.f32 v26, v29;
	vm9 =	vgt.f32 v26, v28  }
0x199: {  	vm10 =	vgt.f32 v26, v25;
	v27 =	vsel vm8, v26, v29;
	v30 =	vsel vm9, v26, v28  }
0x19a: {  	v28 =	vsel vm10, v25, v27;
	v30 =	vsel vm8, v29, v30  }
0x19b: {  	s25 =	simm.s32 $0x10;
	v27 =	vsel vm10, v26, v25;
	vm8 =	vgt.f32 v24, v28;
	vm10 =	vgt.f32 v24, v30  }
0x19c: {  	s24 =	simm.s32 $0x80;
	v26 =	vld [tilespmem:s25+$0x0];
	vm9 =	vgt.f32 v24, v27;
	v29 =	vsel vm8, v24, v28;
	v30 =	vsel vm10, v24, v30  }
.LBB2_34:
0x19d: {  	p0 =	sne.s32 s24, $0x13840;
	v25 =	vsel vm8, v28, v30;
	v28 =	vsel vm9, v27, v29;
	v27 =	vsel vm9, v24, v27;
	s25 =	smov.u32 s24;
	s24 =	sadd.s32 $0x40, s24  }
.Ltmp16:
0x19e: {  	(pc) =	sbr.rel @p0 .LBB2_34-.Ltmp16, $3  }
0x19f: {  	_ =	sdelay $0x1  }
0x1a0: {  	s25 =	sshra.s32 s25, $0x2;
	vm8 =	vgt.f32 v26, v28;
	vm10 =	vgt.f32 v26, v25;
	v24 =	vmov v26  }
0x1a1: {  	v26 =	vld [tilespmem:s25+$0x0];
	vm9 =	vgt.f32 v24, v27;
	v29 =	vsel vm8, v24, v28;
	v30 =	vsel vm10, v24, v25  }
0x1a2: {  	s24 =	simm.s32 $0x0;
	s4 =	rddreg [dreg:$0x14]  }
0x1a3: {  	[tilespmem:s24], [sflag:$0x1] =	stream.linear.gather [hbm4b:s4+s24], $0x4E20, $0x38;
	[tilespmem:$0x9CE0] =	vst v63  }
0x1a4: {  	_ =	swait.ge [sflag:s9], $0x4E20  }
0x1a5: {  	[sflag:s9] =	ssyncset.done $0x0  }
0x1a6: {  	s31 =	simm.s32 $0x0;
	[sflag:s9] =	ssyncadd.s32 $0xFFFFB1E0  }
0x1a7: {  	v25 =	vld [tilespmem:s31+$0x4E20]  }
0x1a8: {  	v28 =	vsel vm8, v28, v30;
	v29 =	vsel vm9, v27, v29  }
0x1a9: {  	v24 =	vsel vm9, v24, v27;
	vm8 =	vgt.f32 v26, v29;
	vm9 =	vgt.f32 v26, v28  }
0x1aa: {  	vm10 =	vgt.f32 v26, v24;
	v27 =	vsel vm8, v26, v29;
	v30 =	vsel vm9, v26, v28  }
0x1ab: {  	v28 =	vsel vm10, v24, v27;
	v27 =	vsel vm8, v29, v30  }
0x1ac: {  	s25 =	simm.s32 $0x10;
	v26 =	vsel vm10, v26, v24;
	vm8 =	vgt.f32 v25, v28;
	vm10 =	vgt.f32 v25, v27  }
0x1ad: {  	s24 =	simm.s32 $0x80;
	v24 =	vld [tilespmem:s25+$0x4E20];
	vm9 =	vgt.f32 v25, v26;
	v29 =	vsel vm8, v25, v28;
	v30 =	vsel vm10, v25, v27  }
.LBB2_36:
0x1ae: {  	p0 =	sne.s32 s24, $0x13840;
	v27 =	vsel vm8, v28, v30;
	v28 =	vsel vm9, v26, v29;
	v26 =	vsel vm9, v25, v26;
	s25 =	smov.u32 s24;
	s24 =	sadd.s32 $0x40, s24  }
.Ltmp17:
0x1af: {  	(pc) =	sbr.rel @p0 .LBB2_36-.Ltmp17, $3  }
0x1b0: {  	_ =	sdelay $0x1  }
0x1b1: {  	s25 =	sshra.s32 s25, $0x2;
	vm8 =	vgt.f32 v24, v28;
	vm10 =	vgt.f32 v24, v27;
	v25 =	vmov v24  }
0x1b2: {  	v24 =	vld [tilespmem:s25+$0x4E20];
	vm9 =	vgt.f32 v25, v26;
	v29 =	vsel vm8, v25, v28;
	v30 =	vsel vm10, v25, v27  }
0x1b3: {  	s24 =	simm.s32 $0x0  }
0x1b4: {  	[tilespmem:s1], [sflag:$0x2] =	stream.linear.gather [hbm4b:s0+s24], $0x4E20, $0x38;
	[tilespmem:$0x9CE0] =	vst v63  }
0x1b5: {  	_ =	swait.ge [sflag:s8], $0x4E20  }
0x1b6: {  	[sflag:s8] =	ssyncset.done $0x0  }
0x1b7: {  	s31 =	simm.s32 $0x0;
	[sflag:s8] =	ssyncadd.s32 $0xFFFFB1E0  }
0x1b8: {  	v27 =	vld [tilespmem:s31+$0x0]  }
0x1b9: {  	v28 =	vsel vm8, v28, v30;
	v29 =	vsel vm9, v26, v29  }
0x1ba: {  	v25 =	vsel vm9, v25, v26;
	vm8 =	vgt.f32 v24, v29;
	vm9 =	vgt.f32 v24, v28  }
0x1bb: {  	vm10 =	vgt.f32 v24, v25;
	v26 =	vsel vm8, v24, v29;
	v28 =	vsel vm9, v24, v28  }
0x1bc: {  	v26 =	vsel vm10, v25, v26;
	v28 =	vsel vm8, v29, v28  }
0x1bd: {  	s25 =	simm.s32 $0x10;
	v24 =	vsel vm10, v24, v25;
	vm8 =	vgt.f32 v27, v26;
	vm10 =	vgt.f32 v27, v28  }
0x1be: {  	s24 =	simm.s32 $0x80;
	v25 =	vld [tilespmem:s25+$0x0];
	vm9 =	vgt.f32 v27, v24;
	v29 =	vsel vm8, v27, v26;
	v30 =	vsel vm10, v27, v28  }
.LBB2_38:
0x1bf: {  	p0 =	sne.s32 s24, $0x13840;
	v28 =	vsel vm8, v26, v30;
	v26 =	vsel vm9, v24, v29;
	v24 =	vsel vm9, v27, v24;
	s25 =	smov.u32 s24;
	s24 =	sadd.s32 $0x40, s24  }
.Ltmp18:
0x1c0: {  	(pc) =	sbr.rel @p0 .LBB2_38-.Ltmp18, $3  }
0x1c1: {  	_ =	sdelay $0x1  }
0x1c2: {  	s25 =	sshra.s32 s25, $0x2;
	vm8 =	vgt.f32 v25, v26;
	vm10 =	vgt.f32 v25, v28;
	v27 =	vmov v25  }
0x1c3: {  	v25 =	vld [tilespmem:s25+$0x0];
	vm9 =	vgt.f32 v27, v24;
	v29 =	vsel vm8, v27, v26;
	v30 =	vsel vm10, v27, v28  }
0x1c4: {  	_ =	swait.ge [sflag:s9], $0x4E20  }
0x1c5: {  	[sflag:s9] =	ssyncset.done $0x0  }
0x1c6: {  	s24 =	simm.s32 $0x0;
	[sflag:s9] =	ssyncadd.s32 $0xFFFFB1E0  }
0x1c7: {  	v28 =	vld [tilespmem:s24+$0x4E20]  }
0x1c8: {  	v26 =	vsel vm8, v26, v30;
	v29 =	vsel vm9, v24, v29  }
0x1c9: {  	v27 =	vsel vm9, v27, v24;
	vm8 =	vgt.f32 v25, v29;
	vm9 =	vgt.f32 v25, v26  }
0x1ca: {  	vm10 =	vgt.f32 v25, v27;
	v24 =	vsel vm8, v25, v29;
	v26 =	vsel vm9, v25, v26  }
0x1cb: {  	v24 =	vsel vm10, v27, v24;
	v30 =	vsel vm8, v29, v26  }
0x1cc: {  	s25 =	simm.s32 $0x10;
	v26 =	vsel vm10, v25, v27;
	vm8 =	vgt.f32 v28, v24;
	vm10 =	vgt.f32 v28, v30  }
0x1cd: {  	s24 =	simm.s32 $0x80;
	v25 =	vld [tilespmem:s25+$0x4E20];
	vm9 =	vgt.f32 v28, v26;
	v29 =	vsel vm8, v28, v24;
	v27 =	vsel vm10, v28, v30  }
.LBB2_40:
0x1ce: {  	p0 =	sne.s32 s24, $0x13840;
	v27 =	vsel vm8, v24, v27;
	v24 =	vsel vm9, v26, v29;
	v26 =	vsel vm9, v28, v26;
	s25 =	smov.u32 s24;
	s24 =	sadd.s32 $0x40, s24  }
.Ltmp19:
0x1cf: {  	(pc) =	sbr.rel @p0 .LBB2_40-.Ltmp19, $3  }
0x1d0: {  	_ =	sdelay $0x1  }
0x1d1: {  	s25 =	sshra.s32 s25, $0x2;
	vm8 =	vgt.f32 v25, v24;
	vm10 =	vgt.f32 v25, v27;
	v28 =	vmov v25  }
0x1d2: {  	v25 =	vld [tilespmem:s25+$0x4E20];
	vm9 =	vgt.f32 v28, v26;
	v29 =	vsel vm8, v28, v24;
	v27 =	vsel vm10, v28, v27  }
0x1d3: {  	s16 =	ssub.s32 s16, s17  }
0x1d4: {  	v6 =	vsel vm5, v8, v6;
	vm5 =	veq.s32 v9, v1;
	v30 =	vmov s16  }
0x1d5: {  	s28 =	ssub.s32 s18, s21;
	v34 =	vsel vm6, v15, v13;
	v5 =	vsel vm5, v6, v5;
	vm10 =	veq.s32 v30, v1  }
0x1d6: {  	v33 =	vmov s28;
	vm5 =	veq.s32 v16, v1;
	(xrf0) =	vmax.scan.msk.f32 $0xffff, v5;
	v32 =	vnsel vm10, $0xFF61B1E6, v7  }
0x1d7: {  	s29 =	ssub.s32 s22, s23;
	v36 =	vsel vm7, v22, v20;
	vm6 =	veq.s32 v33, v1;
	v5 =	vsel vm5, v34, v12;
	(xrf0) =	vmax.scan.msk.f32 $0xffff, v32  }
0x1d8: {  	v37 =	vmov s29;
	vm5 =	veq.s32 v23, v1;
	v35 =	vnsel vm6, $0xFF61B1E6, v14;
	(xrf0) =	vmax.scan.msk.f32 $0xffff, v5  }
0x1d9: {  	v38 =	vsel vm9, v28, v26;
	v5 =	vsel vm5, v36, v19;
	vm5 =	veq.s32 v37, v1;
	(xrf0) =	vmax.scan.msk.f32 $0xffff, v35  }
0x1da: {  	vm6 =	vgt.f32 v25, v38;
	v39 =	vnsel vm5, $0xFF61B1E6, v21;
	(xrf0) =	vmax.scan.msk.f32 $0xffff, v5  }
0x1db: {  	v40 =	vsel vm6, v25, v38;
	(xrf0) =	vmax.scan.msk.f32 $0xffff, v39  }
0x1dc: {  	v41, _, _ =	vpop (xrf0);
	(xrf0) =	vmax.scan.msk.f32 $0xffff, v40  }
0x1dd: {  	v42, _, _ =	vpop (xrf0)  }
0x1de: {  	v43, _, _ =	vpop (xrf0)  }
0x1df: {  	v44, _, _ =	vpop (xrf0)  }
0x1e0: {  	v45, _, _ =	vpop (xrf0)  }
0x1e1: {  	v46, _, _ =	vpop (xrf0)  }
0x1e2: {  	v47, _, _ =	vpop (xrf0)  }
0x1e3: {  	v48 =	vbroadcast v47, $0xF  }
0x1e4: {  	v49 =	vsel vm9, v26, v29;
	v51 =	vld [tilespmem:s14+$0x9C40]  }
0x1e5: {  	vm7 =	vgt.f32 v25, v49;
	vm5 =	veq.f32 v40, v48  }
0x1e6: {  	v50 =	vsel vm7, v25, v49;
	(v2sf) =	vpush v41, $0xF;
	v16 =	vmctz.xlane vm5  }
0x1e7: {  	v8 =	vsel vm6, v38, v50;
	(v2sf) =	vpush v4, $0xF  }
0x1e8: {  	vm6 =	veq.s32 v2, v1;
	(v2sf) =	vpush v3, $0xF;
	vm5 =	veq.s32 v16, v1  }
0x1e9: {  	v3 =	vxor.u32 $0x80000000, v51;
	(v2sf) =	vpush v42, $0xF;
	v52 =	vsel vm5, v8, v40  }
0x1ea: {  	v3 =	vnsel vm6, $0x80000000, v3;
	(v2sf) =	vpush v43, $0xF;
	(xrf0) =	vmax.scan.msk.f32 $0xffff, v52  }
0x1eb: {  	(v2sf) =	vpush v11, $0xF;
	(xrf0) =	vmax.scan.msk.u32 $0xffff, v3  }
0x1ec: {  	(v2sf) =	vpush v10, $0xF  }
0x1ed: {  	(v2sf) =	vpush v44, $0xF  }
0x1ee: {  	(v2sf) =	vpush v45, $0xF  }
0x1ef: {  	(v2sf) =	vpush v18, $0xF  }
0x1f0: {  	(v2sf) =	vpush v17, $0xF;
	v3, _, _ =	vpop (xrf0)  }
0x1f1: {  	(v2sf) =	vpush v46, $0xF;
	v53 =	vbroadcast v3, $0xF;
	v57, _, _ =	vpop (xrf0)  }
0x1f2: {  	v54 =	vsel vm8, v24, v27;
	(v2sf) =	vpush v57, $0xF  }
0x1f3: {  	vm6 =	vgt.f32 v25, v54;
	vm15 =	veq.f32 v52, v53  }
0x1f4: {  	v55 =	vsel vm6, v25, v54;
	v56 =	vmctz.xlane vm15  }
0x1f5: {  	v4 =	vsel vm7, v49, v55;
	s30 =	spop (v2sf)  }
0x1f6: {  	v4 =	vsel vm5, v4, v8;
	s18 =	spop (v2sf);
	vm6 =	veq.s32 v56, v1  }
0x1f7: {  	s21 =	spop (v2sf);
	v4 =	vsel vm6, v4, v52  }
0x1f8: {  	s22 =	spop (v2sf);
	(xrf0) =	vmax.scan.msk.f32 $0xffff, v4  }
0x1f9: {  	s25 =	spop (v2sf)  }
0x1fa: {  	s17 =	spop (v2sf)  }
0x1fb: {  	s16 =	spop (v2sf)  }
0x1fc: {  	s26 =	ssub.f32 s21, s30;
	s23 =	spop (v2sf)  }
0x1fd: {  	s28 =	spop (v2sf)  }
0x1fe: {  	s4 =	sadd.f32 $9.999999960e-13, s26;
	s24 =	spop (v2sf);
	v4, _, _ =	vpop (xrf0)  }
0x1ff: {  	s29 =	ssub.f32 s16, s25;
	s25 =	spop (v2sf);
	(v2sf) =	vpush v4, $0xF  }
0x200: {  	s26 =	spop (v2sf);
	s28 =	ssub.f32 s25, s28;
	(v2sf) =	vpush v3, $0xF  }
0x201: {  	s29 =	sadd.f32 $9.999999960e-13, s29;
	(v2sf) =	vpush v47, $0xF;
	s30 =	spop (v2sf)  }
0x202: {  	v3 =	vmov s4;
	s4 =	sadd.f32 $9.999999960e-13, s28;
	s28 =	sxor.u32 $0x80000000, s30  }
0x203: {  	p0 =	sgt.s32 s30, $0xFFFFFFFF;
	s31 =	sand.u32 $0xF, s30;
	p1 =	slt.s32 s28, $0x1  }
0x204: {  	(erf) = vrcp.f32 v3;
	v3 =	vmov s29;
	s30 =	sshra.s32 s28, $0x1F;
	p6 =	sne.s32 s31, $0x0;
	p0 =	por p0, p1  }
0x205: {  	(erf) = vrcp.f32 v3;
	v3 =	vmov s4;
	s4 =	sshrl.u32 s30, $0x1C;
	p0 =	por !p6, !p0  }
0x206: {  	s29 =	simm.s32 $0x1;
	s4 =	sadd.s32 s4, s28;
	p0 =	por !p0, !p0  }
0x207: {  	(erf) = vrcp.f32 v3;
	s4 =	sshrl.u32 s4, $0x4;
	s29 =	simm.s32 @!p0 $0x0  }
0x208: {  	s4 =	ssub.s32 s4, s29  }
0x209: {  	s4 =	sshll.u32 s4, $0x4  }
0x20a: {  	s31 =	sadd.s32 s15, s4  }
0x20b: {  	s29 =	sshrl.u32 s31, $0x3  }
0x20c: {  	s29 =	sadd.s32 s5, s29  }
0x20d: {  	[tilespmem:s10], [sflag:$0x3] =	stream.linear.gather [hbm4b:s29+s3], $0x10, $0x38;
	[tilespmem:$0x9CE0] =	vst v63  }
0x20e: {  	v3 =	vpop (erf);
	s30 =	spop (v2sf)  }
0x20f: {  	v58 =	vpop (erf);
	s31 =	spop (v2sf)  }
0x210: {  	v59 =	vpop (erf);
	s29 =	spop (v2sf)  }
0x211: {  	_ =	swait.ge [sflag:s2], $0x10  }
0x212: {  	[sflag:s2] =	ssyncset.done $0x0  }
0x213: {  	[sflag:s2] =	ssyncadd.s32 $0xFFFFFFF0  }
0x214: {  	v60 =	vld [tilespmem:$0x9CC0];
	_ =	sdelay $0x1  }
0x215: {  	s4 =	ssub.s32 s28, s4  }
0x216: {  	v61 =	vmov s4  }
0x217: {  	vm5 =	veq.s32 v61, v1  }
0x218: {  	v6 =	vnsel vm5, $0xFF61B1E6, v60  }
0x219: {  	(xrf0) =	vmax.scan.msk.f32 $0xffff, v6;
	_ =	sdelay $0x5  }
0x21a: {  	v6, _, _ =	vpop (xrf0)  }
0x21b: {  	(v2sf) =	vpush v6, $0xF;
	_ =	sdelay $0x5  }
0x21c: {  	s30 =	ssub.f32 s29, s30;
	_ =	sdelay $0x1  }
0x21d: {  	s4 =	sadd.f32 $9.999999960e-13, s30;
	_ =	sdelay $0x1  }
0x21e: {  	v62 =	vmov s4  }
0x21f: {  	(erf) = vrcp.f32 v62  }
0x220: {  	p0 =	seq.f32 s22, s21;
	_ =	sdelay $0x1  }
0x221: {  	p1 =	seq.f32 s26, s25;
	s21 =	smov.u32 @p0 s18;
	p0 =	seq.f32 s23, s16  }
0x222: {  	s21 =	ssub.f32 s21, s22;
	s22 =	spop (v2sf)  }
0x223: {  	s16 =	smov.u32 @p0 s17;
	p0 =	seq.f32 s22, s29  }
0x224: {  	s25 =	smov.u32 @p1 s24;
	s16 =	ssub.f32 s16, s23  }
0x225: {  	s26 =	ssub.f32 s25, s26;
	v3 =	vmul.f32 s21, v3;
	s29 =	smov.u32 @p0 s31  }
0x226: {  	v4 =	vmul.f32 s16, v58;
	vm5 =	vmmov $0x1;
	s28 =	ssub.f32 s29, s22  }
0x227: {  	v5 =	vmul.f32 s26, v59;
	v3 =	vnsel vm5, $0x0, v3;
	v6 =	vpop (erf)  }
0x228: {  	v3 =	vsel vm2, v3, v4;
	v63 =	vmul.f32 s28, v6  }
0x229: {  	v3 =	vsel vm3, v3, v5  }
0x22a: {  	v3 =	vsel vm4, v3, v63  }
0x22b: {  	s30 =	simm.s32 $0x9CD0;
	s29 =	rddreg [dreg:$0xa];
	[tilespmem:$0x9CD0] =	vst v3  }
0x22c: {  	[hbm4b:s29+s3] =	stream.linear.scatter [tilespmem:s30], [sflag:$0x3], $0x10, $0x38;
	[tilespmem:$0x9CE0] =	vst v63  }
0x22d: {  	_ =	swait.ge [sflag:s2], $0x10  }
0x22e: {  	s11 =	sadd.s32 $0x1, s11;
	s31 =	rddreg [dreg:$0xb]  }
0x22f: {  	p0 =	sne.s32 s11, s31  }
.Ltmp20:
0x230: {  	_ = 	snop;
	(pc) =	sbr.rel @p0 .LBB2_1-.Ltmp20, $3  }
0x231: {  	_ =	sdelay $0x1  }
0x232: {  	[sflag:s2] =	ssyncset.done $0x0  }
0x233: {  	[sflag:s2] =	ssyncadd.s32 $0xFFFFFFF0  }
0x234: {  	_ =	sfence.sel $0x180000  }
0x235: {  	[bflag:$0x0] =	sbarrier.arrive $0xFFFF  }
0x236: {  	_ =	strace $0x90000047  }
0x237: {  	s0 =	stileid.u32;
	[bflag:$0x2] =	sbarrier.arrive $0xFFFF  }
0x238: {  	p0 =	sne.s32 s0, $0x0;
	s0 =	rddreg [dreg:$0x2]  }
0x239: {  	s0 =	sadd.s32 @!p0 $0x100000, s0  }
0x23a: {  	[sflag:s0] =	ssyncadd.tile.s32 @!p0 $0x1;
	_ =	shalt  }
.Lfunc_end2:
_tile_overlayer_lowered:
.L_overlay_start_2:
0x23b: {  	(tag) =	ssettag $0x2  }
0x23c: {  	s0 =	rddreg [dreg:$0x0];
	s2 =	stileid.u32  }
0x23d: {  	s1 =	rddreg [dreg:$0x1];
	p0 =	sne.s32 s2, $0x0  }
0x23e: {  	s3 =	rddreg [dreg:$0x2];
	[bflag:$0x3] =	sbarrier.arrive $0xFFFF;
	s2 =	simm.s32 @!p0 $0x1C03  }
0x23f: {  	[timem:s3], [sflag:s2] =	dma.local @!p0 [hbm:s0], s1  }
0x240: {  	s0 =	simm.s32 @!p0 $0x3  }
0x241: {  	_ =	swait.ge @!p0 [sflag:s0], s1  }
0x242: {  	s1 =	ssub.s32 @!p0 $0x0, s1;
	[sflag:s0] =	ssyncset.done @!p0 $0x0  }
0x243: {  	[sflag:s0] =	ssyncadd.s32 @!p0 s1  }
0x244: {  	[bflag:$0x3] =	sbarrier.arrive $0xFFFF  }
0x245: {  	_ =	shalt  }

</sc_bundles>
